<compile_context>
chip_gen: v7x
topology: tpu7x:2x2x1
jax: 0.10.2.dev20260603
libtpu: 0.0.44.dev20260713+nightly
codegen_flags: <defaults>
</compile_context>

<pallas_src>
import jax
import jax.numpy as jnp
from jax import lax
from jax.experimental import pallas as pl
from jax.experimental.pallas import tpu as pltpu
from jax.experimental.pallas import tpu_sc as plsc

_NC, _NS, _L = 2, 16, 16
_NW = _NC * _NS
_B = 16384
_BPW = _B // _NW
_D = 32
_C = 128
_NCHUNK = _BPW // _C
_GLOBAL_MEAN = 3.5

_QB = 2048
_ROWS = _QB * 128


def _tr_body(a, b, c, d, out_ref):
    out_ref[...] = jnp.concatenate(
        [a[...].T, b[...].T, c[...].T, d[...].T], axis=1)


def _to_group_rows(table):
    tt = jnp.swapaxes(table, 0, 1)
    specs = [
        pl.BlockSpec((32, 128), (lambda j: (lambda g: (0, j * _QB + g)))(j))
        for j in range(4)
    ]
    return pl.pallas_call(
        _tr_body,
        grid=(_QB,),
        in_specs=specs,
        out_specs=pl.BlockSpec((128, 128), lambda g: (g, 0)),
        out_shape=jax.ShapeDtypeStruct((_ROWS, 128), jnp.float32),
    )(tt, tt, tt, tt)


def _body(in_hbm, ut_hbm, it_hbm, ub_hbm, ib_hbm, out_hbm,
          uidx, iidx, ugrp, igrp, urows, irows, ubias, ibias, acc, sem):
    wid = lax.axis_index("s") * _NC + lax.axis_index("c")
    base = wid * _BPW

    pltpu.sync_copy(in_hbm.at[0].at[pl.ds(base, _BPW)], uidx)
    pltpu.sync_copy(in_hbm.at[1].at[pl.ds(base, _BPW)], iidx)

    @pl.loop(0, _BPW // _L)
    def _g(b):
        sl = pl.ds(b * _L, _L)
        ugrp[sl] = jnp.bitwise_and(uidx[sl], _ROWS - 1)
        igrp[sl] = jnp.bitwise_and(iidx[sl], _ROWS - 1)

    for q in range(_NCHUNK):
        sl = pl.ds(q * _C, _C)
        copies = [
            pltpu.async_copy(ut_hbm.at[ugrp.at[sl]], urows, sem),
            pltpu.async_copy(it_hbm.at[igrp.at[sl]], irows, sem),
            pltpu.async_copy(ub_hbm.at[0].at[uidx.at[sl]], ubias, sem),
            pltpu.async_copy(ib_hbm.at[0].at[iidx.at[sl]], ibias, sem),
        ]
        for c in copies:
            c.wait()

        @pl.loop(0, _C // _L)
        def _blk(b):
            csl = pl.ds(b * _L, _L)
            gsl = pl.ds(q * _C + b * _L, _L)
            rows = lax.iota(jnp.int32, _L) + b * _L
            uoff = jnp.left_shift(jnp.right_shift(uidx[gsl], 18), 5)
            ioff = jnp.left_shift(jnp.right_shift(iidx[gsl], 18), 5)
            accv = ubias[csl] + ibias[csl] + _GLOBAL_MEAN
            for d in range(_D):
                u = plsc.load_gather(urows, [rows, uoff + d])
                v = plsc.load_gather(irows, [rows, ioff + d])
                accv = accv + u * v
            acc[gsl] = accv

    pltpu.sync_copy(acc, out_hbm.at[pl.ds(base, _BPW)])


def kernel(inputs, user_table, item_table, user_bias_table, item_bias_table):
    inputs_t = inputs.T.astype(jnp.int32)
    ut_g = _to_group_rows(user_table)
    it_g = _to_group_rows(item_table)
    mesh = plsc.VectorSubcoreMesh(core_axis_name="c", subcore_axis_name="s")
    run = pl.kernel(
        _body,
        out_type=jax.ShapeDtypeStruct((_B,), jnp.float32),
        mesh=mesh,
        scratch_types=[
            pltpu.VMEM((_BPW,), jnp.int32),
            pltpu.VMEM((_BPW,), jnp.int32),
            pltpu.VMEM((_BPW,), jnp.int32),
            pltpu.VMEM((_BPW,), jnp.int32),
            pltpu.VMEM((_C, 128), jnp.float32),
            pltpu.VMEM((_C, 128), jnp.float32),
            pltpu.VMEM((_C,), jnp.float32),
            pltpu.VMEM((_C,), jnp.float32),
            pltpu.VMEM((_BPW,), jnp.float32),
            pltpu.SemaphoreType.DMA,
        ],
        compiler_params=pltpu.CompilerParams(needs_layout_passes=False),
    )
    out = run(inputs_t, ut_g, it_g, user_bias_table.T, item_bias_table.T)
    return out.reshape(_B, 1)

# --- scband reference (transcript-rebuilt; emitter-appended) ---
"""Pipeline reference for scband-svd-19971597926416 (READ-ONLY COPY).

The authoritative reference and input builder live on the scoring server;
editing this copy changes nothing except your own understanding.
"""

import jax, jax.numpy as jnp
import numpy as np

N_USERS = 1000000
N_ITEMS = 1000000
EMBED_DIM = 32
GLOBAL_MEAN = jnp.float32(3.5)


def setup_inputs(seed: int = 0) -> dict:
    key = jax.random.key(seed)
    k_idx, k_ue, k_ie = jax.random.split(key, 3)
    inputs = jax.random.randint(k_idx, (16384, 2), 0, N_USERS, dtype=jnp.int64) if jax.config.jax_enable_x64 else jax.random.randint(k_idx, (16384, 2), 0, N_USERS, dtype=jnp.int32)
    user_table = jax.random.normal(k_ue, (N_USERS, EMBED_DIM), dtype=jnp.float32) * 0.1
    item_table = jax.random.normal(k_ie, (N_ITEMS, EMBED_DIM), dtype=jnp.float32) * 0.1
    user_bias_table = jnp.zeros((N_USERS, 1), dtype=jnp.float32)
    item_bias_table = jnp.zeros((N_ITEMS, 1), dtype=jnp.float32)
    return {
        "inputs": inputs,
        "user_table": user_table,
        "item_table": item_table,
        "user_bias_table": user_bias_table,
        "item_bias_table": item_bias_table,
    }


def reference(inputs, user_table, item_table, user_bias_table, item_bias_table):
    user = inputs[:, 0]
    item = inputs[:, 1]
    user_embed = jnp.take(user_table, user, axis=0)
    item_embed = jnp.take(item_table, item, axis=0)
    rating = jnp.sum(user_embed * item_embed, axis=1, keepdims=True)
    user_bias = jnp.take(user_bias_table, user, axis=0)
    item_bias = jnp.take(item_bias_table, item, axis=0)
    total_bias = GLOBAL_MEAN + (user_bias + item_bias)
    rating = rating + total_bias
    return rating

if __name__ == "__main__":
    import jax
    _d = setup_inputs()
    print(jax.jit(kernel)(*tuple(_d.values())))

</pallas_src>

<mosaic_0001>
#map = affine_map<(d0, d1) -> (0, 0)>
#map1 = affine_map<(d0, d1) -> (0)>
module attributes {stable_mosaic.version = 14 : i64} {
  func.func @_body(%arg0: i32, %arg1: i32, %arg2: memref<2x16384xi32, #tpu.memory_space<hbm>>, %arg3: memref<262144x128xf32, #tpu.memory_space<hbm>>, %arg4: memref<262144x128xf32, #tpu.memory_space<hbm>>, %arg5: memref<1x1000000xf32, #tpu.memory_space<hbm>>, %arg6: memref<1x1000000xf32, #tpu.memory_space<hbm>>, %arg7: memref<16384xf32, #tpu.memory_space<hbm>>, %arg8: memref<512xi32, #tpu.memory_space<vmem>>, %arg9: memref<512xi32, #tpu.memory_space<vmem>>, %arg10: memref<512xi32, #tpu.memory_space<vmem>>, %arg11: memref<512xi32, #tpu.memory_space<vmem>>, %arg12: memref<128x128xf32, #tpu.memory_space<vmem>>, %arg13: memref<128x128xf32, #tpu.memory_space<vmem>>, %arg14: memref<128xf32, #tpu.memory_space<vmem>>, %arg15: memref<128xf32, #tpu.memory_space<vmem>>, %arg16: memref<512xf32, #tpu.memory_space<vmem>>, %arg17: memref<!tpu.dma_semaphore, #tpu.memory_space<semaphore_mem>>) attributes {dimension_semantics = [#tpu.dimension_semantics<core_parallel>, #tpu.dimension_semantics<subcore_parallel>], iteration_bounds = array<i64: 2, 16>, scalar_prefetch = 0 : i64, scratch_operands = 10 : i64, tpu.core_type = #tpu.core_type<sc_vector_subcore>, window_params = [{transform_indices = #map}, {transform_indices = #map}, {transform_indices = #map}, {transform_indices = #map}, {transform_indices = #map}, {transform_indices = #map1}]} {
    %mul3A = arith.constant 2 : i32
    %mul3A_0 = arith.muli %arg1, %mul3A : i32
    %add3A = arith.addi %mul3A_0, %arg0 : i32
    %mul3A_1 = arith.constant 512 : i32
    %mul3A_2 = arith.muli %add3A, %mul3A_1 : i32
    %run_scoped3A = arith.constant 0 : i32
    "tpu.region"() ({
      %run_scoped3A_234 = tpu.sem_alloc : memref<!tpu.dma_semaphore, #tpu.memory_space<semaphore_mem>>
      %dma_start3A_235 = arith.constant 0 : i32
      %dma_start3A_236 = tpu.memref_slice %arg2[%run_scoped3A, %dma_start3A_235] : memref<2x16384xi32, #tpu.memory_space<hbm>> -> memref<1x16384xi32, #tpu.memory_space<hbm>>
      %dma_start3A_237 = tpu.memref_squeeze %dma_start3A_236 : memref<1x16384xi32, #tpu.memory_space<hbm>> -> memref<16384xi32, #tpu.memory_space<hbm>>
      %dma_start3A_238 = tpu.memref_slice %dma_start3A_237[%mul3A_2] : memref<16384xi32, #tpu.memory_space<hbm>> -> memref<512xi32, #tpu.memory_space<hbm>>
      %dma_start3A_239 = arith.constant 0 : i32
      %dma_start3A_240 = tpu.memref_slice %arg2[%run_scoped3A, %dma_start3A_239] : memref<2x16384xi32, #tpu.memory_space<hbm>> -> memref<1x16384xi32, #tpu.memory_space<hbm>>
      %dma_start3A_241 = tpu.memref_squeeze %dma_start3A_240 : memref<1x16384xi32, #tpu.memory_space<hbm>> -> memref<16384xi32, #tpu.memory_space<hbm>>
      %dma_start3A_242 = tpu.memref_slice %dma_start3A_241[%mul3A_2] : memref<16384xi32, #tpu.memory_space<hbm>> -> memref<512xi32, #tpu.memory_space<hbm>>
      tpu.enqueue_dma source(%dma_start3A_242 : memref<512xi32, #tpu.memory_space<hbm>>) target(%arg8 : memref<512xi32, #tpu.memory_space<vmem>>) target_semaphore(%run_scoped3A_234 : memref<!tpu.dma_semaphore, #tpu.memory_space<semaphore_mem>>)
      %dma_wait3A_243 = arith.constant 0 : i32
      %dma_wait3A_244 = tpu.memref_slice %arg2[%run_scoped3A, %dma_wait3A_243] : memref<2x16384xi32, #tpu.memory_space<hbm>> -> memref<1x16384xi32, #tpu.memory_space<hbm>>
      %dma_wait3A_245 = tpu.memref_squeeze %dma_wait3A_244 : memref<1x16384xi32, #tpu.memory_space<hbm>> -> memref<16384xi32, #tpu.memory_space<hbm>>
      %dma_wait3A_246 = tpu.memref_slice %dma_wait3A_245[%mul3A_2] : memref<16384xi32, #tpu.memory_space<hbm>> -> memref<512xi32, #tpu.memory_space<hbm>>
      %dma_wait3A_247 = arith.constant 0 : i32
      %dma_wait3A_248 = tpu.memref_slice %arg2[%run_scoped3A, %dma_wait3A_247] : memref<2x16384xi32, #tpu.memory_space<hbm>> -> memref<1x16384xi32, #tpu.memory_space<hbm>>
      %dma_wait3A_249 = tpu.memref_squeeze %dma_wait3A_248 : memref<1x16384xi32, #tpu.memory_space<hbm>> -> memref<16384xi32, #tpu.memory_space<hbm>>
      %dma_wait3A_250 = tpu.memref_slice %dma_wait3A_249[%mul3A_2] : memref<16384xi32, #tpu.memory_space<hbm>> -> memref<512xi32, #tpu.memory_space<hbm>>
      tpu.wait_dma2 semaphore(%run_scoped3A_234 : memref<!tpu.dma_semaphore, #tpu.memory_space<semaphore_mem>>) src(%dma_wait3A_250 : memref<512xi32, #tpu.memory_space<hbm>>) dst(%arg8 : memref<512xi32, #tpu.memory_space<vmem>>)
      tpu.yield
    }) : () -> ()
    %run_scoped3A_3 = arith.constant 1 : i32
    "tpu.region"() ({
      %run_scoped3A_234 = tpu.sem_alloc : memref<!tpu.dma_semaphore, #tpu.memory_space<semaphore_mem>>
      %dma_start3A_235 = arith.constant 0 : i32
      %dma_start3A_236 = tpu.memref_slice %arg2[%run_scoped3A_3, %dma_start3A_235] : memref<2x16384xi32, #tpu.memory_space<hbm>> -> memref<1x16384xi32, #tpu.memory_space<hbm>>
      %dma_start3A_237 = tpu.memref_squeeze %dma_start3A_236 : memref<1x16384xi32, #tpu.memory_space<hbm>> -> memref<16384xi32, #tpu.memory_space<hbm>>
      %dma_start3A_238 = tpu.memref_slice %dma_start3A_237[%mul3A_2] : memref<16384xi32, #tpu.memory_space<hbm>> -> memref<512xi32, #tpu.memory_space<hbm>>
      %dma_start3A_239 = arith.constant 0 : i32
      %dma_start3A_240 = tpu.memref_slice %arg2[%run_scoped3A_3, %dma_start3A_239] : memref<2x16384xi32, #tpu.memory_space<hbm>> -> memref<1x16384xi32, #tpu.memory_space<hbm>>
      %dma_start3A_241 = tpu.memref_squeeze %dma_start3A_240 : memref<1x16384xi32, #tpu.memory_space<hbm>> -> memref<16384xi32, #tpu.memory_space<hbm>>
      %dma_start3A_242 = tpu.memref_slice %dma_start3A_241[%mul3A_2] : memref<16384xi32, #tpu.memory_space<hbm>> -> memref<512xi32, #tpu.memory_space<hbm>>
      tpu.enqueue_dma source(%dma_start3A_242 : memref<512xi32, #tpu.memory_space<hbm>>) target(%arg9 : memref<512xi32, #tpu.memory_space<vmem>>) target_semaphore(%run_scoped3A_234 : memref<!tpu.dma_semaphore, #tpu.memory_space<semaphore_mem>>)
      %dma_wait3A_243 = arith.constant 0 : i32
      %dma_wait3A_244 = tpu.memref_slice %arg2[%run_scoped3A_3, %dma_wait3A_243] : memref<2x16384xi32, #tpu.memory_space<hbm>> -> memref<1x16384xi32, #tpu.memory_space<hbm>>
      %dma_wait3A_245 = tpu.memref_squeeze %dma_wait3A_244 : memref<1x16384xi32, #tpu.memory_space<hbm>> -> memref<16384xi32, #tpu.memory_space<hbm>>
      %dma_wait3A_246 = tpu.memref_slice %dma_wait3A_245[%mul3A_2] : memref<16384xi32, #tpu.memory_space<hbm>> -> memref<512xi32, #tpu.memory_space<hbm>>
      %dma_wait3A_247 = arith.constant 0 : i32
      %dma_wait3A_248 = tpu.memref_slice %arg2[%run_scoped3A_3, %dma_wait3A_247] : memref<2x16384xi32, #tpu.memory_space<hbm>> -> memref<1x16384xi32, #tpu.memory_space<hbm>>
      %dma_wait3A_249 = tpu.memref_squeeze %dma_wait3A_248 : memref<1x16384xi32, #tpu.memory_space<hbm>> -> memref<16384xi32, #tpu.memory_space<hbm>>
      %dma_wait3A_250 = tpu.memref_slice %dma_wait3A_249[%mul3A_2] : memref<16384xi32, #tpu.memory_space<hbm>> -> memref<512xi32, #tpu.memory_space<hbm>>
      tpu.wait_dma2 semaphore(%run_scoped3A_234 : memref<!tpu.dma_semaphore, #tpu.memory_space<semaphore_mem>>) src(%dma_wait3A_250 : memref<512xi32, #tpu.memory_space<hbm>>) dst(%arg9 : memref<512xi32, #tpu.memory_space<vmem>>)
      tpu.yield
    }) : () -> ()
    %scan3A = arith.constant 0 : i32
    %scan3A_4 = arith.constant 32 : i32
    %scan3A_5 = arith.addi %scan3A, %scan3A_4 : i32
    %scan3A_6 = arith.constant 1 : i32
    scf.for %scan3A_234 = %scan3A to %scan3A_5 step %scan3A_6  : i32 {
      %mul3A_235 = arith.constant 1 : i32
      %mul3A_236 = arith.muli %scan3A_234, %mul3A_235 : i32
      %add3A_237 = arith.constant 0 : i32
      %add3A_238 = arith.addi %add3A_237, %mul3A_236 : i32
      %mul3A_239 = arith.constant 16 : i32
      %mul3A_240 = arith.muli %add3A_238, %mul3A_239 : i32
      %get3A = arith.index_cast %mul3A_240 : i32 to index
      %get3A_241 = tpu.vector_load %arg8[%get3A] {strides = array<i32>} : memref<512xi32, #tpu.memory_space<vmem>>, vector<16xi32>,
      %and3A = arith.constant 262143 : i32
      %and3A_242 = vector.broadcast %and3A : i32 to vector<16xi32>
      %and3A_243 = arith.andi %get3A_241, %and3A_242 : vector<16xi32>
      %swap3A = arith.index_cast %mul3A_240 : i32 to index
      %swap3A_244 = tpu.vector_load %arg10[%swap3A] {strides = array<i32>} : memref<512xi32, #tpu.memory_space<vmem>>, vector<16xi32>,
      tpu.vector_store %arg10[%swap3A], %and3A_243 {strides = array<i32>} : memref<512xi32, #tpu.memory_space<vmem>>, vector<16xi32>,
      %get3A_245 = arith.index_cast %mul3A_240 : i32 to index
      %get3A_246 = tpu.vector_load %arg9[%get3A_245] {strides = array<i32>} : memref<512xi32, #tpu.memory_space<vmem>>, vector<16xi32>,
      %and3A_247 = arith.constant 262143 : i32
      %and3A_248 = vector.broadcast %and3A_247 : i32 to vector<16xi32>
      %and3A_249 = arith.andi %get3A_246, %and3A_248 : vector<16xi32>
      %swap3A_250 = arith.index_cast %mul3A_240 : i32 to index
      %swap3A_251 = tpu.vector_load %arg11[%swap3A_250] {strides = array<i32>} : memref<512xi32, #tpu.memory_space<vmem>>, vector<16xi32>,
      tpu.vector_store %arg11[%swap3A_250], %and3A_249 {strides = array<i32>} : memref<512xi32, #tpu.memory_space<vmem>>, vector<16xi32>,
    }
    %scan3A_7 = arith.constant 32 : i32
    %dma_start3A = arith.constant 0 : i32
    %dma_start3A_8 = tpu.memref_slice %arg10[%dma_start3A] : memref<512xi32, #tpu.memory_space<vmem>> -> memref<128xi32, #tpu.memory_space<vmem>>
    %dma_start3A_9 = arith.constant 0 : i32
    %dma_start3A_10 = arith.constant 0 : i32
    %dma_start3A_11 = tpu.memref_slice %arg3[%dma_start3A_9, %dma_start3A_10] : memref<262144x128xf32, #tpu.memory_space<hbm>> -> memref<262144x128xf32, #tpu.memory_space<hbm>>
    tpu.enqueue_indirect_dma source(%dma_start3A_11 : memref<262144x128xf32, #tpu.memory_space<hbm>>) target(%arg12 : memref<128x128xf32, #tpu.memory_space<vmem>>) offsets(%dma_start3A_8 : memref<128xi32, #tpu.memory_space<vmem>>) semaphore(%arg17 : memref<!tpu.dma_semaphore, #tpu.memory_space<semaphore_mem>>)
    %dma_start3A_12 = arith.constant 0 : i32
    %dma_start3A_13 = tpu.memref_slice %arg11[%dma_start3A_12] : memref<512xi32, #tpu.memory_space<vmem>> -> memref<128xi32, #tpu.memory_space<vmem>>
    %dma_start3A_14 = arith.constant 0 : i32
    %dma_start3A_15 = arith.constant 0 : i32
    %dma_start3A_16 = tpu.memref_slice %arg4[%dma_start3A_14, %dma_start3A_15] : memref<262144x128xf32, #tpu.memory_space<hbm>> -> memref<262144x128xf32, #tpu.memory_space<hbm>>
    tpu.enqueue_indirect_dma source(%dma_start3A_16 : memref<262144x128xf32, #tpu.memory_space<hbm>>) target(%arg13 : memref<128x128xf32, #tpu.memory_space<vmem>>) offsets(%dma_start3A_13 : memref<128xi32, #tpu.memory_space<vmem>>) semaphore(%arg17 : memref<!tpu.dma_semaphore, #tpu.memory_space<semaphore_mem>>)
    %dma_start3A_17 = arith.constant 0 : i32
    %dma_start3A_18 = arith.constant 0 : i32
    %dma_start3A_19 = tpu.memref_slice %arg8[%dma_start3A_18] : memref<512xi32, #tpu.memory_space<vmem>> -> memref<128xi32, #tpu.memory_space<vmem>>
    %dma_start3A_20 = arith.constant 0 : i32
    %dma_start3A_21 = tpu.memref_slice %arg5[%dma_start3A_17, %dma_start3A_20] : memref<1x1000000xf32, #tpu.memory_space<hbm>> -> memref<1x1000000xf32, #tpu.memory_space<hbm>>
    %dma_start3A_22 = tpu.memref_squeeze %dma_start3A_21 : memref<1x1000000xf32, #tpu.memory_space<hbm>> -> memref<1000000xf32, #tpu.memory_space<hbm>>
    %dma_start3A_23 = arith.constant 0 : i32
    %dma_start3A_24 = tpu.memref_slice %dma_start3A_22[%dma_start3A_23] : memref<1000000xf32, #tpu.memory_space<hbm>> -> memref<1000000xf32, #tpu.memory_space<hbm>>
    tpu.enqueue_indirect_dma source(%dma_start3A_24 : memref<1000000xf32, #tpu.memory_space<hbm>>) target(%arg14 : memref<128xf32, #tpu.memory_space<vmem>>) offsets(%dma_start3A_19 : memref<128xi32, #tpu.memory_space<vmem>>) semaphore(%arg17 : memref<!tpu.dma_semaphore, #tpu.memory_space<semaphore_mem>>)
    %dma_start3A_25 = arith.constant 0 : i32
    %dma_start3A_26 = arith.constant 0 : i32
    %dma_start3A_27 = tpu.memref_slice %arg9[%dma_start3A_26] : memref<512xi32, #tpu.memory_space<vmem>> -> memref<128xi32, #tpu.memory_space<vmem>>
    %dma_start3A_28 = arith.constant 0 : i32
    %dma_start3A_29 = tpu.memref_slice %arg6[%dma_start3A_25, %dma_start3A_28] : memref<1x1000000xf32, #tpu.memory_space<hbm>> -> memref<1x1000000xf32, #tpu.memory_space<hbm>>
    %dma_start3A_30 = tpu.memref_squeeze %dma_start3A_29 : memref<1x1000000xf32, #tpu.memory_space<hbm>> -> memref<1000000xf32, #tpu.memory_space<hbm>>
    %dma_start3A_31 = arith.constant 0 : i32
    %dma_start3A_32 = tpu.memref_slice %dma_start3A_30[%dma_start3A_31] : memref<1000000xf32, #tpu.memory_space<hbm>> -> memref<1000000xf32, #tpu.memory_space<hbm>>
    tpu.enqueue_indirect_dma source(%dma_start3A_32 : memref<1000000xf32, #tpu.memory_space<hbm>>) target(%arg15 : memref<128xf32, #tpu.memory_space<vmem>>) offsets(%dma_start3A_27 : memref<128xi32, #tpu.memory_space<vmem>>) semaphore(%arg17 : memref<!tpu.dma_semaphore, #tpu.memory_space<semaphore_mem>>)
    %dma_wait3A = arith.constant 0 : i32
    %dma_wait3A_33 = tpu.memref_slice %arg10[%dma_wait3A] : memref<512xi32, #tpu.memory_space<vmem>> -> memref<128xi32, #tpu.memory_space<vmem>>
    %dma_wait3A_34 = arith.constant 0 : i32
    %dma_wait3A_35 = arith.constant 0 : i32
    %dma_wait3A_36 = tpu.memref_slice %arg3[%dma_wait3A_34, %dma_wait3A_35] : memref<262144x128xf32, #tpu.memory_space<hbm>> -> memref<262144x128xf32, #tpu.memory_space<hbm>>
    tpu.wait_indirect_dma semaphore(%arg17 : memref<!tpu.dma_semaphore, #tpu.memory_space<semaphore_mem>>) src(%dma_wait3A_36 : memref<262144x128xf32, #tpu.memory_space<hbm>>) dst(%arg12 : memref<128x128xf32, #tpu.memory_space<vmem>>)
    %dma_wait3A_37 = arith.constant 0 : i32
    %dma_wait3A_38 = tpu.memref_slice %arg11[%dma_wait3A_37] : memref<512xi32, #tpu.memory_space<vmem>> -> memref<128xi32, #tpu.memory_space<vmem>>
    %dma_wait3A_39 = arith.constant 0 : i32
    %dma_wait3A_40 = arith.constant 0 : i32
    %dma_wait3A_41 = tpu.memref_slice %arg4[%dma_wait3A_39, %dma_wait3A_40] : memref<262144x128xf32, #tpu.memory_space<hbm>> -> memref<262144x128xf32, #tpu.memory_space<hbm>>
    tpu.wait_indirect_dma semaphore(%arg17 : memref<!tpu.dma_semaphore, #tpu.memory_space<semaphore_mem>>) src(%dma_wait3A_41 : memref<262144x128xf32, #tpu.memory_space<hbm>>) dst(%arg13 : memref<128x128xf32, #tpu.memory_space<vmem>>)
    %dma_wait3A_42 = arith.constant 0 : i32
    %dma_wait3A_43 = arith.constant 0 : i32
    %dma_wait3A_44 = tpu.memref_slice %arg8[%dma_wait3A_43] : memref<512xi32, #tpu.memory_space<vmem>> -> memref<128xi32, #tpu.memory_space<vmem>>
    %dma_wait3A_45 = arith.constant 0 : i32
    %dma_wait3A_46 = tpu.memref_slice %arg5[%dma_wait3A_42, %dma_wait3A_45] : memref<1x1000000xf32, #tpu.memory_space<hbm>> -> memref<1x1000000xf32, #tpu.memory_space<hbm>>
    %dma_wait3A_47 = tpu.memref_squeeze %dma_wait3A_46 : memref<1x1000000xf32, #tpu.memory_space<hbm>> -> memref<1000000xf32, #tpu.memory_space<hbm>>
    %dma_wait3A_48 = arith.constant 0 : i32
    %dma_wait3A_49 = tpu.memref_slice %dma_wait3A_47[%dma_wait3A_48] : memref<1000000xf32, #tpu.memory_space<hbm>> -> memref<1000000xf32, #tpu.memory_space<hbm>>
    tpu.wait_indirect_dma semaphore(%arg17 : memref<!tpu.dma_semaphore, #tpu.memory_space<semaphore_mem>>) src(%dma_wait3A_49 : memref<1000000xf32, #tpu.memory_space<hbm>>) dst(%arg14 : memref<128xf32, #tpu.memory_space<vmem>>)
    %dma_wait3A_50 = arith.constant 0 : i32
    %dma_wait3A_51 = arith.constant 0 : i32
    %dma_wait3A_52 = tpu.memref_slice %arg9[%dma_wait3A_51] : memref<512xi32, #tpu.memory_space<vmem>> -> memref<128xi32, #tpu.memory_space<vmem>>
    %dma_wait3A_53 = arith.constant 0 : i32
    %dma_wait3A_54 = tpu.memref_slice %arg6[%dma_wait3A_50, %dma_wait3A_53] : memref<1x1000000xf32, #tpu.memory_space<hbm>> -> memref<1x1000000xf32, #tpu.memory_space<hbm>>
    %dma_wait3A_55 = tpu.memref_squeeze %dma_wait3A_54 : memref<1x1000000xf32, #tpu.memory_space<hbm>> -> memref<1000000xf32, #tpu.memory_space<hbm>>
    %dma_wait3A_56 = arith.constant 0 : i32
    %dma_wait3A_57 = tpu.memref_slice %dma_wait3A_55[%dma_wait3A_56] : memref<1000000xf32, #tpu.memory_space<hbm>> -> memref<1000000xf32, #tpu.memory_space<hbm>>
    tpu.wait_indirect_dma semaphore(%arg17 : memref<!tpu.dma_semaphore, #tpu.memory_space<semaphore_mem>>) src(%dma_wait3A_57 : memref<1000000xf32, #tpu.memory_space<hbm>>) dst(%arg15 : memref<128xf32, #tpu.memory_space<vmem>>)
    %scan3A_58 = arith.constant 0 : i32
    %scan3A_59 = arith.constant 8 : i32
    %scan3A_60 = arith.addi %scan3A_58, %scan3A_59 : i32
    %scan3A_61 = arith.constant 1 : i32
    scf.for %scan3A_234 = %scan3A_58 to %scan3A_60 step %scan3A_61  : i32 {
      %mul3A_235 = arith.constant 1 : i32
      %mul3A_236 = arith.muli %scan3A_234, %mul3A_235 : i32
      %add3A_237 = arith.constant 0 : i32
      %add3A_238 = arith.addi %add3A_237, %mul3A_236 : i32
      %mul3A_239 = arith.constant 16 : i32
      %mul3A_240 = arith.muli %add3A_238, %mul3A_239 : i32
      %mul3A_241 = arith.constant 16 : i32
      %mul3A_242 = arith.muli %add3A_238, %mul3A_241 : i32
      %add3A_243 = arith.constant 0 : i32
      %add3A_244 = arith.addi %add3A_243, %mul3A_242 : i32
      %iota3A = tpu.iota {dimensions = array<i32: 0>} : vector<16xi32>
      %mul3A_245 = arith.constant 16 : i32
      %mul3A_246 = arith.muli %add3A_238, %mul3A_245 : i32
      %add3A_247 = vector.broadcast %mul3A_246 : i32 to vector<16xi32>
      %add3A_248 = arith.addi %iota3A, %add3A_247 : vector<16xi32>
      %get3A = arith.index_cast %add3A_244 : i32 to index
      %get3A_249 = tpu.vector_load %arg8[%get3A] {strides = array<i32>} : memref<512xi32, #tpu.memory_space<vmem>>, vector<16xi32>,
      %shift_right_arithmetic3A = arith.constant 18 : i32
      %shift_right_arithmetic3A_250 = vector.broadcast %shift_right_arithmetic3A : i32 to vector<16xi32>
      %shift_right_arithmetic3A_251 = arith.shrsi %get3A_249, %shift_right_arithmetic3A_250 : vector<16xi32>
      %shift_left3A = arith.constant 5 : i32
      %shift_left3A_252 = vector.broadcast %shift_left3A : i32 to vector<16xi32>
      %shift_left3A_253 = arith.shli %shift_right_arithmetic3A_251, %shift_left3A_252 : vector<16xi32>
      %get3A_254 = arith.index_cast %add3A_244 : i32 to index
      %get3A_255 = tpu.vector_load %arg9[%get3A_254] {strides = array<i32>} : memref<512xi32, #tpu.memory_space<vmem>>, vector<16xi32>,
      %shift_right_arithmetic3A_256 = arith.constant 18 : i32
      %shift_right_arithmetic3A_257 = vector.broadcast %shift_right_arithmetic3A_256 : i32 to vector<16xi32>
      %shift_right_arithmetic3A_258 = arith.shrsi %get3A_255, %shift_right_arithmetic3A_257 : vector<16xi32>
      %shift_left3A_259 = arith.constant 5 : i32
      %shift_left3A_260 = vector.broadcast %shift_left3A_259 : i32 to vector<16xi32>
      %shift_left3A_261 = arith.shli %shift_right_arithmetic3A_258, %shift_left3A_260 : vector<16xi32>
      %get3A_262 = arith.index_cast %mul3A_240 : i32 to index
      %get3A_263 = tpu.vector_load %arg14[%get3A_262] {strides = array<i32>} : memref<128xf32, #tpu.memory_space<vmem>>, vector<16xf32>,
      %get3A_264 = arith.index_cast %mul3A_240 : i32 to index
      %get3A_265 = tpu.vector_load %arg15[%get3A_264] {strides = array<i32>} : memref<128xf32, #tpu.memory_space<vmem>>, vector<16xf32>,
      %add3A_266 = arith.addf %get3A_263, %get3A_265 : vector<16xf32>
      %add3A_267 = arith.constant 3.500000e+00 : f32
      %add3A_268 = vector.broadcast %add3A_267 : f32 to vector<16xf32>
      %add3A_269 = arith.addf %add3A_266, %add3A_268 : vector<16xf32>
      %add3A_270 = arith.constant 0 : i32
      %add3A_271 = vector.broadcast %add3A_270 : i32 to vector<16xi32>
      %add3A_272 = arith.addi %shift_left3A_253, %add3A_271 : vector<16xi32>
      %gather3A = tpu.vector_load_idx %arg12[%add3A_248, %add3A_272] : memref<128x128xf32, #tpu.memory_space<vmem>>[vector<16xi32>, vector<16xi32>], vector<16xf32>,
      %add3A_273 = arith.constant 0 : i32
      %add3A_274 = vector.broadcast %add3A_273 : i32 to vector<16xi32>
      %add3A_275 = arith.addi %shift_left3A_261, %add3A_274 : vector<16xi32>
      %gather3A_276 = tpu.vector_load_idx %arg13[%add3A_248, %add3A_275] : memref<128x128xf32, #tpu.memory_space<vmem>>[vector<16xi32>, vector<16xi32>], vector<16xf32>,
      %mul3A_277 = arith.mulf %gather3A, %gather3A_276 : vector<16xf32>
      %add3A_278 = arith.addf %add3A_269, %mul3A_277 : vector<16xf32>
      %add3A_279 = arith.constant 1 : i32
      %add3A_280 = vector.broadcast %add3A_279 : i32 to vector<16xi32>
      %add3A_281 = arith.addi %shift_left3A_253, %add3A_280 : vector<16xi32>
      %gather3A_282 = tpu.vector_load_idx %arg12[%add3A_248, %add3A_281] : memref<128x128xf32, #tpu.memory_space<vmem>>[vector<16xi32>, vector<16xi32>], vector<16xf32>,
      %add3A_283 = arith.constant 1 : i32
      %add3A_284 = vector.broadcast %add3A_283 : i32 to vector<16xi32>
      %add3A_285 = arith.addi %shift_left3A_261, %add3A_284 : vector<16xi32>
      %gather3A_286 = tpu.vector_load_idx %arg13[%add3A_248, %add3A_285] : memref<128x128xf32, #tpu.memory_space<vmem>>[vector<16xi32>, vector<16xi32>], vector<16xf32>,
      %mul3A_287 = arith.mulf %gather3A_282, %gather3A_286 : vector<16xf32>
      %add3A_288 = arith.addf %add3A_278, %mul3A_287 : vector<16xf32>
      %add3A_289 = arith.constant 2 : i32
      %add3A_290 = vector.broadcast %add3A_289 : i32 to vector<16xi32>
      %add3A_291 = arith.addi %shift_left3A_253, %add3A_290 : vector<16xi32>
      %gather3A_292 = tpu.vector_load_idx %arg12[%add3A_248, %add3A_291] : memref<128x128xf32, #tpu.memory_space<vmem>>[vector<16xi32>, vector<16xi32>], vector<16xf32>,
      %add3A_293 = arith.constant 2 : i32
      %add3A_294 = vector.broadcast %add3A_293 : i32 to vector<16xi32>
      %add3A_295 = arith.addi %shift_left3A_261, %add3A_294 : vector<16xi32>
      %gather3A_296 = tpu.vector_load_idx %arg13[%add3A_248, %add3A_295] : memref<128x128xf32, #tpu.memory_space<vmem>>[vector<16xi32>, vector<16xi32>], vector<16xf32>,
      %mul3A_297 = arith.mulf %gather3A_292, %gather3A_296 : vector<16xf32>
      %add3A_298 = arith.addf %add3A_288, %mul3A_297 : vector<16xf32>
      %add3A_299 = arith.constant 3 : i32
      %add3A_300 = vector.broadcast %add3A_299 : i32 to vector<16xi32>
      %add3A_301 = arith.addi %shift_left3A_253, %add3A_300 : vector<16xi32>
      %gather3A_302 = tpu.vector_load_idx %arg12[%add3A_248, %add3A_301] : memref<128x128xf32, #tpu.memory_space<vmem>>[vector<16xi32>, vector<16xi32>], vector<16xf32>,
      %add3A_303 = arith.constant 3 : i32
      %add3A_304 = vector.broadcast %add3A_303 : i32 to vector<16xi32>
      %add3A_305 = arith.addi %shift_left3A_261, %add3A_304 : vector<16xi32>
      %gather3A_306 = tpu.vector_load_idx %arg13[%add3A_248, %add3A_305] : memref<128x128xf32, #tpu.memory_space<vmem>>[vector<16xi32>, vector<16xi32>], vector<16xf32>,
      %mul3A_307 = arith.mulf %gather3A_302, %gather3A_306 : vector<16xf32>
      %add3A_308 = arith.addf %add3A_298, %mul3A_307 : vector<16xf32>
      %add3A_309 = arith.constant 4 : i32
      %add3A_310 = vector.broadcast %add3A_309 : i32 to vector<16xi32>
      %add3A_311 = arith.addi %shift_left3A_253, %add3A_310 : vector<16xi32>
      %gather3A_312 = tpu.vector_load_idx %arg12[%add3A_248, %add3A_311] : memref<128x128xf32, #tpu.memory_space<vmem>>[vector<16xi32>, vector<16xi32>], vector<16xf32>,
      %add3A_313 = arith.constant 4 : i32
      %add3A_314 = vector.broadcast %add3A_313 : i32 to vector<16xi32>
      %add3A_315 = arith.addi %shift_left3A_261, %add3A_314 : vector<16xi32>
      %gather3A_316 = tpu.vector_load_idx %arg13[%add3A_248, %add3A_315] : memref<128x128xf32, #tpu.memory_space<vmem>>[vector<16xi32>, vector<16xi32>], vector<16xf32>,
      %mul3A_317 = arith.mulf %gather3A_312, %gather3A_316 : vector<16xf32>
      %add3A_318 = arith.addf %add3A_308, %mul3A_317 : vector<16xf32>
      %add3A_319 = arith.constant 5 : i32
      %add3A_320 = vector.broadcast %add3A_319 : i32 to vector<16xi32>
      %add3A_321 = arith.addi %shift_left3A_253, %add3A_320 : vector<16xi32>
      %gather3A_322 = tpu.vector_load_idx %arg12[%add3A_248, %add3A_321] : memref<128x128xf32, #tpu.memory_space<vmem>>[vector<16xi32>, vector<16xi32>], vector<16xf32>,
      %add3A_323 = arith.constant 5 : i32
      %add3A_324 = vector.broadcast %add3A_323 : i32 to vector<16xi32>
      %add3A_325 = arith.addi %shift_left3A_261, %add3A_324 : vector<16xi32>
      %gather3A_326 = tpu.vector_load_idx %arg13[%add3A_248, %add3A_325] : memref<128x128xf32, #tpu.memory_space<vmem>>[vector<16xi32>, vector<16xi32>], vector<16xf32>,
      %mul3A_327 = arith.mulf %gather3A_322, %gather3A_326 : vector<16xf32>
      %add3A_328 = arith.addf %add3A_318, %mul3A_327 : vector<16xf32>
      %add3A_329 = arith.constant 6 : i32
      %add3A_330 = vector.broadcast %add3A_329 : i32 to vector<16xi32>
      %add3A_331 = arith.addi %shift_left3A_253, %add3A_330 : vector<16xi32>
      %gather3A_332 = tpu.vector_load_idx %arg12[%add3A_248, %add3A_331] : memref<128x128xf32, #tpu.memory_space<vmem>>[vector<16xi32>, vector<16xi32>], vector<16xf32>,
      %add3A_333 = arith.constant 6 : i32
      %add3A_334 = vector.broadcast %add3A_333 : i32 to vector<16xi32>
      %add3A_335 = arith.addi %shift_left3A_261, %add3A_334 : vector<16xi32>
      %gather3A_336 = tpu.vector_load_idx %arg13[%add3A_248, %add3A_335] : memref<128x128xf32, #tpu.memory_space<vmem>>[vector<16xi32>, vector<16xi32>], vector<16xf32>,
      %mul3A_337 = arith.mulf %gather3A_332, %gather3A_336 : vector<16xf32>
      %add3A_338 = arith.addf %add3A_328, %mul3A_337 : vector<16xf32>
      %add3A_339 = arith.constant 7 : i32
      %add3A_340 = vector.broadcast %add3A_339 : i32 to vector<16xi32>
      %add3A_341 = arith.addi %shift_left3A_253, %add3A_340 : vector<16xi32>
      %gather3A_342 = tpu.vector_load_idx %arg12[%add3A_248, %add3A_341] : memref<128x128xf32, #tpu.memory_space<vmem>>[vector<16xi32>, vector<16xi32>], vector<16xf32>,
      %add3A_343 = arith.constant 7 : i32
      %add3A_344 = vector.broadcast %add3A_343 : i32 to vector<16xi32>
      %add3A_345 = arith.addi %shift_left3A_261, %add3A_344 : vector<16xi32>
      %gather3A_346 = tpu.vector_load_idx %arg13[%add3A_248, %add3A_345] : memref<128x128xf32, #tpu.memory_space<vmem>>[vector<16xi32>, vector<16xi32>], vector<16xf32>,
      %mul3A_347 = arith.mulf %gather3A_342, %gather3A_346 : vector<16xf32>
      %add3A_348 = arith.addf %add3A_338, %mul3A_347 : vector<16xf32>
      %add3A_349 = arith.constant 8 : i32
      %add3A_350 = vector.broadcast %add3A_349 : i32 to vector<16xi32>
      %add3A_351 = arith.addi %shift_left3A_253, %add3A_350 : vector<16xi32>
      %gather3A_352 = tpu.vector_load_idx %arg12[%add3A_248, %add3A_351] : memref<128x128xf32, #tpu.memory_space<vmem>>[vector<16xi32>, vector<16xi32>], vector<16xf32>,
      %add3A_353 = arith.constant 8 : i32
      %add3A_354 = vector.broadcast %add3A_353 : i32 to vector<16xi32>
      %add3A_355 = arith.addi %shift_left3A_261, %add3A_354 : vector<16xi32>
      %gather3A_356 = tpu.vector_load_idx %arg13[%add3A_248, %add3A_355] : memref<128x128xf32, #tpu.memory_space<vmem>>[vector<16xi32>, vector<16xi32>], vector<16xf32>,
      %mul3A_357 = arith.mulf %gather3A_352, %gather3A_356 : vector<16xf32>
      %add3A_358 = arith.addf %add3A_348, %mul3A_357 : vector<16xf32>
      %add3A_359 = arith.constant 9 : i32
      %add3A_360 = vector.broadcast %add3A_359 : i32 to vector<16xi32>
      %add3A_361 = arith.addi %shift_left3A_253, %add3A_360 : vector<16xi32>
      %gather3A_362 = tpu.vector_load_idx %arg12[%add3A_248, %add3A_361] : memref<128x128xf32, #tpu.memory_space<vmem>>[vector<16xi32>, vector<16xi32>], vector<16xf32>,
      %add3A_363 = arith.constant 9 : i32
      %add3A_364 = vector.broadcast %add3A_363 : i32 to vector<16xi32>
      %add3A_365 = arith.addi %shift_left3A_261, %add3A_364 : vector<16xi32>
      %gather3A_366 = tpu.vector_load_idx %arg13[%add3A_248, %add3A_365] : memref<128x128xf32, #tpu.memory_space<vmem>>[vector<16xi32>, vector<16xi32>], vector<16xf32>,
      %mul3A_367 = arith.mulf %gather3A_362, %gather3A_366 : vector<16xf32>
      %add3A_368 = arith.addf %add3A_358, %mul3A_367 : vector<16xf32>
      %add3A_369 = arith.constant 10 : i32
      %add3A_370 = vector.broadcast %add3A_369 : i32 to vector<16xi32>
      %add3A_371 = arith.addi %shift_left3A_253, %add3A_370 : vector<16xi32>
      %gather3A_372 = tpu.vector_load_idx %arg12[%add3A_248, %add3A_371] : memref<128x128xf32, #tpu.memory_space<vmem>>[vector<16xi32>, vector<16xi32>], vector<16xf32>,
      %add3A_373 = arith.constant 10 : i32
      %add3A_374 = vector.broadcast %add3A_373 : i32 to vector<16xi32>
      %add3A_375 = arith.addi %shift_left3A_261, %add3A_374 : vector<16xi32>
      %gather3A_376 = tpu.vector_load_idx %arg13[%add3A_248, %add3A_375] : memref<128x128xf32, #tpu.memory_space<vmem>>[vector<16xi32>, vector<16xi32>], vector<16xf32>,
      %mul3A_377 = arith.mulf %gather3A_372, %gather3A_376 : vector<16xf32>
      %add3A_378 = arith.addf %add3A_368, %mul3A_377 : vector<16xf32>
      %add3A_379 = arith.constant 11 : i32
      %add3A_380 = vector.broadcast %add3A_379 : i32 to vector<16xi32>
      %add3A_381 = arith.addi %shift_left3A_253, %add3A_380 : vector<16xi32>
      %gather3A_382 = tpu.vector_load_idx %arg12[%add3A_248, %add3A_381] : memref<128x128xf32, #tpu.memory_space<vmem>>[vector<16xi32>, vector<16xi32>], vector<16xf32>,
      %add3A_383 = arith.constant 11 : i32
      %add3A_384 = vector.broadcast %add3A_383 : i32 to vector<16xi32>
      %add3A_385 = arith.addi %shift_left3A_261, %add3A_384 : vector<16xi32>
      %gather3A_386 = tpu.vector_load_idx %arg13[%add3A_248, %add3A_385] : memref<128x128xf32, #tpu.memory_space<vmem>>[vector<16xi32>, vector<16xi32>], vector<16xf32>,
      %mul3A_387 = arith.mulf %gather3A_382, %gather3A_386 : vector<16xf32>
      %add3A_388 = arith.addf %add3A_378, %mul3A_387 : vector<16xf32>
      %add3A_389 = arith.constant 12 : i32
      %add3A_390 = vector.broadcast %add3A_389 : i32 to vector<16xi32>
      %add3A_391 = arith.addi %shift_left3A_253, %add3A_390 : vector<16xi32>
      %gather3A_392 = tpu.vector_load_idx %arg12[%add3A_248, %add3A_391] : memref<128x128xf32, #tpu.memory_space<vmem>>[vector<16xi32>, vector<16xi32>], vector<16xf32>,
      %add3A_393 = arith.constant 12 : i32
      %add3A_394 = vector.broadcast %add3A_393 : i32 to vector<16xi32>
      %add3A_395 = arith.addi %shift_left3A_261, %add3A_394 : vector<16xi32>
      %gather3A_396 = tpu.vector_load_idx %arg13[%add3A_248, %add3A_395] : memref<128x128xf32, #tpu.memory_space<vmem>>[vector<16xi32>, vector<16xi32>], vector<16xf32>,
      %mul3A_397 = arith.mulf %gather3A_392, %gather3A_396 : vector<16xf32>
      %add3A_398 = arith.addf %add3A_388, %mul3A_397 : vector<16xf32>
      %add3A_399 = arith.constant 13 : i32
      %add3A_400 = vector.broadcast %add3A_399 : i32 to vector<16xi32>
      %add3A_401 = arith.addi %shift_left3A_253, %add3A_400 : vector<16xi32>
      %gather3A_402 = tpu.vector_load_idx %arg12[%add3A_248, %add3A_401] : memref<128x128xf32, #tpu.memory_space<vmem>>[vector<16xi32>, vector<16xi32>], vector<16xf32>,
      %add3A_403 = arith.constant 13 : i32
      %add3A_404 = vector.broadcast %add3A_403 : i32 to vector<16xi32>
      %add3A_405 = arith.addi %shift_left3A_261, %add3A_404 : vector<16xi32>
      %gather3A_406 = tpu.vector_load_idx %arg13[%add3A_248, %add3A_405] : memref<128x128xf32, #tpu.memory_space<vmem>>[vector<16xi32>, vector<16xi32>], vector<16xf32>,
      %mul3A_407 = arith.mulf %gather3A_402, %gather3A_406 : vector<16xf32>
      %add3A_408 = arith.addf %add3A_398, %mul3A_407 : vector<16xf32>
      %add3A_409 = arith.constant 14 : i32
      %add3A_410 = vector.broadcast %add3A_409 : i32 to vector<16xi32>
      %add3A_411 = arith.addi %shift_left3A_253, %add3A_410 : vector<16xi32>
      %gather3A_412 = tpu.vector_load_idx %arg12[%add3A_248, %add3A_411] : memref<128x128xf32, #tpu.memory_space<vmem>>[vector<16xi32>, vector<16xi32>], vector<16xf32>,
      %add3A_413 = arith.constant 14 : i32
      %add3A_414 = vector.broadcast %add3A_413 : i32 to vector<16xi32>
      %add3A_415 = arith.addi %shift_left3A_261, %add3A_414 : vector<16xi32>
      %gather3A_416 = tpu.vector_load_idx %arg13[%add3A_248, %add3A_415] : memref<128x128xf32, #tpu.memory_space<vmem>>[vector<16xi32>, vector<16xi32>], vector<16xf32>,
      %mul3A_417 = arith.mulf %gather3A_412, %gather3A_416 : vector<16xf32>
      %add3A_418 = arith.addf %add3A_408, %mul3A_417 : vector<16xf32>
      %add3A_419 = arith.constant 15 : i32
      %add3A_420 = vector.broadcast %add3A_419 : i32 to vector<16xi32>
      %add3A_421 = arith.addi %shift_left3A_253, %add3A_420 : vector<16xi32>
      %gather3A_422 = tpu.vector_load_idx %arg12[%add3A_248, %add3A_421] : memref<128x128xf32, #tpu.memory_space<vmem>>[vector<16xi32>, vector<16xi32>], vector<16xf32>,
      %add3A_423 = arith.constant 15 : i32
      %add3A_424 = vector.broadcast %add3A_423 : i32 to vector<16xi32>
      %add3A_425 = arith.addi %shift_left3A_261, %add3A_424 : vector<16xi32>
      %gather3A_426 = tpu.vector_load_idx %arg13[%add3A_248, %add3A_425] : memref<128x128xf32, #tpu.memory_space<vmem>>[vector<16xi32>, vector<16xi32>], vector<16xf32>,
      %mul3A_427 = arith.mulf %gather3A_422, %gather3A_426 : vector<16xf32>
      %add3A_428 = arith.addf %add3A_418, %mul3A_427 : vector<16xf32>
      %add3A_429 = arith.constant 16 : i32
      %add3A_430 = vector.broadcast %add3A_429 : i32 to vector<16xi32>
      %add3A_431 = arith.addi %shift_left3A_253, %add3A_430 : vector<16xi32>
      %gather3A_432 = tpu.vector_load_idx %arg12[%add3A_248, %add3A_431] : memref<128x128xf32, #tpu.memory_space<vmem>>[vector<16xi32>, vector<16xi32>], vector<16xf32>,
      %add3A_433 = arith.constant 16 : i32
      %add3A_434 = vector.broadcast %add3A_433 : i32 to vector<16xi32>
      %add3A_435 = arith.addi %shift_left3A_261, %add3A_434 : vector<16xi32>
      %gather3A_436 = tpu.vector_load_idx %arg13[%add3A_248, %add3A_435] : memref<128x128xf32, #tpu.memory_space<vmem>>[vector<16xi32>, vector<16xi32>], vector<16xf32>,
      %mul3A_437 = arith.mulf %gather3A_432, %gather3A_436 : vector<16xf32>
      %add3A_438 = arith.addf %add3A_428, %mul3A_437 : vector<16xf32>
      %add3A_439 = arith.constant 17 : i32
      %add3A_440 = vector.broadcast %add3A_439 : i32 to vector<16xi32>
      %add3A_441 = arith.addi %shift_left3A_253, %add3A_440 : vector<16xi32>
      %gather3A_442 = tpu.vector_load_idx %arg12[%add3A_248, %add3A_441] : memref<128x128xf32, #tpu.memory_space<vmem>>[vector<16xi32>, vector<16xi32>], vector<16xf32>,
      %add3A_443 = arith.constant 17 : i32
      %add3A_444 = vector.broadcast %add3A_443 : i32 to vector<16xi32>
      %add3A_445 = arith.addi %shift_left3A_261, %add3A_444 : vector<16xi32>
      %gather3A_446 = tpu.vector_load_idx %arg13[%add3A_248, %add3A_445] : memref<128x128xf32, #tpu.memory_space<vmem>>[vector<16xi32>, vector<16xi32>], vector<16xf32>,
      %mul3A_447 = arith.mulf %gather3A_442, %gather3A_446 : vector<16xf32>
      %add3A_448 = arith.addf %add3A_438, %mul3A_447 : vector<16xf32>
      %add3A_449 = arith.constant 18 : i32
      %add3A_450 = vector.broadcast %add3A_449 : i32 to vector<16xi32>
      %add3A_451 = arith.addi %shift_left3A_253, %add3A_450 : vector<16xi32>
      %gather3A_452 = tpu.vector_load_idx %arg12[%add3A_248, %add3A_451] : memref<128x128xf32, #tpu.memory_space<vmem>>[vector<16xi32>, vector<16xi32>], vector<16xf32>,
      %add3A_453 = arith.constant 18 : i32
      %add3A_454 = vector.broadcast %add3A_453 : i32 to vector<16xi32>
      %add3A_455 = arith.addi %shift_left3A_261, %add3A_454 : vector<16xi32>
      %gather3A_456 = tpu.vector_load_idx %arg13[%add3A_248, %add3A_455] : memref<128x128xf32, #tpu.memory_space<vmem>>[vector<16xi32>, vector<16xi32>], vector<16xf32>,
      %mul3A_457 = arith.mulf %gather3A_452, %gather3A_456 : vector<16xf32>
      %add3A_458 = arith.addf %add3A_448, %mul3A_457 : vector<16xf32>
      %add3A_459 = arith.constant 19 : i32
      %add3A_460 = vector.broadcast %add3A_459 : i32 to vector<16xi32>
      %add3A_461 = arith.addi %shift_left3A_253, %add3A_460 : vector<16xi32>
      %gather3A_462 = tpu.vector_load_idx %arg12[%add3A_248, %add3A_461] : memref<128x128xf32, #tpu.memory_space<vmem>>[vector<16xi32>, vector<16xi32>], vector<16xf32>,
      %add3A_463 = arith.constant 19 : i32
      %add3A_464 = vector.broadcast %add3A_463 : i32 to vector<16xi32>
      %add3A_465 = arith.addi %shift_left3A_261, %add3A_464 : vector<16xi32>
      %gather3A_466 = tpu.vector_load_idx %arg13[%add3A_248, %add3A_465] : memref<128x128xf32, #tpu.memory_space<vmem>>[vector<16xi32>, vector<16xi32>], vector<16xf32>,
      %mul3A_467 = arith.mulf %gather3A_462, %gather3A_466 : vector<16xf32>
      %add3A_468 = arith.addf %add3A_458, %mul3A_467 : vector<16xf32>
      %add3A_469 = arith.constant 20 : i32
      %add3A_470 = vector.broadcast %add3A_469 : i32 to vector<16xi32>
      %add3A_471 = arith.addi %shift_left3A_253, %add3A_470 : vector<16xi32>
      %gather3A_472 = tpu.vector_load_idx %arg12[%add3A_248, %add3A_471] : memref<128x128xf32, #tpu.memory_space<vmem>>[vector<16xi32>, vector<16xi32>], vector<16xf32>,
      %add3A_473 = arith.constant 20 : i32
      %add3A_474 = vector.broadcast %add3A_473 : i32 to vector<16xi32>
      %add3A_475 = arith.addi %shift_left3A_261, %add3A_474 : vector<16xi32>
      %gather3A_476 = tpu.vector_load_idx %arg13[%add3A_248, %add3A_475] : memref<128x128xf32, #tpu.memory_space<vmem>>[vector<16xi32>, vector<16xi32>], vector<16xf32>,
      %mul3A_477 = arith.mulf %gather3A_472, %gather3A_476 : vector<16xf32>
      %add3A_478 = arith.addf %add3A_468, %mul3A_477 : vector<16xf32>
      %add3A_479 = arith.constant 21 : i32
      %add3A_480 = vector.broadcast %add3A_479 : i32 to vector<16xi32>
      %add3A_481 = arith.addi %shift_left3A_253, %add3A_480 : vector<16xi32>
      %gather3A_482 = tpu.vector_load_idx %arg12[%add3A_248, %add3A_481] : memref<128x128xf32, #tpu.memory_space<vmem>>[vector<16xi32>, vector<16xi32>], vector<16xf32>,
      %add3A_483 = arith.constant 21 : i32
      %add3A_484 = vector.broadcast %add3A_483 : i32 to vector<16xi32>
      %add3A_485 = arith.addi %shift_left3A_261, %add3A_484 : vector<16xi32>
      %gather3A_486 = tpu.vector_load_idx %arg13[%add3A_248, %add3A_485] : memref<128x128xf32, #tpu.memory_space<vmem>>[vector<16xi32>, vector<16xi32>], vector<16xf32>,
      %mul3A_487 = arith.mulf %gather3A_482, %gather3A_486 : vector<16xf32>
      %add3A_488 = arith.addf %add3A_478, %mul3A_487 : vector<16xf32>
      %add3A_489 = arith.constant 22 : i32
      %add3A_490 = vector.broadcast %add3A_489 : i32 to vector<16xi32>
      %add3A_491 = arith.addi %shift_left3A_253, %add3A_490 : vector<16xi32>
      %gather3A_492 = tpu.vector_load_idx %arg12[%add3A_248, %add3A_491] : memref<128x128xf32, #tpu.memory_space<vmem>>[vector<16xi32>, vector<16xi32>], vector<16xf32>,
      %add3A_493 = arith.constant 22 : i32
      %add3A_494 = vector.broadcast %add3A_493 : i32 to vector<16xi32>
      %add3A_495 = arith.addi %shift_left3A_261, %add3A_494 : vector<16xi32>
      %gather3A_496 = tpu.vector_load_idx %arg13[%add3A_248, %add3A_495] : memref<128x128xf32, #tpu.memory_space<vmem>>[vector<16xi32>, vector<16xi32>], vector<16xf32>,
      %mul3A_497 = arith.mulf %gather3A_492, %gather3A_496 : vector<16xf32>
      %add3A_498 = arith.addf %add3A_488, %mul3A_497 : vector<16xf32>
      %add3A_499 = arith.constant 23 : i32
      %add3A_500 = vector.broadcast %add3A_499 : i32 to vector<16xi32>
      %add3A_501 = arith.addi %shift_left3A_253, %add3A_500 : vector<16xi32>
      %gather3A_502 = tpu.vector_load_idx %arg12[%add3A_248, %add3A_501] : memref<128x128xf32, #tpu.memory_space<vmem>>[vector<16xi32>, vector<16xi32>], vector<16xf32>,
      %add3A_503 = arith.constant 23 : i32
      %add3A_504 = vector.broadcast %add3A_503 : i32 to vector<16xi32>
      %add3A_505 = arith.addi %shift_left3A_261, %add3A_504 : vector<16xi32>
      %gather3A_506 = tpu.vector_load_idx %arg13[%add3A_248, %add3A_505] : memref<128x128xf32, #tpu.memory_space<vmem>>[vector<16xi32>, vector<16xi32>], vector<16xf32>,
      %mul3A_507 = arith.mulf %gather3A_502, %gather3A_506 : vector<16xf32>
      %add3A_508 = arith.addf %add3A_498, %mul3A_507 : vector<16xf32>
      %add3A_509 = arith.constant 24 : i32
      %add3A_510 = vector.broadcast %add3A_509 : i32 to vector<16xi32>
      %add3A_511 = arith.addi %shift_left3A_253, %add3A_510 : vector<16xi32>
      %gather3A_512 = tpu.vector_load_idx %arg12[%add3A_248, %add3A_511] : memref<128x128xf32, #tpu.memory_space<vmem>>[vector<16xi32>, vector<16xi32>], vector<16xf32>,
      %add3A_513 = arith.constant 24 : i32
      %add3A_514 = vector.broadcast %add3A_513 : i32 to vector<16xi32>
      %add3A_515 = arith.addi %shift_left3A_261, %add3A_514 : vector<16xi32>
      %gather3A_516 = tpu.vector_load_idx %arg13[%add3A_248, %add3A_515] : memref<128x128xf32, #tpu.memory_space<vmem>>[vector<16xi32>, vector<16xi32>], vector<16xf32>,
      %mul3A_517 = arith.mulf %gather3A_512, %gather3A_516 : vector<16xf32>
      %add3A_518 = arith.addf %add3A_508, %mul3A_517 : vector<16xf32>
      %add3A_519 = arith.constant 25 : i32
      %add3A_520 = vector.broadcast %add3A_519 : i32 to vector<16xi32>
      %add3A_521 = arith.addi %shift_left3A_253, %add3A_520 : vector<16xi32>
      %gather3A_522 = tpu.vector_load_idx %arg12[%add3A_248, %add3A_521] : memref<128x128xf32, #tpu.memory_space<vmem>>[vector<16xi32>, vector<16xi32>], vector<16xf32>,
      %add3A_523 = arith.constant 25 : i32
      %add3A_524 = vector.broadcast %add3A_523 : i32 to vector<16xi32>
      %add3A_525 = arith.addi %shift_left3A_261, %add3A_524 : vector<16xi32>
      %gather3A_526 = tpu.vector_load_idx %arg13[%add3A_248, %add3A_525] : memref<128x128xf32, #tpu.memory_space<vmem>>[vector<16xi32>, vector<16xi32>], vector<16xf32>,
      %mul3A_527 = arith.mulf %gather3A_522, %gather3A_526 : vector<16xf32>
      %add3A_528 = arith.addf %add3A_518, %mul3A_527 : vector<16xf32>
      %add3A_529 = arith.constant 26 : i32
      %add3A_530 = vector.broadcast %add3A_529 : i32 to vector<16xi32>
      %add3A_531 = arith.addi %shift_left3A_253, %add3A_530 : vector<16xi32>
      %gather3A_532 = tpu.vector_load_idx %arg12[%add3A_248, %add3A_531] : memref<128x128xf32, #tpu.memory_space<vmem>>[vector<16xi32>, vector<16xi32>], vector<16xf32>,
      %add3A_533 = arith.constant 26 : i32
      %add3A_534 = vector.broadcast %add3A_533 : i32 to vector<16xi32>
      %add3A_535 = arith.addi %shift_left3A_261, %add3A_534 : vector<16xi32>
      %gather3A_536 = tpu.vector_load_idx %arg13[%add3A_248, %add3A_535] : memref<128x128xf32, #tpu.memory_space<vmem>>[vector<16xi32>, vector<16xi32>], vector<16xf32>,
      %mul3A_537 = arith.mulf %gather3A_532, %gather3A_536 : vector<16xf32>
      %add3A_538 = arith.addf %add3A_528, %mul3A_537 : vector<16xf32>
      %add3A_539 = arith.constant 27 : i32
      %add3A_540 = vector.broadcast %add3A_539 : i32 to vector<16xi32>
      %add3A_541 = arith.addi %shift_left3A_253, %add3A_540 : vector<16xi32>
      %gather3A_542 = tpu.vector_load_idx %arg12[%add3A_248, %add3A_541] : memref<128x128xf32, #tpu.memory_space<vmem>>[vector<16xi32>, vector<16xi32>], vector<16xf32>,
      %add3A_543 = arith.constant 27 : i32
      %add3A_544 = vector.broadcast %add3A_543 : i32 to vector<16xi32>
      %add3A_545 = arith.addi %shift_left3A_261, %add3A_544 : vector<16xi32>
      %gather3A_546 = tpu.vector_load_idx %arg13[%add3A_248, %add3A_545] : memref<128x128xf32, #tpu.memory_space<vmem>>[vector<16xi32>, vector<16xi32>], vector<16xf32>,
      %mul3A_547 = arith.mulf %gather3A_542, %gather3A_546 : vector<16xf32>
      %add3A_548 = arith.addf %add3A_538, %mul3A_547 : vector<16xf32>
      %add3A_549 = arith.constant 28 : i32
      %add3A_550 = vector.broadcast %add3A_549 : i32 to vector<16xi32>
      %add3A_551 = arith.addi %shift_left3A_253, %add3A_550 : vector<16xi32>
      %gather3A_552 = tpu.vector_load_idx %arg12[%add3A_248, %add3A_551] : memref<128x128xf32, #tpu.memory_space<vmem>>[vector<16xi32>, vector<16xi32>], vector<16xf32>,
      %add3A_553 = arith.constant 28 : i32
      %add3A_554 = vector.broadcast %add3A_553 : i32 to vector<16xi32>
      %add3A_555 = arith.addi %shift_left3A_261, %add3A_554 : vector<16xi32>
      %gather3A_556 = tpu.vector_load_idx %arg13[%add3A_248, %add3A_555] : memref<128x128xf32, #tpu.memory_space<vmem>>[vector<16xi32>, vector<16xi32>], vector<16xf32>,
      %mul3A_557 = arith.mulf %gather3A_552, %gather3A_556 : vector<16xf32>
      %add3A_558 = arith.addf %add3A_548, %mul3A_557 : vector<16xf32>
      %add3A_559 = arith.constant 29 : i32
      %add3A_560 = vector.broadcast %add3A_559 : i32 to vector<16xi32>
      %add3A_561 = arith.addi %shift_left3A_253, %add3A_560 : vector<16xi32>
      %gather3A_562 = tpu.vector_load_idx %arg12[%add3A_248, %add3A_561] : memref<128x128xf32, #tpu.memory_space<vmem>>[vector<16xi32>, vector<16xi32>], vector<16xf32>,
      %add3A_563 = arith.constant 29 : i32
      %add3A_564 = vector.broadcast %add3A_563 : i32 to vector<16xi32>
      %add3A_565 = arith.addi %shift_left3A_261, %add3A_564 : vector<16xi32>
      %gather3A_566 = tpu.vector_load_idx %arg13[%add3A_248, %add3A_565] : memref<128x128xf32, #tpu.memory_space<vmem>>[vector<16xi32>, vector<16xi32>], vector<16xf32>,
      %mul3A_567 = arith.mulf %gather3A_562, %gather3A_566 : vector<16xf32>
      %add3A_568 = arith.addf %add3A_558, %mul3A_567 : vector<16xf32>
      %add3A_569 = arith.constant 30 : i32
      %add3A_570 = vector.broadcast %add3A_569 : i32 to vector<16xi32>
      %add3A_571 = arith.addi %shift_left3A_253, %add3A_570 : vector<16xi32>
      %gather3A_572 = tpu.vector_load_idx %arg12[%add3A_248, %add3A_571] : memref<128x128xf32, #tpu.memory_space<vmem>>[vector<16xi32>, vector<16xi32>], vector<16xf32>,
      %add3A_573 = arith.constant 30 : i32
      %add3A_574 = vector.broadcast %add3A_573 : i32 to vector<16xi32>
      %add3A_575 = arith.addi %shift_left3A_261, %add3A_574 : vector<16xi32>
      %gather3A_576 = tpu.vector_load_idx %arg13[%add3A_248, %add3A_575] : memref<128x128xf32, #tpu.memory_space<vmem>>[vector<16xi32>, vector<16xi32>], vector<16xf32>,
      %mul3A_577 = arith.mulf %gather3A_572, %gather3A_576 : vector<16xf32>
      %add3A_578 = arith.addf %add3A_568, %mul3A_577 : vector<16xf32>
      %add3A_579 = arith.constant 31 : i32
      %add3A_580 = vector.broadcast %add3A_579 : i32 to vector<16xi32>
      %add3A_581 = arith.addi %shift_left3A_253, %add3A_580 : vector<16xi32>
      %gather3A_582 = tpu.vector_load_idx %arg12[%add3A_248, %add3A_581] : memref<128x128xf32, #tpu.memory_space<vmem>>[vector<16xi32>, vector<16xi32>], vector<16xf32>,
      %add3A_583 = arith.constant 31 : i32
      %add3A_584 = vector.broadcast %add3A_583 : i32 to vector<16xi32>
      %add3A_585 = arith.addi %shift_left3A_261, %add3A_584 : vector<16xi32>
      %gather3A_586 = tpu.vector_load_idx %arg13[%add3A_248, %add3A_585] : memref<128x128xf32, #tpu.memory_space<vmem>>[vector<16xi32>, vector<16xi32>], vector<16xf32>,
      %mul3A_587 = arith.mulf %gather3A_582, %gather3A_586 : vector<16xf32>
      %add3A_588 = arith.addf %add3A_578, %mul3A_587 : vector<16xf32>
      %swap3A = arith.index_cast %add3A_244 : i32 to index
      %swap3A_589 = tpu.vector_load %arg16[%swap3A] {strides = array<i32>} : memref<512xf32, #tpu.memory_space<vmem>>, vector<16xf32>,
      tpu.vector_store %arg16[%swap3A], %add3A_588 {strides = array<i32>} : memref<512xf32, #tpu.memory_space<vmem>>, vector<16xf32>,
    }
    %scan3A_62 = arith.constant 8 : i32
    %dma_start3A_63 = arith.constant 128 : i32
    %dma_start3A_64 = tpu.memref_slice %arg10[%dma_start3A_63] : memref<512xi32, #tpu.memory_space<vmem>> -> memref<128xi32, #tpu.memory_space<vmem>>
    %dma_start3A_65 = arith.constant 0 : i32
    %dma_start3A_66 = arith.constant 0 : i32
    %dma_start3A_67 = tpu.memref_slice %arg3[%dma_start3A_65, %dma_start3A_66] : memref<262144x128xf32, #tpu.memory_space<hbm>> -> memref<262144x128xf32, #tpu.memory_space<hbm>>
    tpu.enqueue_indirect_dma source(%dma_start3A_67 : memref<262144x128xf32, #tpu.memory_space<hbm>>) target(%arg12 : memref<128x128xf32, #tpu.memory_space<vmem>>) offsets(%dma_start3A_64 : memref<128xi32, #tpu.memory_space<vmem>>) semaphore(%arg17 : memref<!tpu.dma_semaphore, #tpu.memory_space<semaphore_mem>>)
    %dma_start3A_68 = arith.constant 128 : i32
    %dma_start3A_69 = tpu.memref_slice %arg11[%dma_start3A_68] : memref<512xi32, #tpu.memory_space<vmem>> -> memref<128xi32, #tpu.memory_space<vmem>>
    %dma_start3A_70 = arith.constant 0 : i32
    %dma_start3A_71 = arith.constant 0 : i32
    %dma_start3A_72 = tpu.memref_slice %arg4[%dma_start3A_70, %dma_start3A_71] : memref<262144x128xf32, #tpu.memory_space<hbm>> -> memref<262144x128xf32, #tpu.memory_space<hbm>>
    tpu.enqueue_indirect_dma source(%dma_start3A_72 : memref<262144x128xf32, #tpu.memory_space<hbm>>) target(%arg13 : memref<128x128xf32, #tpu.memory_space<vmem>>) offsets(%dma_start3A_69 : memref<128xi32, #tpu.memory_space<vmem>>) semaphore(%arg17 : memref<!tpu.dma_semaphore, #tpu.memory_space<semaphore_mem>>)
    %dma_start3A_73 = arith.constant 0 : i32
    %dma_start3A_74 = arith.constant 128 : i32
    %dma_start3A_75 = tpu.memref_slice %arg8[%dma_start3A_74] : memref<512xi32, #tpu.memory_space<vmem>> -> memref<128xi32, #tpu.memory_space<vmem>>
    %dma_start3A_76 = arith.constant 0 : i32
    %dma_start3A_77 = tpu.memref_slice %arg5[%dma_start3A_73, %dma_start3A_76] : memref<1x1000000xf32, #tpu.memory_space<hbm>> -> memref<1x1000000xf32, #tpu.memory_space<hbm>>
    %dma_start3A_78 = tpu.memref_squeeze %dma_start3A_77 : memref<1x1000000xf32, #tpu.memory_space<hbm>> -> memref<1000000xf32, #tpu.memory_space<hbm>>
    %dma_start3A_79 = arith.constant 0 : i32
    %dma_start3A_80 = tpu.memref_slice %dma_start3A_78[%dma_start3A_79] : memref<1000000xf32, #tpu.memory_space<hbm>> -> memref<1000000xf32, #tpu.memory_space<hbm>>
    tpu.enqueue_indirect_dma source(%dma_start3A_80 : memref<1000000xf32, #tpu.memory_space<hbm>>) target(%arg14 : memref<128xf32, #tpu.memory_space<vmem>>) offsets(%dma_start3A_75 : memref<128xi32, #tpu.memory_space<vmem>>) semaphore(%arg17 : memref<!tpu.dma_semaphore, #tpu.memory_space<semaphore_mem>>)
    %dma_start3A_81 = arith.constant 0 : i32
    %dma_start3A_82 = arith.constant 128 : i32
    %dma_start3A_83 = tpu.memref_slice %arg9[%dma_start3A_82] : memref<512xi32, #tpu.memory_space<vmem>> -> memref<128xi32, #tpu.memory_space<vmem>>
    %dma_start3A_84 = arith.constant 0 : i32
    %dma_start3A_85 = tpu.memref_slice %arg6[%dma_start3A_81, %dma_start3A_84] : memref<1x1000000xf32, #tpu.memory_space<hbm>> -> memref<1x1000000xf32, #tpu.memory_space<hbm>>
    %dma_start3A_86 = tpu.memref_squeeze %dma_start3A_85 : memref<1x1000000xf32, #tpu.memory_space<hbm>> -> memref<1000000xf32, #tpu.memory_space<hbm>>
    %dma_start3A_87 = arith.constant 0 : i32
    %dma_start3A_88 = tpu.memref_slice %dma_start3A_86[%dma_start3A_87] : memref<1000000xf32, #tpu.memory_space<hbm>> -> memref<1000000xf32, #tpu.memory_space<hbm>>
    tpu.enqueue_indirect_dma source(%dma_start3A_88 : memref<1000000xf32, #tpu.memory_space<hbm>>) target(%arg15 : memref<128xf32, #tpu.memory_space<vmem>>) offsets(%dma_start3A_83 : memref<128xi32, #tpu.memory_space<vmem>>) semaphore(%arg17 : memref<!tpu.dma_semaphore, #tpu.memory_space<semaphore_mem>>)
    %dma_wait3A_89 = arith.constant 128 : i32
    %dma_wait3A_90 = tpu.memref_slice %arg10[%dma_wait3A_89] : memref<512xi32, #tpu.memory_space<vmem>> -> memref<128xi32, #tpu.memory_space<vmem>>
    %dma_wait3A_91 = arith.constant 0 : i32
    %dma_wait3A_92 = arith.constant 0 : i32
    %dma_wait3A_93 = tpu.memref_slice %arg3[%dma_wait3A_91, %dma_wait3A_92] : memref<262144x128xf32, #tpu.memory_space<hbm>> -> memref<262144x128xf32, #tpu.memory_space<hbm>>
    tpu.wait_indirect_dma semaphore(%arg17 : memref<!tpu.dma_semaphore, #tpu.memory_space<semaphore_mem>>) src(%dma_wait3A_93 : memref<262144x128xf32, #tpu.memory_space<hbm>>) dst(%arg12 : memref<128x128xf32, #tpu.memory_space<vmem>>)
    %dma_wait3A_94 = arith.constant 128 : i32
    %dma_wait3A_95 = tpu.memref_slice %arg11[%dma_wait3A_94] : memref<512xi32, #tpu.memory_space<vmem>> -> memref<128xi32, #tpu.memory_space<vmem>>
    %dma_wait3A_96 = arith.constant 0 : i32
    %dma_wait3A_97 = arith.constant 0 : i32
    %dma_wait3A_98 = tpu.memref_slice %arg4[%dma_wait3A_96, %dma_wait3A_97] : memref<262144x128xf32, #tpu.memory_space<hbm>> -> memref<262144x128xf32, #tpu.memory_space<hbm>>
    tpu.wait_indirect_dma semaphore(%arg17 : memref<!tpu.dma_semaphore, #tpu.memory_space<semaphore_mem>>) src(%dma_wait3A_98 : memref<262144x128xf32, #tpu.memory_space<hbm>>) dst(%arg13 : memref<128x128xf32, #tpu.memory_space<vmem>>)
    %dma_wait3A_99 = arith.constant 0 : i32
    %dma_wait3A_100 = arith.constant 128 : i32
    %dma_wait3A_101 = tpu.memref_slice %arg8[%dma_wait3A_100] : memref<512xi32, #tpu.memory_space<vmem>> -> memref<128xi32, #tpu.memory_space<vmem>>
    %dma_wait3A_102 = arith.constant 0 : i32
    %dma_wait3A_103 = tpu.memref_slice %arg5[%dma_wait3A_99, %dma_wait3A_102] : memref<1x1000000xf32, #tpu.memory_space<hbm>> -> memref<1x1000000xf32, #tpu.memory_space<hbm>>
    %dma_wait3A_104 = tpu.memref_squeeze %dma_wait3A_103 : memref<1x1000000xf32, #tpu.memory_space<hbm>> -> memref<1000000xf32, #tpu.memory_space<hbm>>
    %dma_wait3A_105 = arith.constant 0 : i32
    %dma_wait3A_106 = tpu.memref_slice %dma_wait3A_104[%dma_wait3A_105] : memref<1000000xf32, #tpu.memory_space<hbm>> -> memref<1000000xf32, #tpu.memory_space<hbm>>
    tpu.wait_indirect_dma semaphore(%arg17 : memref<!tpu.dma_semaphore, #tpu.memory_space<semaphore_mem>>) src(%dma_wait3A_106 : memref<1000000xf32, #tpu.memory_space<hbm>>) dst(%arg14 : memref<128xf32, #tpu.memory_space<vmem>>)
    %dma_wait3A_107 = arith.constant 0 : i32
    %dma_wait3A_108 = arith.constant 128 : i32
    %dma_wait3A_109 = tpu.memref_slice %arg9[%dma_wait3A_108] : memref<512xi32, #tpu.memory_space<vmem>> -> memref<128xi32, #tpu.memory_space<vmem>>
    %dma_wait3A_110 = arith.constant 0 : i32
    %dma_wait3A_111 = tpu.memref_slice %arg6[%dma_wait3A_107, %dma_wait3A_110] : memref<1x1000000xf32, #tpu.memory_space<hbm>> -> memref<1x1000000xf32, #tpu.memory_space<hbm>>
    %dma_wait3A_112 = tpu.memref_squeeze %dma_wait3A_111 : memref<1x1000000xf32, #tpu.memory_space<hbm>> -> memref<1000000xf32, #tpu.memory_space<hbm>>
    %dma_wait3A_113 = arith.constant 0 : i32
    %dma_wait3A_114 = tpu.memref_slice %dma_wait3A_112[%dma_wait3A_113] : memref<1000000xf32, #tpu.memory_space<hbm>> -> memref<1000000xf32, #tpu.memory_space<hbm>>
    tpu.wait_indirect_dma semaphore(%arg17 : memref<!tpu.dma_semaphore, #tpu.memory_space<semaphore_mem>>) src(%dma_wait3A_114 : memref<1000000xf32, #tpu.memory_space<hbm>>) dst(%arg15 : memref<128xf32, #tpu.memory_space<vmem>>)
    %scan3A_115 = arith.constant 0 : i32
    %scan3A_116 = arith.constant 8 : i32
    %scan3A_117 = arith.addi %scan3A_115, %scan3A_116 : i32
    %scan3A_118 = arith.constant 1 : i32
    scf.for %scan3A_234 = %scan3A_115 to %scan3A_117 step %scan3A_118  : i32 {
      %mul3A_235 = arith.constant 1 : i32
      %mul3A_236 = arith.muli %scan3A_234, %mul3A_235 : i32
      %add3A_237 = arith.constant 0 : i32
      %add3A_238 = arith.addi %add3A_237, %mul3A_236 : i32
      %mul3A_239 = arith.constant 16 : i32
      %mul3A_240 = arith.muli %add3A_238, %mul3A_239 : i32
      %mul3A_241 = arith.constant 16 : i32
      %mul3A_242 = arith.muli %add3A_238, %mul3A_241 : i32
      %add3A_243 = arith.constant 128 : i32
      %add3A_244 = arith.addi %add3A_243, %mul3A_242 : i32
      %iota3A = tpu.iota {dimensions = array<i32: 0>} : vector<16xi32>
      %mul3A_245 = arith.constant 16 : i32
      %mul3A_246 = arith.muli %add3A_238, %mul3A_245 : i32
      %add3A_247 = vector.broadcast %mul3A_246 : i32 to vector<16xi32>
      %add3A_248 = arith.addi %iota3A, %add3A_247 : vector<16xi32>
      %get3A = arith.index_cast %add3A_244 : i32 to index
      %get3A_249 = tpu.vector_load %arg8[%get3A] {strides = array<i32>} : memref<512xi32, #tpu.memory_space<vmem>>, vector<16xi32>,
      %shift_right_arithmetic3A = arith.constant 18 : i32
      %shift_right_arithmetic3A_250 = vector.broadcast %shift_right_arithmetic3A : i32 to vector<16xi32>
      %shift_right_arithmetic3A_251 = arith.shrsi %get3A_249, %shift_right_arithmetic3A_250 : vector<16xi32>
      %shift_left3A = arith.constant 5 : i32
      %shift_left3A_252 = vector.broadcast %shift_left3A : i32 to vector<16xi32>
      %shift_left3A_253 = arith.shli %shift_right_arithmetic3A_251, %shift_left3A_252 : vector<16xi32>
      %get3A_254 = arith.index_cast %add3A_244 : i32 to index
      %get3A_255 = tpu.vector_load %arg9[%get3A_254] {strides = array<i32>} : memref<512xi32, #tpu.memory_space<vmem>>, vector<16xi32>,
      %shift_right_arithmetic3A_256 = arith.constant 18 : i32
      %shift_right_arithmetic3A_257 = vector.broadcast %shift_right_arithmetic3A_256 : i32 to vector<16xi32>
      %shift_right_arithmetic3A_258 = arith.shrsi %get3A_255, %shift_right_arithmetic3A_257 : vector<16xi32>
      %shift_left3A_259 = arith.constant 5 : i32
      %shift_left3A_260 = vector.broadcast %shift_left3A_259 : i32 to vector<16xi32>
      %shift_left3A_261 = arith.shli %shift_right_arithmetic3A_258, %shift_left3A_260 : vector<16xi32>
      %get3A_262 = arith.index_cast %mul3A_240 : i32 to index
      %get3A_263 = tpu.vector_load %arg14[%get3A_262] {strides = array<i32>} : memref<128xf32, #tpu.memory_space<vmem>>, vector<16xf32>,
      %get3A_264 = arith.index_cast %mul3A_240 : i32 to index
      %get3A_265 = tpu.vector_load %arg15[%get3A_264] {strides = array<i32>} : memref<128xf32, #tpu.memory_space<vmem>>, vector<16xf32>,
      %add3A_266 = arith.addf %get3A_263, %get3A_265 : vector<16xf32>
      %add3A_267 = arith.constant 3.500000e+00 : f32
      %add3A_268 = vector.broadcast %add3A_267 : f32 to vector<16xf32>
      %add3A_269 = arith.addf %add3A_266, %add3A_268 : vector<16xf32>
      %add3A_270 = arith.constant 0 : i32
      %add3A_271 = vector.broadcast %add3A_270 : i32 to vector<16xi32>
      %add3A_272 = arith.addi %shift_left3A_253, %add3A_271 : vector<16xi32>
      %gather3A = tpu.vector_load_idx %arg12[%add3A_248, %add3A_272] : memref<128x128xf32, #tpu.memory_space<vmem>>[vector<16xi32>, vector<16xi32>], vector<16xf32>,
      %add3A_273 = arith.constant 0 : i32
      %add3A_274 = vector.broadcast %add3A_273 : i32 to vector<16xi32>
      %add3A_275 = arith.addi %shift_left3A_261, %add3A_274 : vector<16xi32>
      %gather3A_276 = tpu.vector_load_idx %arg13[%add3A_248, %add3A_275] : memref<128x128xf32, #tpu.memory_space<vmem>>[vector<16xi32>, vector<16xi32>], vector<16xf32>,
      %mul3A_277 = arith.mulf %gather3A, %gather3A_276 : vector<16xf32>
      %add3A_278 = arith.addf %add3A_269, %mul3A_277 : vector<16xf32>
      %add3A_279 = arith.constant 1 : i32
      %add3A_280 = vector.broadcast %add3A_279 : i32 to vector<16xi32>
      %add3A_281 = arith.addi %shift_left3A_253, %add3A_280 : vector<16xi32>
      %gather3A_282 = tpu.vector_load_idx %arg12[%add3A_248, %add3A_281] : memref<128x128xf32, #tpu.memory_space<vmem>>[vector<16xi32>, vector<16xi32>], vector<16xf32>,
      %add3A_283 = arith.constant 1 : i32
      %add3A_284 = vector.broadcast %add3A_283 : i32 to vector<16xi32>
      %add3A_285 = arith.addi %shift_left3A_261, %add3A_284 : vector<16xi32>
      %gather3A_286 = tpu.vector_load_idx %arg13[%add3A_248, %add3A_285] : memref<128x128xf32, #tpu.memory_space<vmem>>[vector<16xi32>, vector<16xi32>], vector<16xf32>,
      %mul3A_287 = arith.mulf %gather3A_282, %gather3A_286 : vector<16xf32>
      %add3A_288 = arith.addf %add3A_278, %mul3A_287 : vector<16xf32>
      %add3A_289 = arith.constant 2 : i32
      %add3A_290 = vector.broadcast %add3A_289 : i32 to vector<16xi32>
      %add3A_291 = arith.addi %shift_left3A_253, %add3A_290 : vector<16xi32>
      %gather3A_292 = tpu.vector_load_idx %arg12[%add3A_248, %add3A_291] : memref<128x128xf32, #tpu.memory_space<vmem>>[vector<16xi32>, vector<16xi32>], vector<16xf32>,
      %add3A_293 = arith.constant 2 : i32
      %add3A_294 = vector.broadcast %add3A_293 : i32 to vector<16xi32>
      %add3A_295 = arith.addi %shift_left3A_261, %add3A_294 : vector<16xi32>
      %gather3A_296 = tpu.vector_load_idx %arg13[%add3A_248, %add3A_295] : memref<128x128xf32, #tpu.memory_space<vmem>>[vector<16xi32>, vector<16xi32>], vector<16xf32>,
      %mul3A_297 = arith.mulf %gather3A_292, %gather3A_296 : vector<16xf32>
      %add3A_298 = arith.addf %add3A_288, %mul3A_297 : vector<16xf32>
      %add3A_299 = arith.constant 3 : i32
      %add3A_300 = vector.broadcast %add3A_299 : i32 to vector<16xi32>
      %add3A_301 = arith.addi %shift_left3A_253, %add3A_300 : vector<16xi32>
      %gather3A_302 = tpu.vector_load_idx %arg12[%add3A_248, %add3A_301] : memref<128x128xf32, #tpu.memory_space<vmem>>[vector<16xi32>, vector<16xi32>], vector<16xf32>,
      %add3A_303 = arith.constant 3 : i32
      %add3A_304 = vector.broadcast %add3A_303 : i32 to vector<16xi32>
      %add3A_305 = arith.addi %shift_left3A_261, %add3A_304 : vector<16xi32>
      %gather3A_306 = tpu.vector_load_idx %arg13[%add3A_248, %add3A_305] : memref<128x128xf32, #tpu.memory_space<vmem>>[vector<16xi32>, vector<16xi32>], vector<16xf32>,
      %mul3A_307 = arith.mulf %gather3A_302, %gather3A_306 : vector<16xf32>
      %add3A_308 = arith.addf %add3A_298, %mul3A_307 : vector<16xf32>
      %add3A_309 = arith.constant 4 : i32
      %add3A_310 = vector.broadcast %add3A_309 : i32 to vector<16xi32>
      %add3A_311 = arith.addi %shift_left3A_253, %add3A_310 : vector<16xi32>
      %gather3A_312 = tpu.vector_load_idx %arg12[%add3A_248, %add3A_311] : memref<128x128xf32, #tpu.memory_space<vmem>>[vector<16xi32>, vector<16xi32>], vector<16xf32>,
      %add3A_313 = arith.constant 4 : i32
      %add3A_314 = vector.broadcast %add3A_313 : i32 to vector<16xi32>
      %add3A_315 = arith.addi %shift_left3A_261, %add3A_314 : vector<16xi32>
      %gather3A_316 = tpu.vector_load_idx %arg13[%add3A_248, %add3A_315] : memref<128x128xf32, #tpu.memory_space<vmem>>[vector<16xi32>, vector<16xi32>], vector<16xf32>,
      %mul3A_317 = arith.mulf %gather3A_312, %gather3A_316 : vector<16xf32>
      %add3A_318 = arith.addf %add3A_308, %mul3A_317 : vector<16xf32>
      %add3A_319 = arith.constant 5 : i32
      %add3A_320 = vector.broadcast %add3A_319 : i32 to vector<16xi32>
      %add3A_321 = arith.addi %shift_left3A_253, %add3A_320 : vector<16xi32>
      %gather3A_322 = tpu.vector_load_idx %arg12[%add3A_248, %add3A_321] : memref<128x128xf32, #tpu.memory_space<vmem>>[vector<16xi32>, vector<16xi32>], vector<16xf32>,
      %add3A_323 = arith.constant 5 : i32
      %add3A_324 = vector.broadcast %add3A_323 : i32 to vector<16xi32>
      %add3A_325 = arith.addi %shift_left3A_261, %add3A_324 : vector<16xi32>
      %gather3A_326 = tpu.vector_load_idx %arg13[%add3A_248, %add3A_325] : memref<128x128xf32, #tpu.memory_space<vmem>>[vector<16xi32>, vector<16xi32>], vector<16xf32>,
      %mul3A_327 = arith.mulf %gather3A_322, %gather3A_326 : vector<16xf32>
      %add3A_328 = arith.addf %add3A_318, %mul3A_327 : vector<16xf32>
      %add3A_329 = arith.constant 6 : i32
      %add3A_330 = vector.broadcast %add3A_329 : i32 to vector<16xi32>
      %add3A_331 = arith.addi %shift_left3A_253, %add3A_330 : vector<16xi32>
      %gather3A_332 = tpu.vector_load_idx %arg12[%add3A_248, %add3A_331] : memref<128x128xf32, #tpu.memory_space<vmem>>[vector<16xi32>, vector<16xi32>], vector<16xf32>,
      %add3A_333 = arith.constant 6 : i32
      %add3A_334 = vector.broadcast %add3A_333 : i32 to vector<16xi32>
      %add3A_335 = arith.addi %shift_left3A_261, %add3A_334 : vector<16xi32>
      %gather3A_336 = tpu.vector_load_idx %arg13[%add3A_248, %add3A_335] : memref<128x128xf32, #tpu.memory_space<vmem>>[vector<16xi32>, vector<16xi32>], vector<16xf32>,
      %mul3A_337 = arith.mulf %gather3A_332, %gather3A_336 : vector<16xf32>
      %add3A_338 = arith.addf %add3A_328, %mul3A_337 : vector<16xf32>
      %add3A_339 = arith.constant 7 : i32
      %add3A_340 = vector.broadcast %add3A_339 : i32 to vector<16xi32>
      %add3A_341 = arith.addi %shift_left3A_253, %add3A_340 : vector<16xi32>
      %gather3A_342 = tpu.vector_load_idx %arg12[%add3A_248, %add3A_341] : memref<128x128xf32, #tpu.memory_space<vmem>>[vector<16xi32>, vector<16xi32>], vector<16xf32>,
      %add3A_343 = arith.constant 7 : i32
      %add3A_344 = vector.broadcast %add3A_343 : i32 to vector<16xi32>
      %add3A_345 = arith.addi %shift_left3A_261, %add3A_344 : vector<16xi32>
      %gather3A_346 = tpu.vector_load_idx %arg13[%add3A_248, %add3A_345] : memref<128x128xf32, #tpu.memory_space<vmem>>[vector<16xi32>, vector<16xi32>], vector<16xf32>,
      %mul3A_347 = arith.mulf %gather3A_342, %gather3A_346 : vector<16xf32>
      %add3A_348 = arith.addf %add3A_338, %mul3A_347 : vector<16xf32>
      %add3A_349 = arith.constant 8 : i32
      %add3A_350 = vector.broadcast %add3A_349 : i32 to vector<16xi32>
      %add3A_351 = arith.addi %shift_left3A_253, %add3A_350 : vector<16xi32>
      %gather3A_352 = tpu.vector_load_idx %arg12[%add3A_248, %add3A_351] : memref<128x128xf32, #tpu.memory_space<vmem>>[vector<16xi32>, vector<16xi32>], vector<16xf32>,
      %add3A_353 = arith.constant 8 : i32
      %add3A_354 = vector.broadcast %add3A_353 : i32 to vector<16xi32>
      %add3A_355 = arith.addi %shift_left3A_261, %add3A_354 : vector<16xi32>
      %gather3A_356 = tpu.vector_load_idx %arg13[%add3A_248, %add3A_355] : memref<128x128xf32, #tpu.memory_space<vmem>>[vector<16xi32>, vector<16xi32>], vector<16xf32>,
      %mul3A_357 = arith.mulf %gather3A_352, %gather3A_356 : vector<16xf32>
      %add3A_358 = arith.addf %add3A_348, %mul3A_357 : vector<16xf32>
      %add3A_359 = arith.constant 9 : i32
      %add3A_360 = vector.broadcast %add3A_359 : i32 to vector<16xi32>
      %add3A_361 = arith.addi %shift_left3A_253, %add3A_360 : vector<16xi32>
      %gather3A_362 = tpu.vector_load_idx %arg12[%add3A_248, %add3A_361] : memref<128x128xf32, #tpu.memory_space<vmem>>[vector<16xi32>, vector<16xi32>], vector<16xf32>,
      %add3A_363 = arith.constant 9 : i32
      %add3A_364 = vector.broadcast %add3A_363 : i32 to vector<16xi32>
      %add3A_365 = arith.addi %shift_left3A_261, %add3A_364 : vector<16xi32>
      %gather3A_366 = tpu.vector_load_idx %arg13[%add3A_248, %add3A_365] : memref<128x128xf32, #tpu.memory_space<vmem>>[vector<16xi32>, vector<16xi32>], vector<16xf32>,
      %mul3A_367 = arith.mulf %gather3A_362, %gather3A_366 : vector<16xf32>
      %add3A_368 = arith.addf %add3A_358, %mul3A_367 : vector<16xf32>
      %add3A_369 = arith.constant 10 : i32
      %add3A_370 = vector.broadcast %add3A_369 : i32 to vector<16xi32>
      %add3A_371 = arith.addi %shift_left3A_253, %add3A_370 : vector<16xi32>
      %gather3A_372 = tpu.vector_load_idx %arg12[%add3A_248, %add3A_371] : memref<128x128xf32, #tpu.memory_space<vmem>>[vector<16xi32>, vector<16xi32>], vector<16xf32>,
      %add3A_373 = arith.constant 10 : i32
      %add3A_374 = vector.broadcast %add3A_373 : i32 to vector<16xi32>
      %add3A_375 = arith.addi %shift_left3A_261, %add3A_374 : vector<16xi32>
      %gather3A_376 = tpu.vector_load_idx %arg13[%add3A_248, %add3A_375] : memref<128x128xf32, #tpu.memory_space<vmem>>[vector<16xi32>, vector<16xi32>], vector<16xf32>,
      %mul3A_377 = arith.mulf %gather3A_372, %gather3A_376 : vector<16xf32>
      %add3A_378 = arith.addf %add3A_368, %mul3A_377 : vector<16xf32>
      %add3A_379 = arith.constant 11 : i32
      %add3A_380 = vector.broadcast %add3A_379 : i32 to vector<16xi32>
      %add3A_381 = arith.addi %shift_left3A_253, %add3A_380 : vector<16xi32>
      %gather3A_382 = tpu.vector_load_idx %arg12[%add3A_248, %add3A_381] : memref<128x128xf32, #tpu.memory_space<vmem>>[vector<16xi32>, vector<16xi32>], vector<16xf32>,
      %add3A_383 = arith.constant 11 : i32
      %add3A_384 = vector.broadcast %add3A_383 : i32 to vector<16xi32>
      %add3A_385 = arith.addi %shift_left3A_261, %add3A_384 : vector<16xi32>
      %gather3A_386 = tpu.vector_load_idx %arg13[%add3A_248, %add3A_385] : memref<128x128xf32, #tpu.memory_space<vmem>>[vector<16xi32>, vector<16xi32>], vector<16xf32>,
      %mul3A_387 = arith.mulf %gather3A_382, %gather3A_386 : vector<16xf32>
      %add3A_388 = arith.addf %add3A_378, %mul3A_387 : vector<16xf32>
      %add3A_389 = arith.constant 12 : i32
      %add3A_390 = vector.broadcast %add3A_389 : i32 to vector<16xi32>
      %add3A_391 = arith.addi %shift_left3A_253, %add3A_390 : vector<16xi32>
      %gather3A_392 = tpu.vector_load_idx %arg12[%add3A_248, %add3A_391] : memref<128x128xf32, #tpu.memory_space<vmem>>[vector<16xi32>, vector<16xi32>], vector<16xf32>,
      %add3A_393 = arith.constant 12 : i32
      %add3A_394 = vector.broadcast %add3A_393 : i32 to vector<16xi32>
      %add3A_395 = arith.addi %shift_left3A_261, %add3A_394 : vector<16xi32>
      %gather3A_396 = tpu.vector_load_idx %arg13[%add3A_248, %add3A_395] : memref<128x128xf32, #tpu.memory_space<vmem>>[vector<16xi32>, vector<16xi32>], vector<16xf32>,
      %mul3A_397 = arith.mulf %gather3A_392, %gather3A_396 : vector<16xf32>
      %add3A_398 = arith.addf %add3A_388, %mul3A_397 : vector<16xf32>
      %add3A_399 = arith.constant 13 : i32
      %add3A_400 = vector.broadcast %add3A_399 : i32 to vector<16xi32>
      %add3A_401 = arith.addi %shift_left3A_253, %add3A_400 : vector<16xi32>
      %gather3A_402 = tpu.vector_load_idx %arg12[%add3A_248, %add3A_401] : memref<128x128xf32, #tpu.memory_space<vmem>>[vector<16xi32>, vector<16xi32>], vector<16xf32>,
      %add3A_403 = arith.constant 13 : i32
      %add3A_404 = vector.broadcast %add3A_403 : i32 to vector<16xi32>
      %add3A_405 = arith.addi %shift_left3A_261, %add3A_404 : vector<16xi32>
      %gather3A_406 = tpu.vector_load_idx %arg13[%add3A_248, %add3A_405] : memref<128x128xf32, #tpu.memory_space<vmem>>[vector<16xi32>, vector<16xi32>], vector<16xf32>,
      %mul3A_407 = arith.mulf %gather3A_402, %gather3A_406 : vector<16xf32>
      %add3A_408 = arith.addf %add3A_398, %mul3A_407 : vector<16xf32>
      %add3A_409 = arith.constant 14 : i32
      %add3A_410 = vector.broadcast %add3A_409 : i32 to vector<16xi32>
      %add3A_411 = arith.addi %shift_left3A_253, %add3A_410 : vector<16xi32>
      %gather3A_412 = tpu.vector_load_idx %arg12[%add3A_248, %add3A_411] : memref<128x128xf32, #tpu.memory_space<vmem>>[vector<16xi32>, vector<16xi32>], vector<16xf32>,
      %add3A_413 = arith.constant 14 : i32
      %add3A_414 = vector.broadcast %add3A_413 : i32 to vector<16xi32>
      %add3A_415 = arith.addi %shift_left3A_261, %add3A_414 : vector<16xi32>
      %gather3A_416 = tpu.vector_load_idx %arg13[%add3A_248, %add3A_415] : memref<128x128xf32, #tpu.memory_space<vmem>>[vector<16xi32>, vector<16xi32>], vector<16xf32>,
      %mul3A_417 = arith.mulf %gather3A_412, %gather3A_416 : vector<16xf32>
      %add3A_418 = arith.addf %add3A_408, %mul3A_417 : vector<16xf32>
      %add3A_419 = arith.constant 15 : i32
      %add3A_420 = vector.broadcast %add3A_419 : i32 to vector<16xi32>
      %add3A_421 = arith.addi %shift_left3A_253, %add3A_420 : vector<16xi32>
      %gather3A_422 = tpu.vector_load_idx %arg12[%add3A_248, %add3A_421] : memref<128x128xf32, #tpu.memory_space<vmem>>[vector<16xi32>, vector<16xi32>], vector<16xf32>,
      %add3A_423 = arith.constant 15 : i32
      %add3A_424 = vector.broadcast %add3A_423 : i32 to vector<16xi32>
      %add3A_425 = arith.addi %shift_left3A_261, %add3A_424 : vector<16xi32>
      %gather3A_426 = tpu.vector_load_idx %arg13[%add3A_248, %add3A_425] : memref<128x128xf32, #tpu.memory_space<vmem>>[vector<16xi32>, vector<16xi32>], vector<16xf32>,
      %mul3A_427 = arith.mulf %gather3A_422, %gather3A_426 : vector<16xf32>
      %add3A_428 = arith.addf %add3A_418, %mul3A_427 : vector<16xf32>
      %add3A_429 = arith.constant 16 : i32
      %add3A_430 = vector.broadcast %add3A_429 : i32 to vector<16xi32>
      %add3A_431 = arith.addi %shift_left3A_253, %add3A_430 : vector<16xi32>
      %gather3A_432 = tpu.vector_load_idx %arg12[%add3A_248, %add3A_431] : memref<128x128xf32, #tpu.memory_space<vmem>>[vector<16xi32>, vector<16xi32>], vector<16xf32>,
      %add3A_433 = arith.constant 16 : i32
      %add3A_434 = vector.broadcast %add3A_433 : i32 to vector<16xi32>
      %add3A_435 = arith.addi %shift_left3A_261, %add3A_434 : vector<16xi32>
      %gather3A_436 = tpu.vector_load_idx %arg13[%add3A_248, %add3A_435] : memref<128x128xf32, #tpu.memory_space<vmem>>[vector<16xi32>, vector<16xi32>], vector<16xf32>,
      %mul3A_437 = arith.mulf %gather3A_432, %gather3A_436 : vector<16xf32>
      %add3A_438 = arith.addf %add3A_428, %mul3A_437 : vector<16xf32>
      %add3A_439 = arith.constant 17 : i32
      %add3A_440 = vector.broadcast %add3A_439 : i32 to vector<16xi32>
      %add3A_441 = arith.addi %shift_left3A_253, %add3A_440 : vector<16xi32>
      %gather3A_442 = tpu.vector_load_idx %arg12[%add3A_248, %add3A_441] : memref<128x128xf32, #tpu.memory_space<vmem>>[vector<16xi32>, vector<16xi32>], vector<16xf32>,
      %add3A_443 = arith.constant 17 : i32
      %add3A_444 = vector.broadcast %add3A_443 : i32 to vector<16xi32>
      %add3A_445 = arith.addi %shift_left3A_261, %add3A_444 : vector<16xi32>
      %gather3A_446 = tpu.vector_load_idx %arg13[%add3A_248, %add3A_445] : memref<128x128xf32, #tpu.memory_space<vmem>>[vector<16xi32>, vector<16xi32>], vector<16xf32>,
      %mul3A_447 = arith.mulf %gather3A_442, %gather3A_446 : vector<16xf32>
      %add3A_448 = arith.addf %add3A_438, %mul3A_447 : vector<16xf32>
      %add3A_449 = arith.constant 18 : i32
      %add3A_450 = vector.broadcast %add3A_449 : i32 to vector<16xi32>
      %add3A_451 = arith.addi %shift_left3A_253, %add3A_450 : vector<16xi32>
      %gather3A_452 = tpu.vector_load_idx %arg12[%add3A_248, %add3A_451] : memref<128x128xf32, #tpu.memory_space<vmem>>[vector<16xi32>, vector<16xi32>], vector<16xf32>,
      %add3A_453 = arith.constant 18 : i32
      %add3A_454 = vector.broadcast %add3A_453 : i32 to vector<16xi32>
      %add3A_455 = arith.addi %shift_left3A_261, %add3A_454 : vector<16xi32>
      %gather3A_456 = tpu.vector_load_idx %arg13[%add3A_248, %add3A_455] : memref<128x128xf32, #tpu.memory_space<vmem>>[vector<16xi32>, vector<16xi32>], vector<16xf32>,
      %mul3A_457 = arith.mulf %gather3A_452, %gather3A_456 : vector<16xf32>
      %add3A_458 = arith.addf %add3A_448, %mul3A_457 : vector<16xf32>
      %add3A_459 = arith.constant 19 : i32
      %add3A_460 = vector.broadcast %add3A_459 : i32 to vector<16xi32>
      %add3A_461 = arith.addi %shift_left3A_253, %add3A_460 : vector<16xi32>
      %gather3A_462 = tpu.vector_load_idx %arg12[%add3A_248, %add3A_461] : memref<128x128xf32, #tpu.memory_space<vmem>>[vector<16xi32>, vector<16xi32>], vector<16xf32>,
      %add3A_463 = arith.constant 19 : i32
      %add3A_464 = vector.broadcast %add3A_463 : i32 to vector<16xi32>
      %add3A_465 = arith.addi %shift_left3A_261, %add3A_464 : vector<16xi32>
      %gather3A_466 = tpu.vector_load_idx %arg13[%add3A_248, %add3A_465] : memref<128x128xf32, #tpu.memory_space<vmem>>[vector<16xi32>, vector<16xi32>], vector<16xf32>,
      %mul3A_467 = arith.mulf %gather3A_462, %gather3A_466 : vector<16xf32>
      %add3A_468 = arith.addf %add3A_458, %mul3A_467 : vector<16xf32>
      %add3A_469 = arith.constant 20 : i32
      %add3A_470 = vector.broadcast %add3A_469 : i32 to vector<16xi32>
      %add3A_471 = arith.addi %shift_left3A_253, %add3A_470 : vector<16xi32>
      %gather3A_472 = tpu.vector_load_idx %arg12[%add3A_248, %add3A_471] : memref<128x128xf32, #tpu.memory_space<vmem>>[vector<16xi32>, vector<16xi32>], vector<16xf32>,
      %add3A_473 = arith.constant 20 : i32
      %add3A_474 = vector.broadcast %add3A_473 : i32 to vector<16xi32>
      %add3A_475 = arith.addi %shift_left3A_261, %add3A_474 : vector<16xi32>
      %gather3A_476 = tpu.vector_load_idx %arg13[%add3A_248, %add3A_475] : memref<128x128xf32, #tpu.memory_space<vmem>>[vector<16xi32>, vector<16xi32>], vector<16xf32>,
      %mul3A_477 = arith.mulf %gather3A_472, %gather3A_476 : vector<16xf32>
      %add3A_478 = arith.addf %add3A_468, %mul3A_477 : vector<16xf32>
      %add3A_479 = arith.constant 21 : i32
      %add3A_480 = vector.broadcast %add3A_479 : i32 to vector<16xi32>
      %add3A_481 = arith.addi %shift_left3A_253, %add3A_480 : vector<16xi32>
      %gather3A_482 = tpu.vector_load_idx %arg12[%add3A_248, %add3A_481] : memref<128x128xf32, #tpu.memory_space<vmem>>[vector<16xi32>, vector<16xi32>], vector<16xf32>,
      %add3A_483 = arith.constant 21 : i32
      %add3A_484 = vector.broadcast %add3A_483 : i32 to vector<16xi32>
      %add3A_485 = arith.addi %shift_left3A_261, %add3A_484 : vector<16xi32>
      %gather3A_486 = tpu.vector_load_idx %arg13[%add3A_248, %add3A_485] : memref<128x128xf32, #tpu.memory_space<vmem>>[vector<16xi32>, vector<16xi32>], vector<16xf32>,
      %mul3A_487 = arith.mulf %gather3A_482, %gather3A_486 : vector<16xf32>
      %add3A_488 = arith.addf %add3A_478, %mul3A_487 : vector<16xf32>
      %add3A_489 = arith.constant 22 : i32
      %add3A_490 = vector.broadcast %add3A_489 : i32 to vector<16xi32>
      %add3A_491 = arith.addi %shift_left3A_253, %add3A_490 : vector<16xi32>
      %gather3A_492 = tpu.vector_load_idx %arg12[%add3A_248, %add3A_491] : memref<128x128xf32, #tpu.memory_space<vmem>>[vector<16xi32>, vector<16xi32>], vector<16xf32>,
      %add3A_493 = arith.constant 22 : i32
      %add3A_494 = vector.broadcast %add3A_493 : i32 to vector<16xi32>
      %add3A_495 = arith.addi %shift_left3A_261, %add3A_494 : vector<16xi32>
      %gather3A_496 = tpu.vector_load_idx %arg13[%add3A_248, %add3A_495] : memref<128x128xf32, #tpu.memory_space<vmem>>[vector<16xi32>, vector<16xi32>], vector<16xf32>,
      %mul3A_497 = arith.mulf %gather3A_492, %gather3A_496 : vector<16xf32>
      %add3A_498 = arith.addf %add3A_488, %mul3A_497 : vector<16xf32>
      %add3A_499 = arith.constant 23 : i32
      %add3A_500 = vector.broadcast %add3A_499 : i32 to vector<16xi32>
      %add3A_501 = arith.addi %shift_left3A_253, %add3A_500 : vector<16xi32>
      %gather3A_502 = tpu.vector_load_idx %arg12[%add3A_248, %add3A_501] : memref<128x128xf32, #tpu.memory_space<vmem>>[vector<16xi32>, vector<16xi32>], vector<16xf32>,
      %add3A_503 = arith.constant 23 : i32
      %add3A_504 = vector.broadcast %add3A_503 : i32 to vector<16xi32>
      %add3A_505 = arith.addi %shift_left3A_261, %add3A_504 : vector<16xi32>
      %gather3A_506 = tpu.vector_load_idx %arg13[%add3A_248, %add3A_505] : memref<128x128xf32, #tpu.memory_space<vmem>>[vector<16xi32>, vector<16xi32>], vector<16xf32>,
      %mul3A_507 = arith.mulf %gather3A_502, %gather3A_506 : vector<16xf32>
      %add3A_508 = arith.addf %add3A_498, %mul3A_507 : vector<16xf32>
      %add3A_509 = arith.constant 24 : i32
      %add3A_510 = vector.broadcast %add3A_509 : i32 to vector<16xi32>
      %add3A_511 = arith.addi %shift_left3A_253, %add3A_510 : vector<16xi32>
      %gather3A_512 = tpu.vector_load_idx %arg12[%add3A_248, %add3A_511] : memref<128x128xf32, #tpu.memory_space<vmem>>[vector<16xi32>, vector<16xi32>], vector<16xf32>,
      %add3A_513 = arith.constant 24 : i32
      %add3A_514 = vector.broadcast %add3A_513 : i32 to vector<16xi32>
      %add3A_515 = arith.addi %shift_left3A_261, %add3A_514 : vector<16xi32>
      %gather3A_516 = tpu.vector_load_idx %arg13[%add3A_248, %add3A_515] : memref<128x128xf32, #tpu.memory_space<vmem>>[vector<16xi32>, vector<16xi32>], vector<16xf32>,
      %mul3A_517 = arith.mulf %gather3A_512, %gather3A_516 : vector<16xf32>
      %add3A_518 = arith.addf %add3A_508, %mul3A_517 : vector<16xf32>
      %add3A_519 = arith.constant 25 : i32
      %add3A_520 = vector.broadcast %add3A_519 : i32 to vector<16xi32>
      %add3A_521 = arith.addi %shift_left3A_253, %add3A_520 : vector<16xi32>
      %gather3A_522 = tpu.vector_load_idx %arg12[%add3A_248, %add3A_521] : memref<128x128xf32, #tpu.memory_space<vmem>>[vector<16xi32>, vector<16xi32>], vector<16xf32>,
      %add3A_523 = arith.constant 25 : i32
      %add3A_524 = vector.broadcast %add3A_523 : i32 to vector<16xi32>
      %add3A_525 = arith.addi %shift_left3A_261, %add3A_524 : vector<16xi32>
      %gather3A_526 = tpu.vector_load_idx %arg13[%add3A_248, %add3A_525] : memref<128x128xf32, #tpu.memory_space<vmem>>[vector<16xi32>, vector<16xi32>], vector<16xf32>,
      %mul3A_527 = arith.mulf %gather3A_522, %gather3A_526 : vector<16xf32>
      %add3A_528 = arith.addf %add3A_518, %mul3A_527 : vector<16xf32>
      %add3A_529 = arith.constant 26 : i32
      %add3A_530 = vector.broadcast %add3A_529 : i32 to vector<16xi32>
      %add3A_531 = arith.addi %shift_left3A_253, %add3A_530 : vector<16xi32>
      %gather3A_532 = tpu.vector_load_idx %arg12[%add3A_248, %add3A_531] : memref<128x128xf32, #tpu.memory_space<vmem>>[vector<16xi32>, vector<16xi32>], vector<16xf32>,
      %add3A_533 = arith.constant 26 : i32
      %add3A_534 = vector.broadcast %add3A_533 : i32 to vector<16xi32>
      %add3A_535 = arith.addi %shift_left3A_261, %add3A_534 : vector<16xi32>
      %gather3A_536 = tpu.vector_load_idx %arg13[%add3A_248, %add3A_535] : memref<128x128xf32, #tpu.memory_space<vmem>>[vector<16xi32>, vector<16xi32>], vector<16xf32>,
      %mul3A_537 = arith.mulf %gather3A_532, %gather3A_536 : vector<16xf32>
      %add3A_538 = arith.addf %add3A_528, %mul3A_537 : vector<16xf32>
      %add3A_539 = arith.constant 27 : i32
      %add3A_540 = vector.broadcast %add3A_539 : i32 to vector<16xi32>
      %add3A_541 = arith.addi %shift_left3A_253, %add3A_540 : vector<16xi32>
      %gather3A_542 = tpu.vector_load_idx %arg12[%add3A_248, %add3A_541] : memref<128x128xf32, #tpu.memory_space<vmem>>[vector<16xi32>, vector<16xi32>], vector<16xf32>,
      %add3A_543 = arith.constant 27 : i32
      %add3A_544 = vector.broadcast %add3A_543 : i32 to vector<16xi32>
      %add3A_545 = arith.addi %shift_left3A_261, %add3A_544 : vector<16xi32>
      %gather3A_546 = tpu.vector_load_idx %arg13[%add3A_248, %add3A_545] : memref<128x128xf32, #tpu.memory_space<vmem>>[vector<16xi32>, vector<16xi32>], vector<16xf32>,
      %mul3A_547 = arith.mulf %gather3A_542, %gather3A_546 : vector<16xf32>
      %add3A_548 = arith.addf %add3A_538, %mul3A_547 : vector<16xf32>
      %add3A_549 = arith.constant 28 : i32
      %add3A_550 = vector.broadcast %add3A_549 : i32 to vector<16xi32>
      %add3A_551 = arith.addi %shift_left3A_253, %add3A_550 : vector<16xi32>
      %gather3A_552 = tpu.vector_load_idx %arg12[%add3A_248, %add3A_551] : memref<128x128xf32, #tpu.memory_space<vmem>>[vector<16xi32>, vector<16xi32>], vector<16xf32>,
      %add3A_553 = arith.constant 28 : i32
      %add3A_554 = vector.broadcast %add3A_553 : i32 to vector<16xi32>
      %add3A_555 = arith.addi %shift_left3A_261, %add3A_554 : vector<16xi32>
      %gather3A_556 = tpu.vector_load_idx %arg13[%add3A_248, %add3A_555] : memref<128x128xf32, #tpu.memory_space<vmem>>[vector<16xi32>, vector<16xi32>], vector<16xf32>,
      %mul3A_557 = arith.mulf %gather3A_552, %gather3A_556 : vector<16xf32>
      %add3A_558 = arith.addf %add3A_548, %mul3A_557 : vector<16xf32>
      %add3A_559 = arith.constant 29 : i32
      %add3A_560 = vector.broadcast %add3A_559 : i32 to vector<16xi32>
      %add3A_561 = arith.addi %shift_left3A_253, %add3A_560 : vector<16xi32>
      %gather3A_562 = tpu.vector_load_idx %arg12[%add3A_248, %add3A_561] : memref<128x128xf32, #tpu.memory_space<vmem>>[vector<16xi32>, vector<16xi32>], vector<16xf32>,
      %add3A_563 = arith.constant 29 : i32
      %add3A_564 = vector.broadcast %add3A_563 : i32 to vector<16xi32>
      %add3A_565 = arith.addi %shift_left3A_261, %add3A_564 : vector<16xi32>
      %gather3A_566 = tpu.vector_load_idx %arg13[%add3A_248, %add3A_565] : memref<128x128xf32, #tpu.memory_space<vmem>>[vector<16xi32>, vector<16xi32>], vector<16xf32>,
      %mul3A_567 = arith.mulf %gather3A_562, %gather3A_566 : vector<16xf32>
      %add3A_568 = arith.addf %add3A_558, %mul3A_567 : vector<16xf32>
      %add3A_569 = arith.constant 30 : i32
      %add3A_570 = vector.broadcast %add3A_569 : i32 to vector<16xi32>
      %add3A_571 = arith.addi %shift_left3A_253, %add3A_570 : vector<16xi32>
      %gather3A_572 = tpu.vector_load_idx %arg12[%add3A_248, %add3A_571] : memref<128x128xf32, #tpu.memory_space<vmem>>[vector<16xi32>, vector<16xi32>], vector<16xf32>,
      %add3A_573 = arith.constant 30 : i32
      %add3A_574 = vector.broadcast %add3A_573 : i32 to vector<16xi32>
      %add3A_575 = arith.addi %shift_left3A_261, %add3A_574 : vector<16xi32>
      %gather3A_576 = tpu.vector_load_idx %arg13[%add3A_248, %add3A_575] : memref<128x128xf32, #tpu.memory_space<vmem>>[vector<16xi32>, vector<16xi32>], vector<16xf32>,
      %mul3A_577 = arith.mulf %gather3A_572, %gather3A_576 : vector<16xf32>
      %add3A_578 = arith.addf %add3A_568, %mul3A_577 : vector<16xf32>
      %add3A_579 = arith.constant 31 : i32
      %add3A_580 = vector.broadcast %add3A_579 : i32 to vector<16xi32>
      %add3A_581 = arith.addi %shift_left3A_253, %add3A_580 : vector<16xi32>
      %gather3A_582 = tpu.vector_load_idx %arg12[%add3A_248, %add3A_581] : memref<128x128xf32, #tpu.memory_space<vmem>>[vector<16xi32>, vector<16xi32>], vector<16xf32>,
      %add3A_583 = arith.constant 31 : i32
      %add3A_584 = vector.broadcast %add3A_583 : i32 to vector<16xi32>
      %add3A_585 = arith.addi %shift_left3A_261, %add3A_584 : vector<16xi32>
      %gather3A_586 = tpu.vector_load_idx %arg13[%add3A_248, %add3A_585] : memref<128x128xf32, #tpu.memory_space<vmem>>[vector<16xi32>, vector<16xi32>], vector<16xf32>,
      %mul3A_587 = arith.mulf %gather3A_582, %gather3A_586 : vector<16xf32>
      %add3A_588 = arith.addf %add3A_578, %mul3A_587 : vector<16xf32>
      %swap3A = arith.index_cast %add3A_244 : i32 to index
      %swap3A_589 = tpu.vector_load %arg16[%swap3A] {strides = array<i32>} : memref<512xf32, #tpu.memory_space<vmem>>, vector<16xf32>,
      tpu.vector_store %arg16[%swap3A], %add3A_588 {strides = array<i32>} : memref<512xf32, #tpu.memory_space<vmem>>, vector<16xf32>,
    }
    %scan3A_119 = arith.constant 8 : i32
    %dma_start3A_120 = arith.constant 256 : i32
    %dma_start3A_121 = tpu.memref_slice %arg10[%dma_start3A_120] : memref<512xi32, #tpu.memory_space<vmem>> -> memref<128xi32, #tpu.memory_space<vmem>>
    %dma_start3A_122 = arith.constant 0 : i32
    %dma_start3A_123 = arith.constant 0 : i32
    %dma_start3A_124 = tpu.memref_slice %arg3[%dma_start3A_122, %dma_start3A_123] : memref<262144x128xf32, #tpu.memory_space<hbm>> -> memref<262144x128xf32, #tpu.memory_space<hbm>>
    tpu.enqueue_indirect_dma source(%dma_start3A_124 : memref<262144x128xf32, #tpu.memory_space<hbm>>) target(%arg12 : memref<128x128xf32, #tpu.memory_space<vmem>>) offsets(%dma_start3A_121 : memref<128xi32, #tpu.memory_space<vmem>>) semaphore(%arg17 : memref<!tpu.dma_semaphore, #tpu.memory_space<semaphore_mem>>)
    %dma_start3A_125 = arith.constant 256 : i32
    %dma_start3A_126 = tpu.memref_slice %arg11[%dma_start3A_125] : memref<512xi32, #tpu.memory_space<vmem>> -> memref<128xi32, #tpu.memory_space<vmem>>
    %dma_start3A_127 = arith.constant 0 : i32
    %dma_start3A_128 = arith.constant 0 : i32
    %dma_start3A_129 = tpu.memref_slice %arg4[%dma_start3A_127, %dma_start3A_128] : memref<262144x128xf32, #tpu.memory_space<hbm>> -> memref<262144x128xf32, #tpu.memory_space<hbm>>
    tpu.enqueue_indirect_dma source(%dma_start3A_129 : memref<262144x128xf32, #tpu.memory_space<hbm>>) target(%arg13 : memref<128x128xf32, #tpu.memory_space<vmem>>) offsets(%dma_start3A_126 : memref<128xi32, #tpu.memory_space<vmem>>) semaphore(%arg17 : memref<!tpu.dma_semaphore, #tpu.memory_space<semaphore_mem>>)
    %dma_start3A_130 = arith.constant 0 : i32
    %dma_start3A_131 = arith.constant 256 : i32
    %dma_start3A_132 = tpu.memref_slice %arg8[%dma_start3A_131] : memref<512xi32, #tpu.memory_space<vmem>> -> memref<128xi32, #tpu.memory_space<vmem>>
    %dma_start3A_133 = arith.constant 0 : i32
    %dma_start3A_134 = tpu.memref_slice %arg5[%dma_start3A_130, %dma_start3A_133] : memref<1x1000000xf32, #tpu.memory_space<hbm>> -> memref<1x1000000xf32, #tpu.memory_space<hbm>>
    %dma_start3A_135 = tpu.memref_squeeze %dma_start3A_134 : memref<1x1000000xf32, #tpu.memory_space<hbm>> -> memref<1000000xf32, #tpu.memory_space<hbm>>
    %dma_start3A_136 = arith.constant 0 : i32
    %dma_start3A_137 = tpu.memref_slice %dma_start3A_135[%dma_start3A_136] : memref<1000000xf32, #tpu.memory_space<hbm>> -> memref<1000000xf32, #tpu.memory_space<hbm>>
    tpu.enqueue_indirect_dma source(%dma_start3A_137 : memref<1000000xf32, #tpu.memory_space<hbm>>) target(%arg14 : memref<128xf32, #tpu.memory_space<vmem>>) offsets(%dma_start3A_132 : memref<128xi32, #tpu.memory_space<vmem>>) semaphore(%arg17 : memref<!tpu.dma_semaphore, #tpu.memory_space<semaphore_mem>>)
    %dma_start3A_138 = arith.constant 0 : i32
    %dma_start3A_139 = arith.constant 256 : i32
    %dma_start3A_140 = tpu.memref_slice %arg9[%dma_start3A_139] : memref<512xi32, #tpu.memory_space<vmem>> -> memref<128xi32, #tpu.memory_space<vmem>>
    %dma_start3A_141 = arith.constant 0 : i32
    %dma_start3A_142 = tpu.memref_slice %arg6[%dma_start3A_138, %dma_start3A_141] : memref<1x1000000xf32, #tpu.memory_space<hbm>> -> memref<1x1000000xf32, #tpu.memory_space<hbm>>
    %dma_start3A_143 = tpu.memref_squeeze %dma_start3A_142 : memref<1x1000000xf32, #tpu.memory_space<hbm>> -> memref<1000000xf32, #tpu.memory_space<hbm>>
    %dma_start3A_144 = arith.constant 0 : i32
    %dma_start3A_145 = tpu.memref_slice %dma_start3A_143[%dma_start3A_144] : memref<1000000xf32, #tpu.memory_space<hbm>> -> memref<1000000xf32, #tpu.memory_space<hbm>>
    tpu.enqueue_indirect_dma source(%dma_start3A_145 : memref<1000000xf32, #tpu.memory_space<hbm>>) target(%arg15 : memref<128xf32, #tpu.memory_space<vmem>>) offsets(%dma_start3A_140 : memref<128xi32, #tpu.memory_space<vmem>>) semaphore(%arg17 : memref<!tpu.dma_semaphore, #tpu.memory_space<semaphore_mem>>)
    %dma_wait3A_146 = arith.constant 256 : i32
    %dma_wait3A_147 = tpu.memref_slice %arg10[%dma_wait3A_146] : memref<512xi32, #tpu.memory_space<vmem>> -> memref<128xi32, #tpu.memory_space<vmem>>
    %dma_wait3A_148 = arith.constant 0 : i32
    %dma_wait3A_149 = arith.constant 0 : i32
    %dma_wait3A_150 = tpu.memref_slice %arg3[%dma_wait3A_148, %dma_wait3A_149] : memref<262144x128xf32, #tpu.memory_space<hbm>> -> memref<262144x128xf32, #tpu.memory_space<hbm>>
    tpu.wait_indirect_dma semaphore(%arg17 : memref<!tpu.dma_semaphore, #tpu.memory_space<semaphore_mem>>) src(%dma_wait3A_150 : memref<262144x128xf32, #tpu.memory_space<hbm>>) dst(%arg12 : memref<128x128xf32, #tpu.memory_space<vmem>>)
    %dma_wait3A_151 = arith.constant 256 : i32
    %dma_wait3A_152 = tpu.memref_slice %arg11[%dma_wait3A_151] : memref<512xi32, #tpu.memory_space<vmem>> -> memref<128xi32, #tpu.memory_space<vmem>>
    %dma_wait3A_153 = arith.constant 0 : i32
    %dma_wait3A_154 = arith.constant 0 : i32
    %dma_wait3A_155 = tpu.memref_slice %arg4[%dma_wait3A_153, %dma_wait3A_154] : memref<262144x128xf32, #tpu.memory_space<hbm>> -> memref<262144x128xf32, #tpu.memory_space<hbm>>
    tpu.wait_indirect_dma semaphore(%arg17 : memref<!tpu.dma_semaphore, #tpu.memory_space<semaphore_mem>>) src(%dma_wait3A_155 : memref<262144x128xf32, #tpu.memory_space<hbm>>) dst(%arg13 : memref<128x128xf32, #tpu.memory_space<vmem>>)
    %dma_wait3A_156 = arith.constant 0 : i32
    %dma_wait3A_157 = arith.constant 256 : i32
    %dma_wait3A_158 = tpu.memref_slice %arg8[%dma_wait3A_157] : memref<512xi32, #tpu.memory_space<vmem>> -> memref<128xi32, #tpu.memory_space<vmem>>
    %dma_wait3A_159 = arith.constant 0 : i32
    %dma_wait3A_160 = tpu.memref_slice %arg5[%dma_wait3A_156, %dma_wait3A_159] : memref<1x1000000xf32, #tpu.memory_space<hbm>> -> memref<1x1000000xf32, #tpu.memory_space<hbm>>
    %dma_wait3A_161 = tpu.memref_squeeze %dma_wait3A_160 : memref<1x1000000xf32, #tpu.memory_space<hbm>> -> memref<1000000xf32, #tpu.memory_space<hbm>>
    %dma_wait3A_162 = arith.constant 0 : i32
    %dma_wait3A_163 = tpu.memref_slice %dma_wait3A_161[%dma_wait3A_162] : memref<1000000xf32, #tpu.memory_space<hbm>> -> memref<1000000xf32, #tpu.memory_space<hbm>>
    tpu.wait_indirect_dma semaphore(%arg17 : memref<!tpu.dma_semaphore, #tpu.memory_space<semaphore_mem>>) src(%dma_wait3A_163 : memref<1000000xf32, #tpu.memory_space<hbm>>) dst(%arg14 : memref<128xf32, #tpu.memory_space<vmem>>)
    %dma_wait3A_164 = arith.constant 0 : i32
    %dma_wait3A_165 = arith.constant 256 : i32
    %dma_wait3A_166 = tpu.memref_slice %arg9[%dma_wait3A_165] : memref<512xi32, #tpu.memory_space<vmem>> -> memref<128xi32, #tpu.memory_space<vmem>>
    %dma_wait3A_167 = arith.constant 0 : i32
    %dma_wait3A_168 = tpu.memref_slice %arg6[%dma_wait3A_164, %dma_wait3A_167] : memref<1x1000000xf32, #tpu.memory_space<hbm>> -> memref<1x1000000xf32, #tpu.memory_space<hbm>>
    %dma_wait3A_169 = tpu.memref_squeeze %dma_wait3A_168 : memref<1x1000000xf32, #tpu.memory_space<hbm>> -> memref<1000000xf32, #tpu.memory_space<hbm>>
    %dma_wait3A_170 = arith.constant 0 : i32
    %dma_wait3A_171 = tpu.memref_slice %dma_wait3A_169[%dma_wait3A_170] : memref<1000000xf32, #tpu.memory_space<hbm>> -> memref<1000000xf32, #tpu.memory_space<hbm>>
    tpu.wait_indirect_dma semaphore(%arg17 : memref<!tpu.dma_semaphore, #tpu.memory_space<semaphore_mem>>) src(%dma_wait3A_171 : memref<1000000xf32, #tpu.memory_space<hbm>>) dst(%arg15 : memref<128xf32, #tpu.memory_space<vmem>>)
    %scan3A_172 = arith.constant 0 : i32
    %scan3A_173 = arith.constant 8 : i32
    %scan3A_174 = arith.addi %scan3A_172, %scan3A_173 : i32
    %scan3A_175 = arith.constant 1 : i32
    scf.for %scan3A_234 = %scan3A_172 to %scan3A_174 step %scan3A_175  : i32 {
      %mul3A_235 = arith.constant 1 : i32
      %mul3A_236 = arith.muli %scan3A_234, %mul3A_235 : i32
      %add3A_237 = arith.constant 0 : i32
      %add3A_238 = arith.addi %add3A_237, %mul3A_236 : i32
      %mul3A_239 = arith.constant 16 : i32
      %mul3A_240 = arith.muli %add3A_238, %mul3A_239 : i32
      %mul3A_241 = arith.constant 16 : i32
      %mul3A_242 = arith.muli %add3A_238, %mul3A_241 : i32
      %add3A_243 = arith.constant 256 : i32
      %add3A_244 = arith.addi %add3A_243, %mul3A_242 : i32
      %iota3A = tpu.iota {dimensions = array<i32: 0>} : vector<16xi32>
      %mul3A_245 = arith.constant 16 : i32
      %mul3A_246 = arith.muli %add3A_238, %mul3A_245 : i32
      %add3A_247 = vector.broadcast %mul3A_246 : i32 to vector<16xi32>
      %add3A_248 = arith.addi %iota3A, %add3A_247 : vector<16xi32>
      %get3A = arith.index_cast %add3A_244 : i32 to index
      %get3A_249 = tpu.vector_load %arg8[%get3A] {strides = array<i32>} : memref<512xi32, #tpu.memory_space<vmem>>, vector<16xi32>,
      %shift_right_arithmetic3A = arith.constant 18 : i32
      %shift_right_arithmetic3A_250 = vector.broadcast %shift_right_arithmetic3A : i32 to vector<16xi32>
      %shift_right_arithmetic3A_251 = arith.shrsi %get3A_249, %shift_right_arithmetic3A_250 : vector<16xi32>
      %shift_left3A = arith.constant 5 : i32
      %shift_left3A_252 = vector.broadcast %shift_left3A : i32 to vector<16xi32>
      %shift_left3A_253 = arith.shli %shift_right_arithmetic3A_251, %shift_left3A_252 : vector<16xi32>
      %get3A_254 = arith.index_cast %add3A_244 : i32 to index
      %get3A_255 = tpu.vector_load %arg9[%get3A_254] {strides = array<i32>} : memref<512xi32, #tpu.memory_space<vmem>>, vector<16xi32>,
      %shift_right_arithmetic3A_256 = arith.constant 18 : i32
      %shift_right_arithmetic3A_257 = vector.broadcast %shift_right_arithmetic3A_256 : i32 to vector<16xi32>
      %shift_right_arithmetic3A_258 = arith.shrsi %get3A_255, %shift_right_arithmetic3A_257 : vector<16xi32>
      %shift_left3A_259 = arith.constant 5 : i32
      %shift_left3A_260 = vector.broadcast %shift_left3A_259 : i32 to vector<16xi32>
      %shift_left3A_261 = arith.shli %shift_right_arithmetic3A_258, %shift_left3A_260 : vector<16xi32>
      %get3A_262 = arith.index_cast %mul3A_240 : i32 to index
      %get3A_263 = tpu.vector_load %arg14[%get3A_262] {strides = array<i32>} : memref<128xf32, #tpu.memory_space<vmem>>, vector<16xf32>,
      %get3A_264 = arith.index_cast %mul3A_240 : i32 to index
      %get3A_265 = tpu.vector_load %arg15[%get3A_264] {strides = array<i32>} : memref<128xf32, #tpu.memory_space<vmem>>, vector<16xf32>,
      %add3A_266 = arith.addf %get3A_263, %get3A_265 : vector<16xf32>
      %add3A_267 = arith.constant 3.500000e+00 : f32
      %add3A_268 = vector.broadcast %add3A_267 : f32 to vector<16xf32>
      %add3A_269 = arith.addf %add3A_266, %add3A_268 : vector<16xf32>
      %add3A_270 = arith.constant 0 : i32
      %add3A_271 = vector.broadcast %add3A_270 : i32 to vector<16xi32>
      %add3A_272 = arith.addi %shift_left3A_253, %add3A_271 : vector<16xi32>
      %gather3A = tpu.vector_load_idx %arg12[%add3A_248, %add3A_272] : memref<128x128xf32, #tpu.memory_space<vmem>>[vector<16xi32>, vector<16xi32>], vector<16xf32>,
      %add3A_273 = arith.constant 0 : i32
      %add3A_274 = vector.broadcast %add3A_273 : i32 to vector<16xi32>
      %add3A_275 = arith.addi %shift_left3A_261, %add3A_274 : vector<16xi32>
      %gather3A_276 = tpu.vector_load_idx %arg13[%add3A_248, %add3A_275] : memref<128x128xf32, #tpu.memory_space<vmem>>[vector<16xi32>, vector<16xi32>], vector<16xf32>,
      %mul3A_277 = arith.mulf %gather3A, %gather3A_276 : vector<16xf32>
      %add3A_278 = arith.addf %add3A_269, %mul3A_277 : vector<16xf32>
      %add3A_279 = arith.constant 1 : i32
      %add3A_280 = vector.broadcast %add3A_279 : i32 to vector<16xi32>
      %add3A_281 = arith.addi %shift_left3A_253, %add3A_280 : vector<16xi32>
      %gather3A_282 = tpu.vector_load_idx %arg12[%add3A_248, %add3A_281] : memref<128x128xf32, #tpu.memory_space<vmem>>[vector<16xi32>, vector<16xi32>], vector<16xf32>,
      %add3A_283 = arith.constant 1 : i32
      %add3A_284 = vector.broadcast %add3A_283 : i32 to vector<16xi32>
      %add3A_285 = arith.addi %shift_left3A_261, %add3A_284 : vector<16xi32>
      %gather3A_286 = tpu.vector_load_idx %arg13[%add3A_248, %add3A_285] : memref<128x128xf32, #tpu.memory_space<vmem>>[vector<16xi32>, vector<16xi32>], vector<16xf32>,
      %mul3A_287 = arith.mulf %gather3A_282, %gather3A_286 : vector<16xf32>
      %add3A_288 = arith.addf %add3A_278, %mul3A_287 : vector<16xf32>
      %add3A_289 = arith.constant 2 : i32
      %add3A_290 = vector.broadcast %add3A_289 : i32 to vector<16xi32>
      %add3A_291 = arith.addi %shift_left3A_253, %add3A_290 : vector<16xi32>
      %gather3A_292 = tpu.vector_load_idx %arg12[%add3A_248, %add3A_291] : memref<128x128xf32, #tpu.memory_space<vmem>>[vector<16xi32>, vector<16xi32>], vector<16xf32>,
      %add3A_293 = arith.constant 2 : i32
      %add3A_294 = vector.broadcast %add3A_293 : i32 to vector<16xi32>
      %add3A_295 = arith.addi %shift_left3A_261, %add3A_294 : vector<16xi32>
      %gather3A_296 = tpu.vector_load_idx %arg13[%add3A_248, %add3A_295] : memref<128x128xf32, #tpu.memory_space<vmem>>[vector<16xi32>, vector<16xi32>], vector<16xf32>,
      %mul3A_297 = arith.mulf %gather3A_292, %gather3A_296 : vector<16xf32>
      %add3A_298 = arith.addf %add3A_288, %mul3A_297 : vector<16xf32>
      %add3A_299 = arith.constant 3 : i32
      %add3A_300 = vector.broadcast %add3A_299 : i32 to vector<16xi32>
      %add3A_301 = arith.addi %shift_left3A_253, %add3A_300 : vector<16xi32>
      %gather3A_302 = tpu.vector_load_idx %arg12[%add3A_248, %add3A_301] : memref<128x128xf32, #tpu.memory_space<vmem>>[vector<16xi32>, vector<16xi32>], vector<16xf32>,
      %add3A_303 = arith.constant 3 : i32
      %add3A_304 = vector.broadcast %add3A_303 : i32 to vector<16xi32>
      %add3A_305 = arith.addi %shift_left3A_261, %add3A_304 : vector<16xi32>
      %gather3A_306 = tpu.vector_load_idx %arg13[%add3A_248, %add3A_305] : memref<128x128xf32, #tpu.memory_space<vmem>>[vector<16xi32>, vector<16xi32>], vector<16xf32>,
      %mul3A_307 = arith.mulf %gather3A_302, %gather3A_306 : vector<16xf32>
      %add3A_308 = arith.addf %add3A_298, %mul3A_307 : vector<16xf32>
      %add3A_309 = arith.constant 4 : i32
      %add3A_310 = vector.broadcast %add3A_309 : i32 to vector<16xi32>
      %add3A_311 = arith.addi %shift_left3A_253, %add3A_310 : vector<16xi32>
      %gather3A_312 = tpu.vector_load_idx %arg12[%add3A_248, %add3A_311] : memref<128x128xf32, #tpu.memory_space<vmem>>[vector<16xi32>, vector<16xi32>], vector<16xf32>,
      %add3A_313 = arith.constant 4 : i32
      %add3A_314 = vector.broadcast %add3A_313 : i32 to vector<16xi32>
      %add3A_315 = arith.addi %shift_left3A_261, %add3A_314 : vector<16xi32>
      %gather3A_316 = tpu.vector_load_idx %arg13[%add3A_248, %add3A_315] : memref<128x128xf32, #tpu.memory_space<vmem>>[vector<16xi32>, vector<16xi32>], vector<16xf32>,
      %mul3A_317 = arith.mulf %gather3A_312, %gather3A_316 : vector<16xf32>
      %add3A_318 = arith.addf %add3A_308, %mul3A_317 : vector<16xf32>
      %add3A_319 = arith.constant 5 : i32
      %add3A_320 = vector.broadcast %add3A_319 : i32 to vector<16xi32>
      %add3A_321 = arith.addi %shift_left3A_253, %add3A_320 : vector<16xi32>
      %gather3A_322 = tpu.vector_load_idx %arg12[%add3A_248, %add3A_321] : memref<128x128xf32, #tpu.memory_space<vmem>>[vector<16xi32>, vector<16xi32>], vector<16xf32>,
      %add3A_323 = arith.constant 5 : i32
      %add3A_324 = vector.broadcast %add3A_323 : i32 to vector<16xi32>
      %add3A_325 = arith.addi %shift_left3A_261, %add3A_324 : vector<16xi32>
      %gather3A_326 = tpu.vector_load_idx %arg13[%add3A_248, %add3A_325] : memref<128x128xf32, #tpu.memory_space<vmem>>[vector<16xi32>, vector<16xi32>], vector<16xf32>,
      %mul3A_327 = arith.mulf %gather3A_322, %gather3A_326 : vector<16xf32>
      %add3A_328 = arith.addf %add3A_318, %mul3A_327 : vector<16xf32>
      %add3A_329 = arith.constant 6 : i32
      %add3A_330 = vector.broadcast %add3A_329 : i32 to vector<16xi32>
      %add3A_331 = arith.addi %shift_left3A_253, %add3A_330 : vector<16xi32>
      %gather3A_332 = tpu.vector_load_idx %arg12[%add3A_248, %add3A_331] : memref<128x128xf32, #tpu.memory_space<vmem>>[vector<16xi32>, vector<16xi32>], vector<16xf32>,
      %add3A_333 = arith.constant 6 : i32
      %add3A_334 = vector.broadcast %add3A_333 : i32 to vector<16xi32>
      %add3A_335 = arith.addi %shift_left3A_261, %add3A_334 : vector<16xi32>
      %gather3A_336 = tpu.vector_load_idx %arg13[%add3A_248, %add3A_335] : memref<128x128xf32, #tpu.memory_space<vmem>>[vector<16xi32>, vector<16xi32>], vector<16xf32>,
      %mul3A_337 = arith.mulf %gather3A_332, %gather3A_336 : vector<16xf32>
      %add3A_338 = arith.addf %add3A_328, %mul3A_337 : vector<16xf32>
      %add3A_339 = arith.constant 7 : i32
      %add3A_340 = vector.broadcast %add3A_339 : i32 to vector<16xi32>
      %add3A_341 = arith.addi %shift_left3A_253, %add3A_340 : vector<16xi32>
      %gather3A_342 = tpu.vector_load_idx %arg12[%add3A_248, %add3A_341] : memref<128x128xf32, #tpu.memory_space<vmem>>[vector<16xi32>, vector<16xi32>], vector<16xf32>,
      %add3A_343 = arith.constant 7 : i32
      %add3A_344 = vector.broadcast %add3A_343 : i32 to vector<16xi32>
      %add3A_345 = arith.addi %shift_left3A_261, %add3A_344 : vector<16xi32>
      %gather3A_346 = tpu.vector_load_idx %arg13[%add3A_248, %add3A_345] : memref<128x128xf32, #tpu.memory_space<vmem>>[vector<16xi32>, vector<16xi32>], vector<16xf32>,
      %mul3A_347 = arith.mulf %gather3A_342, %gather3A_346 : vector<16xf32>
      %add3A_348 = arith.addf %add3A_338, %mul3A_347 : vector<16xf32>
      %add3A_349 = arith.constant 8 : i32
      %add3A_350 = vector.broadcast %add3A_349 : i32 to vector<16xi32>
      %add3A_351 = arith.addi %shift_left3A_253, %add3A_350 : vector<16xi32>
      %gather3A_352 = tpu.vector_load_idx %arg12[%add3A_248, %add3A_351] : memref<128x128xf32, #tpu.memory_space<vmem>>[vector<16xi32>, vector<16xi32>], vector<16xf32>,
      %add3A_353 = arith.constant 8 : i32
      %add3A_354 = vector.broadcast %add3A_353 : i32 to vector<16xi32>
      %add3A_355 = arith.addi %shift_left3A_261, %add3A_354 : vector<16xi32>
      %gather3A_356 = tpu.vector_load_idx %arg13[%add3A_248, %add3A_355] : memref<128x128xf32, #tpu.memory_space<vmem>>[vector<16xi32>, vector<16xi32>], vector<16xf32>,
      %mul3A_357 = arith.mulf %gather3A_352, %gather3A_356 : vector<16xf32>
      %add3A_358 = arith.addf %add3A_348, %mul3A_357 : vector<16xf32>
      %add3A_359 = arith.constant 9 : i32
      %add3A_360 = vector.broadcast %add3A_359 : i32 to vector<16xi32>
      %add3A_361 = arith.addi %shift_left3A_253, %add3A_360 : vector<16xi32>
      %gather3A_362 = tpu.vector_load_idx %arg12[%add3A_248, %add3A_361] : memref<128x128xf32, #tpu.memory_space<vmem>>[vector<16xi32>, vector<16xi32>], vector<16xf32>,
      %add3A_363 = arith.constant 9 : i32
      %add3A_364 = vector.broadcast %add3A_363 : i32 to vector<16xi32>
      %add3A_365 = arith.addi %shift_left3A_261, %add3A_364 : vector<16xi32>
      %gather3A_366 = tpu.vector_load_idx %arg13[%add3A_248, %add3A_365] : memref<128x128xf32, #tpu.memory_space<vmem>>[vector<16xi32>, vector<16xi32>], vector<16xf32>,
      %mul3A_367 = arith.mulf %gather3A_362, %gather3A_366 : vector<16xf32>
      %add3A_368 = arith.addf %add3A_358, %mul3A_367 : vector<16xf32>
      %add3A_369 = arith.constant 10 : i32
      %add3A_370 = vector.broadcast %add3A_369 : i32 to vector<16xi32>
      %add3A_371 = arith.addi %shift_left3A_253, %add3A_370 : vector<16xi32>
      %gather3A_372 = tpu.vector_load_idx %arg12[%add3A_248, %add3A_371] : memref<128x128xf32, #tpu.memory_space<vmem>>[vector<16xi32>, vector<16xi32>], vector<16xf32>,
      %add3A_373 = arith.constant 10 : i32
      %add3A_374 = vector.broadcast %add3A_373 : i32 to vector<16xi32>
      %add3A_375 = arith.addi %shift_left3A_261, %add3A_374 : vector<16xi32>
      %gather3A_376 = tpu.vector_load_idx %arg13[%add3A_248, %add3A_375] : memref<128x128xf32, #tpu.memory_space<vmem>>[vector<16xi32>, vector<16xi32>], vector<16xf32>,
      %mul3A_377 = arith.mulf %gather3A_372, %gather3A_376 : vector<16xf32>
      %add3A_378 = arith.addf %add3A_368, %mul3A_377 : vector<16xf32>
      %add3A_379 = arith.constant 11 : i32
      %add3A_380 = vector.broadcast %add3A_379 : i32 to vector<16xi32>
      %add3A_381 = arith.addi %shift_left3A_253, %add3A_380 : vector<16xi32>
      %gather3A_382 = tpu.vector_load_idx %arg12[%add3A_248, %add3A_381] : memref<128x128xf32, #tpu.memory_space<vmem>>[vector<16xi32>, vector<16xi32>], vector<16xf32>,
      %add3A_383 = arith.constant 11 : i32
      %add3A_384 = vector.broadcast %add3A_383 : i32 to vector<16xi32>
      %add3A_385 = arith.addi %shift_left3A_261, %add3A_384 : vector<16xi32>
      %gather3A_386 = tpu.vector_load_idx %arg13[%add3A_248, %add3A_385] : memref<128x128xf32, #tpu.memory_space<vmem>>[vector<16xi32>, vector<16xi32>], vector<16xf32>,
      %mul3A_387 = arith.mulf %gather3A_382, %gather3A_386 : vector<16xf32>
      %add3A_388 = arith.addf %add3A_378, %mul3A_387 : vector<16xf32>
      %add3A_389 = arith.constant 12 : i32
      %add3A_390 = vector.broadcast %add3A_389 : i32 to vector<16xi32>
      %add3A_391 = arith.addi %shift_left3A_253, %add3A_390 : vector<16xi32>
      %gather3A_392 = tpu.vector_load_idx %arg12[%add3A_248, %add3A_391] : memref<128x128xf32, #tpu.memory_space<vmem>>[vector<16xi32>, vector<16xi32>], vector<16xf32>,
      %add3A_393 = arith.constant 12 : i32
      %add3A_394 = vector.broadcast %add3A_393 : i32 to vector<16xi32>
      %add3A_395 = arith.addi %shift_left3A_261, %add3A_394 : vector<16xi32>
      %gather3A_396 = tpu.vector_load_idx %arg13[%add3A_248, %add3A_395] : memref<128x128xf32, #tpu.memory_space<vmem>>[vector<16xi32>, vector<16xi32>], vector<16xf32>,
      %mul3A_397 = arith.mulf %gather3A_392, %gather3A_396 : vector<16xf32>
      %add3A_398 = arith.addf %add3A_388, %mul3A_397 : vector<16xf32>
      %add3A_399 = arith.constant 13 : i32
      %add3A_400 = vector.broadcast %add3A_399 : i32 to vector<16xi32>
      %add3A_401 = arith.addi %shift_left3A_253, %add3A_400 : vector<16xi32>
      %gather3A_402 = tpu.vector_load_idx %arg12[%add3A_248, %add3A_401] : memref<128x128xf32, #tpu.memory_space<vmem>>[vector<16xi32>, vector<16xi32>], vector<16xf32>,
      %add3A_403 = arith.constant 13 : i32
      %add3A_404 = vector.broadcast %add3A_403 : i32 to vector<16xi32>
      %add3A_405 = arith.addi %shift_left3A_261, %add3A_404 : vector<16xi32>
      %gather3A_406 = tpu.vector_load_idx %arg13[%add3A_248, %add3A_405] : memref<128x128xf32, #tpu.memory_space<vmem>>[vector<16xi32>, vector<16xi32>], vector<16xf32>,
      %mul3A_407 = arith.mulf %gather3A_402, %gather3A_406 : vector<16xf32>
      %add3A_408 = arith.addf %add3A_398, %mul3A_407 : vector<16xf32>
      %add3A_409 = arith.constant 14 : i32
      %add3A_410 = vector.broadcast %add3A_409 : i32 to vector<16xi32>
      %add3A_411 = arith.addi %shift_left3A_253, %add3A_410 : vector<16xi32>
      %gather3A_412 = tpu.vector_load_idx %arg12[%add3A_248, %add3A_411] : memref<128x128xf32, #tpu.memory_space<vmem>>[vector<16xi32>, vector<16xi32>], vector<16xf32>,
      %add3A_413 = arith.constant 14 : i32
      %add3A_414 = vector.broadcast %add3A_413 : i32 to vector<16xi32>
      %add3A_415 = arith.addi %shift_left3A_261, %add3A_414 : vector<16xi32>
      %gather3A_416 = tpu.vector_load_idx %arg13[%add3A_248, %add3A_415] : memref<128x128xf32, #tpu.memory_space<vmem>>[vector<16xi32>, vector<16xi32>], vector<16xf32>,
      %mul3A_417 = arith.mulf %gather3A_412, %gather3A_416 : vector<16xf32>
      %add3A_418 = arith.addf %add3A_408, %mul3A_417 : vector<16xf32>
      %add3A_419 = arith.constant 15 : i32
      %add3A_420 = vector.broadcast %add3A_419 : i32 to vector<16xi32>
      %add3A_421 = arith.addi %shift_left3A_253, %add3A_420 : vector<16xi32>
      %gather3A_422 = tpu.vector_load_idx %arg12[%add3A_248, %add3A_421] : memref<128x128xf32, #tpu.memory_space<vmem>>[vector<16xi32>, vector<16xi32>], vector<16xf32>,
      %add3A_423 = arith.constant 15 : i32
      %add3A_424 = vector.broadcast %add3A_423 : i32 to vector<16xi32>
      %add3A_425 = arith.addi %shift_left3A_261, %add3A_424 : vector<16xi32>
      %gather3A_426 = tpu.vector_load_idx %arg13[%add3A_248, %add3A_425] : memref<128x128xf32, #tpu.memory_space<vmem>>[vector<16xi32>, vector<16xi32>], vector<16xf32>,
      %mul3A_427 = arith.mulf %gather3A_422, %gather3A_426 : vector<16xf32>
      %add3A_428 = arith.addf %add3A_418, %mul3A_427 : vector<16xf32>
      %add3A_429 = arith.constant 16 : i32
      %add3A_430 = vector.broadcast %add3A_429 : i32 to vector<16xi32>
      %add3A_431 = arith.addi %shift_left3A_253, %add3A_430 : vector<16xi32>
      %gather3A_432 = tpu.vector_load_idx %arg12[%add3A_248, %add3A_431] : memref<128x128xf32, #tpu.memory_space<vmem>>[vector<16xi32>, vector<16xi32>], vector<16xf32>,
      %add3A_433 = arith.constant 16 : i32
      %add3A_434 = vector.broadcast %add3A_433 : i32 to vector<16xi32>
      %add3A_435 = arith.addi %shift_left3A_261, %add3A_434 : vector<16xi32>
      %gather3A_436 = tpu.vector_load_idx %arg13[%add3A_248, %add3A_435] : memref<128x128xf32, #tpu.memory_space<vmem>>[vector<16xi32>, vector<16xi32>], vector<16xf32>,
      %mul3A_437 = arith.mulf %gather3A_432, %gather3A_436 : vector<16xf32>
      %add3A_438 = arith.addf %add3A_428, %mul3A_437 : vector<16xf32>
      %add3A_439 = arith.constant 17 : i32
      %add3A_440 = vector.broadcast %add3A_439 : i32 to vector<16xi32>
      %add3A_441 = arith.addi %shift_left3A_253, %add3A_440 : vector<16xi32>
      %gather3A_442 = tpu.vector_load_idx %arg12[%add3A_248, %add3A_441] : memref<128x128xf32, #tpu.memory_space<vmem>>[vector<16xi32>, vector<16xi32>], vector<16xf32>,
      %add3A_443 = arith.constant 17 : i32
      %add3A_444 = vector.broadcast %add3A_443 : i32 to vector<16xi32>
      %add3A_445 = arith.addi %shift_left3A_261, %add3A_444 : vector<16xi32>
      %gather3A_446 = tpu.vector_load_idx %arg13[%add3A_248, %add3A_445] : memref<128x128xf32, #tpu.memory_space<vmem>>[vector<16xi32>, vector<16xi32>], vector<16xf32>,
      %mul3A_447 = arith.mulf %gather3A_442, %gather3A_446 : vector<16xf32>
      %add3A_448 = arith.addf %add3A_438, %mul3A_447 : vector<16xf32>
      %add3A_449 = arith.constant 18 : i32
      %add3A_450 = vector.broadcast %add3A_449 : i32 to vector<16xi32>
      %add3A_451 = arith.addi %shift_left3A_253, %add3A_450 : vector<16xi32>
      %gather3A_452 = tpu.vector_load_idx %arg12[%add3A_248, %add3A_451] : memref<128x128xf32, #tpu.memory_space<vmem>>[vector<16xi32>, vector<16xi32>], vector<16xf32>,
      %add3A_453 = arith.constant 18 : i32
      %add3A_454 = vector.broadcast %add3A_453 : i32 to vector<16xi32>
      %add3A_455 = arith.addi %shift_left3A_261, %add3A_454 : vector<16xi32>
      %gather3A_456 = tpu.vector_load_idx %arg13[%add3A_248, %add3A_455] : memref<128x128xf32, #tpu.memory_space<vmem>>[vector<16xi32>, vector<16xi32>], vector<16xf32>,
      %mul3A_457 = arith.mulf %gather3A_452, %gather3A_456 : vector<16xf32>
      %add3A_458 = arith.addf %add3A_448, %mul3A_457 : vector<16xf32>
      %add3A_459 = arith.constant 19 : i32
      %add3A_460 = vector.broadcast %add3A_459 : i32 to vector<16xi32>
      %add3A_461 = arith.addi %shift_left3A_253, %add3A_460 : vector<16xi32>
      %gather3A_462 = tpu.vector_load_idx %arg12[%add3A_248, %add3A_461] : memref<128x128xf32, #tpu.memory_space<vmem>>[vector<16xi32>, vector<16xi32>], vector<16xf32>,
      %add3A_463 = arith.constant 19 : i32
      %add3A_464 = vector.broadcast %add3A_463 : i32 to vector<16xi32>
      %add3A_465 = arith.addi %shift_left3A_261, %add3A_464 : vector<16xi32>
      %gather3A_466 = tpu.vector_load_idx %arg13[%add3A_248, %add3A_465] : memref<128x128xf32, #tpu.memory_space<vmem>>[vector<16xi32>, vector<16xi32>], vector<16xf32>,
      %mul3A_467 = arith.mulf %gather3A_462, %gather3A_466 : vector<16xf32>
      %add3A_468 = arith.addf %add3A_458, %mul3A_467 : vector<16xf32>
      %add3A_469 = arith.constant 20 : i32
      %add3A_470 = vector.broadcast %add3A_469 : i32 to vector<16xi32>
      %add3A_471 = arith.addi %shift_left3A_253, %add3A_470 : vector<16xi32>
      %gather3A_472 = tpu.vector_load_idx %arg12[%add3A_248, %add3A_471] : memref<128x128xf32, #tpu.memory_space<vmem>>[vector<16xi32>, vector<16xi32>], vector<16xf32>,
      %add3A_473 = arith.constant 20 : i32
      %add3A_474 = vector.broadcast %add3A_473 : i32 to vector<16xi32>
      %add3A_475 = arith.addi %shift_left3A_261, %add3A_474 : vector<16xi32>
      %gather3A_476 = tpu.vector_load_idx %arg13[%add3A_248, %add3A_475] : memref<128x128xf32, #tpu.memory_space<vmem>>[vector<16xi32>, vector<16xi32>], vector<16xf32>,
      %mul3A_477 = arith.mulf %gather3A_472, %gather3A_476 : vector<16xf32>
      %add3A_478 = arith.addf %add3A_468, %mul3A_477 : vector<16xf32>
      %add3A_479 = arith.constant 21 : i32
      %add3A_480 = vector.broadcast %add3A_479 : i32 to vector<16xi32>
      %add3A_481 = arith.addi %shift_left3A_253, %add3A_480 : vector<16xi32>
      %gather3A_482 = tpu.vector_load_idx %arg12[%add3A_248, %add3A_481] : memref<128x128xf32, #tpu.memory_space<vmem>>[vector<16xi32>, vector<16xi32>], vector<16xf32>,
      %add3A_483 = arith.constant 21 : i32
      %add3A_484 = vector.broadcast %add3A_483 : i32 to vector<16xi32>
      %add3A_485 = arith.addi %shift_left3A_261, %add3A_484 : vector<16xi32>
      %gather3A_486 = tpu.vector_load_idx %arg13[%add3A_248, %add3A_485] : memref<128x128xf32, #tpu.memory_space<vmem>>[vector<16xi32>, vector<16xi32>], vector<16xf32>,
      %mul3A_487 = arith.mulf %gather3A_482, %gather3A_486 : vector<16xf32>
      %add3A_488 = arith.addf %add3A_478, %mul3A_487 : vector<16xf32>
      %add3A_489 = arith.constant 22 : i32
      %add3A_490 = vector.broadcast %add3A_489 : i32 to vector<16xi32>
      %add3A_491 = arith.addi %shift_left3A_253, %add3A_490 : vector<16xi32>
      %gather3A_492 = tpu.vector_load_idx %arg12[%add3A_248, %add3A_491] : memref<128x128xf32, #tpu.memory_space<vmem>>[vector<16xi32>, vector<16xi32>], vector<16xf32>,
      %add3A_493 = arith.constant 22 : i32
      %add3A_494 = vector.broadcast %add3A_493 : i32 to vector<16xi32>
      %add3A_495 = arith.addi %shift_left3A_261, %add3A_494 : vector<16xi32>
      %gather3A_496 = tpu.vector_load_idx %arg13[%add3A_248, %add3A_495] : memref<128x128xf32, #tpu.memory_space<vmem>>[vector<16xi32>, vector<16xi32>], vector<16xf32>,
      %mul3A_497 = arith.mulf %gather3A_492, %gather3A_496 : vector<16xf32>
      %add3A_498 = arith.addf %add3A_488, %mul3A_497 : vector<16xf32>
      %add3A_499 = arith.constant 23 : i32
      %add3A_500 = vector.broadcast %add3A_499 : i32 to vector<16xi32>
      %add3A_501 = arith.addi %shift_left3A_253, %add3A_500 : vector<16xi32>
      %gather3A_502 = tpu.vector_load_idx %arg12[%add3A_248, %add3A_501] : memref<128x128xf32, #tpu.memory_space<vmem>>[vector<16xi32>, vector<16xi32>], vector<16xf32>,
      %add3A_503 = arith.constant 23 : i32
      %add3A_504 = vector.broadcast %add3A_503 : i32 to vector<16xi32>
      %add3A_505 = arith.addi %shift_left3A_261, %add3A_504 : vector<16xi32>
      %gather3A_506 = tpu.vector_load_idx %arg13[%add3A_248, %add3A_505] : memref<128x128xf32, #tpu.memory_space<vmem>>[vector<16xi32>, vector<16xi32>], vector<16xf32>,
      %mul3A_507 = arith.mulf %gather3A_502, %gather3A_506 : vector<16xf32>
      %add3A_508 = arith.addf %add3A_498, %mul3A_507 : vector<16xf32>
      %add3A_509 = arith.constant 24 : i32
      %add3A_510 = vector.broadcast %add3A_509 : i32 to vector<16xi32>
      %add3A_511 = arith.addi %shift_left3A_253, %add3A_510 : vector<16xi32>
      %gather3A_512 = tpu.vector_load_idx %arg12[%add3A_248, %add3A_511] : memref<128x128xf32, #tpu.memory_space<vmem>>[vector<16xi32>, vector<16xi32>], vector<16xf32>,
      %add3A_513 = arith.constant 24 : i32
      %add3A_514 = vector.broadcast %add3A_513 : i32 to vector<16xi32>
      %add3A_515 = arith.addi %shift_left3A_261, %add3A_514 : vector<16xi32>
      %gather3A_516 = tpu.vector_load_idx %arg13[%add3A_248, %add3A_515] : memref<128x128xf32, #tpu.memory_space<vmem>>[vector<16xi32>, vector<16xi32>], vector<16xf32>,
      %mul3A_517 = arith.mulf %gather3A_512, %gather3A_516 : vector<16xf32>
      %add3A_518 = arith.addf %add3A_508, %mul3A_517 : vector<16xf32>
      %add3A_519 = arith.constant 25 : i32
      %add3A_520 = vector.broadcast %add3A_519 : i32 to vector<16xi32>
      %add3A_521 = arith.addi %shift_left3A_253, %add3A_520 : vector<16xi32>
      %gather3A_522 = tpu.vector_load_idx %arg12[%add3A_248, %add3A_521] : memref<128x128xf32, #tpu.memory_space<vmem>>[vector<16xi32>, vector<16xi32>], vector<16xf32>,
      %add3A_523 = arith.constant 25 : i32
      %add3A_524 = vector.broadcast %add3A_523 : i32 to vector<16xi32>
      %add3A_525 = arith.addi %shift_left3A_261, %add3A_524 : vector<16xi32>
      %gather3A_526 = tpu.vector_load_idx %arg13[%add3A_248, %add3A_525] : memref<128x128xf32, #tpu.memory_space<vmem>>[vector<16xi32>, vector<16xi32>], vector<16xf32>,
      %mul3A_527 = arith.mulf %gather3A_522, %gather3A_526 : vector<16xf32>
      %add3A_528 = arith.addf %add3A_518, %mul3A_527 : vector<16xf32>
      %add3A_529 = arith.constant 26 : i32
      %add3A_530 = vector.broadcast %add3A_529 : i32 to vector<16xi32>
      %add3A_531 = arith.addi %shift_left3A_253, %add3A_530 : vector<16xi32>
      %gather3A_532 = tpu.vector_load_idx %arg12[%add3A_248, %add3A_531] : memref<128x128xf32, #tpu.memory_space<vmem>>[vector<16xi32>, vector<16xi32>], vector<16xf32>,
      %add3A_533 = arith.constant 26 : i32
      %add3A_534 = vector.broadcast %add3A_533 : i32 to vector<16xi32>
      %add3A_535 = arith.addi %shift_left3A_261, %add3A_534 : vector<16xi32>
      %gather3A_536 = tpu.vector_load_idx %arg13[%add3A_248, %add3A_535] : memref<128x128xf32, #tpu.memory_space<vmem>>[vector<16xi32>, vector<16xi32>], vector<16xf32>,
      %mul3A_537 = arith.mulf %gather3A_532, %gather3A_536 : vector<16xf32>
      %add3A_538 = arith.addf %add3A_528, %mul3A_537 : vector<16xf32>
      %add3A_539 = arith.constant 27 : i32
      %add3A_540 = vector.broadcast %add3A_539 : i32 to vector<16xi32>
      %add3A_541 = arith.addi %shift_left3A_253, %add3A_540 : vector<16xi32>
      %gather3A_542 = tpu.vector_load_idx %arg12[%add3A_248, %add3A_541] : memref<128x128xf32, #tpu.memory_space<vmem>>[vector<16xi32>, vector<16xi32>], vector<16xf32>,
      %add3A_543 = arith.constant 27 : i32
      %add3A_544 = vector.broadcast %add3A_543 : i32 to vector<16xi32>
      %add3A_545 = arith.addi %shift_left3A_261, %add3A_544 : vector<16xi32>
      %gather3A_546 = tpu.vector_load_idx %arg13[%add3A_248, %add3A_545] : memref<128x128xf32, #tpu.memory_space<vmem>>[vector<16xi32>, vector<16xi32>], vector<16xf32>,
      %mul3A_547 = arith.mulf %gather3A_542, %gather3A_546 : vector<16xf32>
      %add3A_548 = arith.addf %add3A_538, %mul3A_547 : vector<16xf32>
      %add3A_549 = arith.constant 28 : i32
      %add3A_550 = vector.broadcast %add3A_549 : i32 to vector<16xi32>
      %add3A_551 = arith.addi %shift_left3A_253, %add3A_550 : vector<16xi32>
      %gather3A_552 = tpu.vector_load_idx %arg12[%add3A_248, %add3A_551] : memref<128x128xf32, #tpu.memory_space<vmem>>[vector<16xi32>, vector<16xi32>], vector<16xf32>,
      %add3A_553 = arith.constant 28 : i32
      %add3A_554 = vector.broadcast %add3A_553 : i32 to vector<16xi32>
      %add3A_555 = arith.addi %shift_left3A_261, %add3A_554 : vector<16xi32>
      %gather3A_556 = tpu.vector_load_idx %arg13[%add3A_248, %add3A_555] : memref<128x128xf32, #tpu.memory_space<vmem>>[vector<16xi32>, vector<16xi32>], vector<16xf32>,
      %mul3A_557 = arith.mulf %gather3A_552, %gather3A_556 : vector<16xf32>
      %add3A_558 = arith.addf %add3A_548, %mul3A_557 : vector<16xf32>
      %add3A_559 = arith.constant 29 : i32
      %add3A_560 = vector.broadcast %add3A_559 : i32 to vector<16xi32>
      %add3A_561 = arith.addi %shift_left3A_253, %add3A_560 : vector<16xi32>
      %gather3A_562 = tpu.vector_load_idx %arg12[%add3A_248, %add3A_561] : memref<128x128xf32, #tpu.memory_space<vmem>>[vector<16xi32>, vector<16xi32>], vector<16xf32>,
      %add3A_563 = arith.constant 29 : i32
      %add3A_564 = vector.broadcast %add3A_563 : i32 to vector<16xi32>
      %add3A_565 = arith.addi %shift_left3A_261, %add3A_564 : vector<16xi32>
      %gather3A_566 = tpu.vector_load_idx %arg13[%add3A_248, %add3A_565] : memref<128x128xf32, #tpu.memory_space<vmem>>[vector<16xi32>, vector<16xi32>], vector<16xf32>,
      %mul3A_567 = arith.mulf %gather3A_562, %gather3A_566 : vector<16xf32>
      %add3A_568 = arith.addf %add3A_558, %mul3A_567 : vector<16xf32>
      %add3A_569 = arith.constant 30 : i32
      %add3A_570 = vector.broadcast %add3A_569 : i32 to vector<16xi32>
      %add3A_571 = arith.addi %shift_left3A_253, %add3A_570 : vector<16xi32>
      %gather3A_572 = tpu.vector_load_idx %arg12[%add3A_248, %add3A_571] : memref<128x128xf32, #tpu.memory_space<vmem>>[vector<16xi32>, vector<16xi32>], vector<16xf32>,
      %add3A_573 = arith.constant 30 : i32
      %add3A_574 = vector.broadcast %add3A_573 : i32 to vector<16xi32>
      %add3A_575 = arith.addi %shift_left3A_261, %add3A_574 : vector<16xi32>
      %gather3A_576 = tpu.vector_load_idx %arg13[%add3A_248, %add3A_575] : memref<128x128xf32, #tpu.memory_space<vmem>>[vector<16xi32>, vector<16xi32>], vector<16xf32>,
      %mul3A_577 = arith.mulf %gather3A_572, %gather3A_576 : vector<16xf32>
      %add3A_578 = arith.addf %add3A_568, %mul3A_577 : vector<16xf32>
      %add3A_579 = arith.constant 31 : i32
      %add3A_580 = vector.broadcast %add3A_579 : i32 to vector<16xi32>
      %add3A_581 = arith.addi %shift_left3A_253, %add3A_580 : vector<16xi32>
      %gather3A_582 = tpu.vector_load_idx %arg12[%add3A_248, %add3A_581] : memref<128x128xf32, #tpu.memory_space<vmem>>[vector<16xi32>, vector<16xi32>], vector<16xf32>,
      %add3A_583 = arith.constant 31 : i32
      %add3A_584 = vector.broadcast %add3A_583 : i32 to vector<16xi32>
      %add3A_585 = arith.addi %shift_left3A_261, %add3A_584 : vector<16xi32>
      %gather3A_586 = tpu.vector_load_idx %arg13[%add3A_248, %add3A_585] : memref<128x128xf32, #tpu.memory_space<vmem>>[vector<16xi32>, vector<16xi32>], vector<16xf32>,
      %mul3A_587 = arith.mulf %gather3A_582, %gather3A_586 : vector<16xf32>
      %add3A_588 = arith.addf %add3A_578, %mul3A_587 : vector<16xf32>
      %swap3A = arith.index_cast %add3A_244 : i32 to index
      %swap3A_589 = tpu.vector_load %arg16[%swap3A] {strides = array<i32>} : memref<512xf32, #tpu.memory_space<vmem>>, vector<16xf32>,
      tpu.vector_store %arg16[%swap3A], %add3A_588 {strides = array<i32>} : memref<512xf32, #tpu.memory_space<vmem>>, vector<16xf32>,
    }
    %scan3A_176 = arith.constant 8 : i32
    %dma_start3A_177 = arith.constant 384 : i32
    %dma_start3A_178 = tpu.memref_slice %arg10[%dma_start3A_177] : memref<512xi32, #tpu.memory_space<vmem>> -> memref<128xi32, #tpu.memory_space<vmem>>
    %dma_start3A_179 = arith.constant 0 : i32
    %dma_start3A_180 = arith.constant 0 : i32
    %dma_start3A_181 = tpu.memref_slice %arg3[%dma_start3A_179, %dma_start3A_180] : memref<262144x128xf32, #tpu.memory_space<hbm>> -> memref<262144x128xf32, #tpu.memory_space<hbm>>
    tpu.enqueue_indirect_dma source(%dma_start3A_181 : memref<262144x128xf32, #tpu.memory_space<hbm>>) target(%arg12 : memref<128x128xf32, #tpu.memory_space<vmem>>) offsets(%dma_start3A_178 : memref<128xi32, #tpu.memory_space<vmem>>) semaphore(%arg17 : memref<!tpu.dma_semaphore, #tpu.memory_space<semaphore_mem>>)
    %dma_start3A_182 = arith.constant 384 : i32
    %dma_start3A_183 = tpu.memref_slice %arg11[%dma_start3A_182] : memref<512xi32, #tpu.memory_space<vmem>> -> memref<128xi32, #tpu.memory_space<vmem>>
    %dma_start3A_184 = arith.constant 0 : i32
    %dma_start3A_185 = arith.constant 0 : i32
    %dma_start3A_186 = tpu.memref_slice %arg4[%dma_start3A_184, %dma_start3A_185] : memref<262144x128xf32, #tpu.memory_space<hbm>> -> memref<262144x128xf32, #tpu.memory_space<hbm>>
    tpu.enqueue_indirect_dma source(%dma_start3A_186 : memref<262144x128xf32, #tpu.memory_space<hbm>>) target(%arg13 : memref<128x128xf32, #tpu.memory_space<vmem>>) offsets(%dma_start3A_183 : memref<128xi32, #tpu.memory_space<vmem>>) semaphore(%arg17 : memref<!tpu.dma_semaphore, #tpu.memory_space<semaphore_mem>>)
    %dma_start3A_187 = arith.constant 0 : i32
    %dma_start3A_188 = arith.constant 384 : i32
    %dma_start3A_189 = tpu.memref_slice %arg8[%dma_start3A_188] : memref<512xi32, #tpu.memory_space<vmem>> -> memref<128xi32, #tpu.memory_space<vmem>>
    %dma_start3A_190 = arith.constant 0 : i32
    %dma_start3A_191 = tpu.memref_slice %arg5[%dma_start3A_187, %dma_start3A_190] : memref<1x1000000xf32, #tpu.memory_space<hbm>> -> memref<1x1000000xf32, #tpu.memory_space<hbm>>
    %dma_start3A_192 = tpu.memref_squeeze %dma_start3A_191 : memref<1x1000000xf32, #tpu.memory_space<hbm>> -> memref<1000000xf32, #tpu.memory_space<hbm>>
    %dma_start3A_193 = arith.constant 0 : i32
    %dma_start3A_194 = tpu.memref_slice %dma_start3A_192[%dma_start3A_193] : memref<1000000xf32, #tpu.memory_space<hbm>> -> memref<1000000xf32, #tpu.memory_space<hbm>>
    tpu.enqueue_indirect_dma source(%dma_start3A_194 : memref<1000000xf32, #tpu.memory_space<hbm>>) target(%arg14 : memref<128xf32, #tpu.memory_space<vmem>>) offsets(%dma_start3A_189 : memref<128xi32, #tpu.memory_space<vmem>>) semaphore(%arg17 : memref<!tpu.dma_semaphore, #tpu.memory_space<semaphore_mem>>)
    %dma_start3A_195 = arith.constant 0 : i32
    %dma_start3A_196 = arith.constant 384 : i32
    %dma_start3A_197 = tpu.memref_slice %arg9[%dma_start3A_196] : memref<512xi32, #tpu.memory_space<vmem>> -> memref<128xi32, #tpu.memory_space<vmem>>
    %dma_start3A_198 = arith.constant 0 : i32
    %dma_start3A_199 = tpu.memref_slice %arg6[%dma_start3A_195, %dma_start3A_198] : memref<1x1000000xf32, #tpu.memory_space<hbm>> -> memref<1x1000000xf32, #tpu.memory_space<hbm>>
    %dma_start3A_200 = tpu.memref_squeeze %dma_start3A_199 : memref<1x1000000xf32, #tpu.memory_space<hbm>> -> memref<1000000xf32, #tpu.memory_space<hbm>>
    %dma_start3A_201 = arith.constant 0 : i32
    %dma_start3A_202 = tpu.memref_slice %dma_start3A_200[%dma_start3A_201] : memref<1000000xf32, #tpu.memory_space<hbm>> -> memref<1000000xf32, #tpu.memory_space<hbm>>
    tpu.enqueue_indirect_dma source(%dma_start3A_202 : memref<1000000xf32, #tpu.memory_space<hbm>>) target(%arg15 : memref<128xf32, #tpu.memory_space<vmem>>) offsets(%dma_start3A_197 : memref<128xi32, #tpu.memory_space<vmem>>) semaphore(%arg17 : memref<!tpu.dma_semaphore, #tpu.memory_space<semaphore_mem>>)
    %dma_wait3A_203 = arith.constant 384 : i32
    %dma_wait3A_204 = tpu.memref_slice %arg10[%dma_wait3A_203] : memref<512xi32, #tpu.memory_space<vmem>> -> memref<128xi32, #tpu.memory_space<vmem>>
    %dma_wait3A_205 = arith.constant 0 : i32
    %dma_wait3A_206 = arith.constant 0 : i32
    %dma_wait3A_207 = tpu.memref_slice %arg3[%dma_wait3A_205, %dma_wait3A_206] : memref<262144x128xf32, #tpu.memory_space<hbm>> -> memref<262144x128xf32, #tpu.memory_space<hbm>>
    tpu.wait_indirect_dma semaphore(%arg17 : memref<!tpu.dma_semaphore, #tpu.memory_space<semaphore_mem>>) src(%dma_wait3A_207 : memref<262144x128xf32, #tpu.memory_space<hbm>>) dst(%arg12 : memref<128x128xf32, #tpu.memory_space<vmem>>)
    %dma_wait3A_208 = arith.constant 384 : i32
    %dma_wait3A_209 = tpu.memref_slice %arg11[%dma_wait3A_208] : memref<512xi32, #tpu.memory_space<vmem>> -> memref<128xi32, #tpu.memory_space<vmem>>
    %dma_wait3A_210 = arith.constant 0 : i32
    %dma_wait3A_211 = arith.constant 0 : i32
    %dma_wait3A_212 = tpu.memref_slice %arg4[%dma_wait3A_210, %dma_wait3A_211] : memref<262144x128xf32, #tpu.memory_space<hbm>> -> memref<262144x128xf32, #tpu.memory_space<hbm>>
    tpu.wait_indirect_dma semaphore(%arg17 : memref<!tpu.dma_semaphore, #tpu.memory_space<semaphore_mem>>) src(%dma_wait3A_212 : memref<262144x128xf32, #tpu.memory_space<hbm>>) dst(%arg13 : memref<128x128xf32, #tpu.memory_space<vmem>>)
    %dma_wait3A_213 = arith.constant 0 : i32
    %dma_wait3A_214 = arith.constant 384 : i32
    %dma_wait3A_215 = tpu.memref_slice %arg8[%dma_wait3A_214] : memref<512xi32, #tpu.memory_space<vmem>> -> memref<128xi32, #tpu.memory_space<vmem>>
    %dma_wait3A_216 = arith.constant 0 : i32
    %dma_wait3A_217 = tpu.memref_slice %arg5[%dma_wait3A_213, %dma_wait3A_216] : memref<1x1000000xf32, #tpu.memory_space<hbm>> -> memref<1x1000000xf32, #tpu.memory_space<hbm>>
    %dma_wait3A_218 = tpu.memref_squeeze %dma_wait3A_217 : memref<1x1000000xf32, #tpu.memory_space<hbm>> -> memref<1000000xf32, #tpu.memory_space<hbm>>
    %dma_wait3A_219 = arith.constant 0 : i32
    %dma_wait3A_220 = tpu.memref_slice %dma_wait3A_218[%dma_wait3A_219] : memref<1000000xf32, #tpu.memory_space<hbm>> -> memref<1000000xf32, #tpu.memory_space<hbm>>
    tpu.wait_indirect_dma semaphore(%arg17 : memref<!tpu.dma_semaphore, #tpu.memory_space<semaphore_mem>>) src(%dma_wait3A_220 : memref<1000000xf32, #tpu.memory_space<hbm>>) dst(%arg14 : memref<128xf32, #tpu.memory_space<vmem>>)
    %dma_wait3A_221 = arith.constant 0 : i32
    %dma_wait3A_222 = arith.constant 384 : i32
    %dma_wait3A_223 = tpu.memref_slice %arg9[%dma_wait3A_222] : memref<512xi32, #tpu.memory_space<vmem>> -> memref<128xi32, #tpu.memory_space<vmem>>
    %dma_wait3A_224 = arith.constant 0 : i32
    %dma_wait3A_225 = tpu.memref_slice %arg6[%dma_wait3A_221, %dma_wait3A_224] : memref<1x1000000xf32, #tpu.memory_space<hbm>> -> memref<1x1000000xf32, #tpu.memory_space<hbm>>
    %dma_wait3A_226 = tpu.memref_squeeze %dma_wait3A_225 : memref<1x1000000xf32, #tpu.memory_space<hbm>> -> memref<1000000xf32, #tpu.memory_space<hbm>>
    %dma_wait3A_227 = arith.constant 0 : i32
    %dma_wait3A_228 = tpu.memref_slice %dma_wait3A_226[%dma_wait3A_227] : memref<1000000xf32, #tpu.memory_space<hbm>> -> memref<1000000xf32, #tpu.memory_space<hbm>>
    tpu.wait_indirect_dma semaphore(%arg17 : memref<!tpu.dma_semaphore, #tpu.memory_space<semaphore_mem>>) src(%dma_wait3A_228 : memref<1000000xf32, #tpu.memory_space<hbm>>) dst(%arg15 : memref<128xf32, #tpu.memory_space<vmem>>)
    %scan3A_229 = arith.constant 0 : i32
    %scan3A_230 = arith.constant 8 : i32
    %scan3A_231 = arith.addi %scan3A_229, %scan3A_230 : i32
    %scan3A_232 = arith.constant 1 : i32
    scf.for %scan3A_234 = %scan3A_229 to %scan3A_231 step %scan3A_232  : i32 {
      %mul3A_235 = arith.constant 1 : i32
      %mul3A_236 = arith.muli %scan3A_234, %mul3A_235 : i32
      %add3A_237 = arith.constant 0 : i32
      %add3A_238 = arith.addi %add3A_237, %mul3A_236 : i32
      %mul3A_239 = arith.constant 16 : i32
      %mul3A_240 = arith.muli %add3A_238, %mul3A_239 : i32
      %mul3A_241 = arith.constant 16 : i32
      %mul3A_242 = arith.muli %add3A_238, %mul3A_241 : i32
      %add3A_243 = arith.constant 384 : i32
      %add3A_244 = arith.addi %add3A_243, %mul3A_242 : i32
      %iota3A = tpu.iota {dimensions = array<i32: 0>} : vector<16xi32>
      %mul3A_245 = arith.constant 16 : i32
      %mul3A_246 = arith.muli %add3A_238, %mul3A_245 : i32
      %add3A_247 = vector.broadcast %mul3A_246 : i32 to vector<16xi32>
      %add3A_248 = arith.addi %iota3A, %add3A_247 : vector<16xi32>
      %get3A = arith.index_cast %add3A_244 : i32 to index
      %get3A_249 = tpu.vector_load %arg8[%get3A] {strides = array<i32>} : memref<512xi32, #tpu.memory_space<vmem>>, vector<16xi32>,
      %shift_right_arithmetic3A = arith.constant 18 : i32
      %shift_right_arithmetic3A_250 = vector.broadcast %shift_right_arithmetic3A : i32 to vector<16xi32>
      %shift_right_arithmetic3A_251 = arith.shrsi %get3A_249, %shift_right_arithmetic3A_250 : vector<16xi32>
      %shift_left3A = arith.constant 5 : i32
      %shift_left3A_252 = vector.broadcast %shift_left3A : i32 to vector<16xi32>
      %shift_left3A_253 = arith.shli %shift_right_arithmetic3A_251, %shift_left3A_252 : vector<16xi32>
      %get3A_254 = arith.index_cast %add3A_244 : i32 to index
      %get3A_255 = tpu.vector_load %arg9[%get3A_254] {strides = array<i32>} : memref<512xi32, #tpu.memory_space<vmem>>, vector<16xi32>,
      %shift_right_arithmetic3A_256 = arith.constant 18 : i32
      %shift_right_arithmetic3A_257 = vector.broadcast %shift_right_arithmetic3A_256 : i32 to vector<16xi32>
      %shift_right_arithmetic3A_258 = arith.shrsi %get3A_255, %shift_right_arithmetic3A_257 : vector<16xi32>
      %shift_left3A_259 = arith.constant 5 : i32
      %shift_left3A_260 = vector.broadcast %shift_left3A_259 : i32 to vector<16xi32>
      %shift_left3A_261 = arith.shli %shift_right_arithmetic3A_258, %shift_left3A_260 : vector<16xi32>
      %get3A_262 = arith.index_cast %mul3A_240 : i32 to index
      %get3A_263 = tpu.vector_load %arg14[%get3A_262] {strides = array<i32>} : memref<128xf32, #tpu.memory_space<vmem>>, vector<16xf32>,
      %get3A_264 = arith.index_cast %mul3A_240 : i32 to index
      %get3A_265 = tpu.vector_load %arg15[%get3A_264] {strides = array<i32>} : memref<128xf32, #tpu.memory_space<vmem>>, vector<16xf32>,
      %add3A_266 = arith.addf %get3A_263, %get3A_265 : vector<16xf32>
      %add3A_267 = arith.constant 3.500000e+00 : f32
      %add3A_268 = vector.broadcast %add3A_267 : f32 to vector<16xf32>
      %add3A_269 = arith.addf %add3A_266, %add3A_268 : vector<16xf32>
      %add3A_270 = arith.constant 0 : i32
      %add3A_271 = vector.broadcast %add3A_270 : i32 to vector<16xi32>
      %add3A_272 = arith.addi %shift_left3A_253, %add3A_271 : vector<16xi32>
      %gather3A = tpu.vector_load_idx %arg12[%add3A_248, %add3A_272] : memref<128x128xf32, #tpu.memory_space<vmem>>[vector<16xi32>, vector<16xi32>], vector<16xf32>,
      %add3A_273 = arith.constant 0 : i32
      %add3A_274 = vector.broadcast %add3A_273 : i32 to vector<16xi32>
      %add3A_275 = arith.addi %shift_left3A_261, %add3A_274 : vector<16xi32>
      %gather3A_276 = tpu.vector_load_idx %arg13[%add3A_248, %add3A_275] : memref<128x128xf32, #tpu.memory_space<vmem>>[vector<16xi32>, vector<16xi32>], vector<16xf32>,
      %mul3A_277 = arith.mulf %gather3A, %gather3A_276 : vector<16xf32>
      %add3A_278 = arith.addf %add3A_269, %mul3A_277 : vector<16xf32>
      %add3A_279 = arith.constant 1 : i32
      %add3A_280 = vector.broadcast %add3A_279 : i32 to vector<16xi32>
      %add3A_281 = arith.addi %shift_left3A_253, %add3A_280 : vector<16xi32>
      %gather3A_282 = tpu.vector_load_idx %arg12[%add3A_248, %add3A_281] : memref<128x128xf32, #tpu.memory_space<vmem>>[vector<16xi32>, vector<16xi32>], vector<16xf32>,
      %add3A_283 = arith.constant 1 : i32
      %add3A_284 = vector.broadcast %add3A_283 : i32 to vector<16xi32>
      %add3A_285 = arith.addi %shift_left3A_261, %add3A_284 : vector<16xi32>
      %gather3A_286 = tpu.vector_load_idx %arg13[%add3A_248, %add3A_285] : memref<128x128xf32, #tpu.memory_space<vmem>>[vector<16xi32>, vector<16xi32>], vector<16xf32>,
      %mul3A_287 = arith.mulf %gather3A_282, %gather3A_286 : vector<16xf32>
      %add3A_288 = arith.addf %add3A_278, %mul3A_287 : vector<16xf32>
      %add3A_289 = arith.constant 2 : i32
      %add3A_290 = vector.broadcast %add3A_289 : i32 to vector<16xi32>
      %add3A_291 = arith.addi %shift_left3A_253, %add3A_290 : vector<16xi32>
      %gather3A_292 = tpu.vector_load_idx %arg12[%add3A_248, %add3A_291] : memref<128x128xf32, #tpu.memory_space<vmem>>[vector<16xi32>, vector<16xi32>], vector<16xf32>,
      %add3A_293 = arith.constant 2 : i32
      %add3A_294 = vector.broadcast %add3A_293 : i32 to vector<16xi32>
      %add3A_295 = arith.addi %shift_left3A_261, %add3A_294 : vector<16xi32>
      %gather3A_296 = tpu.vector_load_idx %arg13[%add3A_248, %add3A_295] : memref<128x128xf32, #tpu.memory_space<vmem>>[vector<16xi32>, vector<16xi32>], vector<16xf32>,
      %mul3A_297 = arith.mulf %gather3A_292, %gather3A_296 : vector<16xf32>
      %add3A_298 = arith.addf %add3A_288, %mul3A_297 : vector<16xf32>
      %add3A_299 = arith.constant 3 : i32
      %add3A_300 = vector.broadcast %add3A_299 : i32 to vector<16xi32>
      %add3A_301 = arith.addi %shift_left3A_253, %add3A_300 : vector<16xi32>
      %gather3A_302 = tpu.vector_load_idx %arg12[%add3A_248, %add3A_301] : memref<128x128xf32, #tpu.memory_space<vmem>>[vector<16xi32>, vector<16xi32>], vector<16xf32>,
      %add3A_303 = arith.constant 3 : i32
      %add3A_304 = vector.broadcast %add3A_303 : i32 to vector<16xi32>
      %add3A_305 = arith.addi %shift_left3A_261, %add3A_304 : vector<16xi32>
      %gather3A_306 = tpu.vector_load_idx %arg13[%add3A_248, %add3A_305] : memref<128x128xf32, #tpu.memory_space<vmem>>[vector<16xi32>, vector<16xi32>], vector<16xf32>,
      %mul3A_307 = arith.mulf %gather3A_302, %gather3A_306 : vector<16xf32>
      %add3A_308 = arith.addf %add3A_298, %mul3A_307 : vector<16xf32>
      %add3A_309 = arith.constant 4 : i32
      %add3A_310 = vector.broadcast %add3A_309 : i32 to vector<16xi32>
      %add3A_311 = arith.addi %shift_left3A_253, %add3A_310 : vector<16xi32>
      %gather3A_312 = tpu.vector_load_idx %arg12[%add3A_248, %add3A_311] : memref<128x128xf32, #tpu.memory_space<vmem>>[vector<16xi32>, vector<16xi32>], vector<16xf32>,
      %add3A_313 = arith.constant 4 : i32
      %add3A_314 = vector.broadcast %add3A_313 : i32 to vector<16xi32>
      %add3A_315 = arith.addi %shift_left3A_261, %add3A_314 : vector<16xi32>
      %gather3A_316 = tpu.vector_load_idx %arg13[%add3A_248, %add3A_315] : memref<128x128xf32, #tpu.memory_space<vmem>>[vector<16xi32>, vector<16xi32>], vector<16xf32>,
      %mul3A_317 = arith.mulf %gather3A_312, %gather3A_316 : vector<16xf32>
      %add3A_318 = arith.addf %add3A_308, %mul3A_317 : vector<16xf32>
      %add3A_319 = arith.constant 5 : i32
      %add3A_320 = vector.broadcast %add3A_319 : i32 to vector<16xi32>
      %add3A_321 = arith.addi %shift_left3A_253, %add3A_320 : vector<16xi32>
      %gather3A_322 = tpu.vector_load_idx %arg12[%add3A_248, %add3A_321] : memref<128x128xf32, #tpu.memory_space<vmem>>[vector<16xi32>, vector<16xi32>], vector<16xf32>,
      %add3A_323 = arith.constant 5 : i32
      %add3A_324 = vector.broadcast %add3A_323 : i32 to vector<16xi32>
      %add3A_325 = arith.addi %shift_left3A_261, %add3A_324 : vector<16xi32>
      %gather3A_326 = tpu.vector_load_idx %arg13[%add3A_248, %add3A_325] : memref<128x128xf32, #tpu.memory_space<vmem>>[vector<16xi32>, vector<16xi32>], vector<16xf32>,
      %mul3A_327 = arith.mulf %gather3A_322, %gather3A_326 : vector<16xf32>
      %add3A_328 = arith.addf %add3A_318, %mul3A_327 : vector<16xf32>
      %add3A_329 = arith.constant 6 : i32
      %add3A_330 = vector.broadcast %add3A_329 : i32 to vector<16xi32>
      %add3A_331 = arith.addi %shift_left3A_253, %add3A_330 : vector<16xi32>
      %gather3A_332 = tpu.vector_load_idx %arg12[%add3A_248, %add3A_331] : memref<128x128xf32, #tpu.memory_space<vmem>>[vector<16xi32>, vector<16xi32>], vector<16xf32>,
      %add3A_333 = arith.constant 6 : i32
      %add3A_334 = vector.broadcast %add3A_333 : i32 to vector<16xi32>
      %add3A_335 = arith.addi %shift_left3A_261, %add3A_334 : vector<16xi32>
      %gather3A_336 = tpu.vector_load_idx %arg13[%add3A_248, %add3A_335] : memref<128x128xf32, #tpu.memory_space<vmem>>[vector<16xi32>, vector<16xi32>], vector<16xf32>,
      %mul3A_337 = arith.mulf %gather3A_332, %gather3A_336 : vector<16xf32>
      %add3A_338 = arith.addf %add3A_328, %mul3A_337 : vector<16xf32>
      %add3A_339 = arith.constant 7 : i32
      %add3A_340 = vector.broadcast %add3A_339 : i32 to vector<16xi32>
      %add3A_341 = arith.addi %shift_left3A_253, %add3A_340 : vector<16xi32>
      %gather3A_342 = tpu.vector_load_idx %arg12[%add3A_248, %add3A_341] : memref<128x128xf32, #tpu.memory_space<vmem>>[vector<16xi32>, vector<16xi32>], vector<16xf32>,
      %add3A_343 = arith.constant 7 : i32
      %add3A_344 = vector.broadcast %add3A_343 : i32 to vector<16xi32>
      %add3A_345 = arith.addi %shift_left3A_261, %add3A_344 : vector<16xi32>
      %gather3A_346 = tpu.vector_load_idx %arg13[%add3A_248, %add3A_345] : memref<128x128xf32, #tpu.memory_space<vmem>>[vector<16xi32>, vector<16xi32>], vector<16xf32>,
      %mul3A_347 = arith.mulf %gather3A_342, %gather3A_346 : vector<16xf32>
      %add3A_348 = arith.addf %add3A_338, %mul3A_347 : vector<16xf32>
      %add3A_349 = arith.constant 8 : i32
      %add3A_350 = vector.broadcast %add3A_349 : i32 to vector<16xi32>
      %add3A_351 = arith.addi %shift_left3A_253, %add3A_350 : vector<16xi32>
      %gather3A_352 = tpu.vector_load_idx %arg12[%add3A_248, %add3A_351] : memref<128x128xf32, #tpu.memory_space<vmem>>[vector<16xi32>, vector<16xi32>], vector<16xf32>,
      %add3A_353 = arith.constant 8 : i32
      %add3A_354 = vector.broadcast %add3A_353 : i32 to vector<16xi32>
      %add3A_355 = arith.addi %shift_left3A_261, %add3A_354 : vector<16xi32>
      %gather3A_356 = tpu.vector_load_idx %arg13[%add3A_248, %add3A_355] : memref<128x128xf32, #tpu.memory_space<vmem>>[vector<16xi32>, vector<16xi32>], vector<16xf32>,
      %mul3A_357 = arith.mulf %gather3A_352, %gather3A_356 : vector<16xf32>
      %add3A_358 = arith.addf %add3A_348, %mul3A_357 : vector<16xf32>
      %add3A_359 = arith.constant 9 : i32
      %add3A_360 = vector.broadcast %add3A_359 : i32 to vector<16xi32>
      %add3A_361 = arith.addi %shift_left3A_253, %add3A_360 : vector<16xi32>
      %gather3A_362 = tpu.vector_load_idx %arg12[%add3A_248, %add3A_361] : memref<128x128xf32, #tpu.memory_space<vmem>>[vector<16xi32>, vector<16xi32>], vector<16xf32>,
      %add3A_363 = arith.constant 9 : i32
      %add3A_364 = vector.broadcast %add3A_363 : i32 to vector<16xi32>
      %add3A_365 = arith.addi %shift_left3A_261, %add3A_364 : vector<16xi32>
      %gather3A_366 = tpu.vector_load_idx %arg13[%add3A_248, %add3A_365] : memref<128x128xf32, #tpu.memory_space<vmem>>[vector<16xi32>, vector<16xi32>], vector<16xf32>,
      %mul3A_367 = arith.mulf %gather3A_362, %gather3A_366 : vector<16xf32>
      %add3A_368 = arith.addf %add3A_358, %mul3A_367 : vector<16xf32>
      %add3A_369 = arith.constant 10 : i32
      %add3A_370 = vector.broadcast %add3A_369 : i32 to vector<16xi32>
      %add3A_371 = arith.addi %shift_left3A_253, %add3A_370 : vector<16xi32>
      %gather3A_372 = tpu.vector_load_idx %arg12[%add3A_248, %add3A_371] : memref<128x128xf32, #tpu.memory_space<vmem>>[vector<16xi32>, vector<16xi32>], vector<16xf32>,
      %add3A_373 = arith.constant 10 : i32
      %add3A_374 = vector.broadcast %add3A_373 : i32 to vector<16xi32>
      %add3A_375 = arith.addi %shift_left3A_261, %add3A_374 : vector<16xi32>
      %gather3A_376 = tpu.vector_load_idx %arg13[%add3A_248, %add3A_375] : memref<128x128xf32, #tpu.memory_space<vmem>>[vector<16xi32>, vector<16xi32>], vector<16xf32>,
      %mul3A_377 = arith.mulf %gather3A_372, %gather3A_376 : vector<16xf32>
      %add3A_378 = arith.addf %add3A_368, %mul3A_377 : vector<16xf32>
      %add3A_379 = arith.constant 11 : i32
      %add3A_380 = vector.broadcast %add3A_379 : i32 to vector<16xi32>
      %add3A_381 = arith.addi %shift_left3A_253, %add3A_380 : vector<16xi32>
      %gather3A_382 = tpu.vector_load_idx %arg12[%add3A_248, %add3A_381] : memref<128x128xf32, #tpu.memory_space<vmem>>[vector<16xi32>, vector<16xi32>], vector<16xf32>,
      %add3A_383 = arith.constant 11 : i32
      %add3A_384 = vector.broadcast %add3A_383 : i32 to vector<16xi32>
      %add3A_385 = arith.addi %shift_left3A_261, %add3A_384 : vector<16xi32>
      %gather3A_386 = tpu.vector_load_idx %arg13[%add3A_248, %add3A_385] : memref<128x128xf32, #tpu.memory_space<vmem>>[vector<16xi32>, vector<16xi32>], vector<16xf32>,
      %mul3A_387 = arith.mulf %gather3A_382, %gather3A_386 : vector<16xf32>
      %add3A_388 = arith.addf %add3A_378, %mul3A_387 : vector<16xf32>
      %add3A_389 = arith.constant 12 : i32
      %add3A_390 = vector.broadcast %add3A_389 : i32 to vector<16xi32>
      %add3A_391 = arith.addi %shift_left3A_253, %add3A_390 : vector<16xi32>
      %gather3A_392 = tpu.vector_load_idx %arg12[%add3A_248, %add3A_391] : memref<128x128xf32, #tpu.memory_space<vmem>>[vector<16xi32>, vector<16xi32>], vector<16xf32>,
      %add3A_393 = arith.constant 12 : i32
      %add3A_394 = vector.broadcast %add3A_393 : i32 to vector<16xi32>
      %add3A_395 = arith.addi %shift_left3A_261, %add3A_394 : vector<16xi32>
      %gather3A_396 = tpu.vector_load_idx %arg13[%add3A_248, %add3A_395] : memref<128x128xf32, #tpu.memory_space<vmem>>[vector<16xi32>, vector<16xi32>], vector<16xf32>,
      %mul3A_397 = arith.mulf %gather3A_392, %gather3A_396 : vector<16xf32>
      %add3A_398 = arith.addf %add3A_388, %mul3A_397 : vector<16xf32>
      %add3A_399 = arith.constant 13 : i32
      %add3A_400 = vector.broadcast %add3A_399 : i32 to vector<16xi32>
      %add3A_401 = arith.addi %shift_left3A_253, %add3A_400 : vector<16xi32>
      %gather3A_402 = tpu.vector_load_idx %arg12[%add3A_248, %add3A_401] : memref<128x128xf32, #tpu.memory_space<vmem>>[vector<16xi32>, vector<16xi32>], vector<16xf32>,
      %add3A_403 = arith.constant 13 : i32
      %add3A_404 = vector.broadcast %add3A_403 : i32 to vector<16xi32>
      %add3A_405 = arith.addi %shift_left3A_261, %add3A_404 : vector<16xi32>
      %gather3A_406 = tpu.vector_load_idx %arg13[%add3A_248, %add3A_405] : memref<128x128xf32, #tpu.memory_space<vmem>>[vector<16xi32>, vector<16xi32>], vector<16xf32>,
      %mul3A_407 = arith.mulf %gather3A_402, %gather3A_406 : vector<16xf32>
      %add3A_408 = arith.addf %add3A_398, %mul3A_407 : vector<16xf32>
      %add3A_409 = arith.constant 14 : i32
      %add3A_410 = vector.broadcast %add3A_409 : i32 to vector<16xi32>
      %add3A_411 = arith.addi %shift_left3A_253, %add3A_410 : vector<16xi32>
      %gather3A_412 = tpu.vector_load_idx %arg12[%add3A_248, %add3A_411] : memref<128x128xf32, #tpu.memory_space<vmem>>[vector<16xi32>, vector<16xi32>], vector<16xf32>,
      %add3A_413 = arith.constant 14 : i32
      %add3A_414 = vector.broadcast %add3A_413 : i32 to vector<16xi32>
      %add3A_415 = arith.addi %shift_left3A_261, %add3A_414 : vector<16xi32>
      %gather3A_416 = tpu.vector_load_idx %arg13[%add3A_248, %add3A_415] : memref<128x128xf32, #tpu.memory_space<vmem>>[vector<16xi32>, vector<16xi32>], vector<16xf32>,
      %mul3A_417 = arith.mulf %gather3A_412, %gather3A_416 : vector<16xf32>
      %add3A_418 = arith.addf %add3A_408, %mul3A_417 : vector<16xf32>
      %add3A_419 = arith.constant 15 : i32
      %add3A_420 = vector.broadcast %add3A_419 : i32 to vector<16xi32>
      %add3A_421 = arith.addi %shift_left3A_253, %add3A_420 : vector<16xi32>
      %gather3A_422 = tpu.vector_load_idx %arg12[%add3A_248, %add3A_421] : memref<128x128xf32, #tpu.memory_space<vmem>>[vector<16xi32>, vector<16xi32>], vector<16xf32>,
      %add3A_423 = arith.constant 15 : i32
      %add3A_424 = vector.broadcast %add3A_423 : i32 to vector<16xi32>
      %add3A_425 = arith.addi %shift_left3A_261, %add3A_424 : vector<16xi32>
      %gather3A_426 = tpu.vector_load_idx %arg13[%add3A_248, %add3A_425] : memref<128x128xf32, #tpu.memory_space<vmem>>[vector<16xi32>, vector<16xi32>], vector<16xf32>,
      %mul3A_427 = arith.mulf %gather3A_422, %gather3A_426 : vector<16xf32>
      %add3A_428 = arith.addf %add3A_418, %mul3A_427 : vector<16xf32>
      %add3A_429 = arith.constant 16 : i32
      %add3A_430 = vector.broadcast %add3A_429 : i32 to vector<16xi32>
      %add3A_431 = arith.addi %shift_left3A_253, %add3A_430 : vector<16xi32>
      %gather3A_432 = tpu.vector_load_idx %arg12[%add3A_248, %add3A_431] : memref<128x128xf32, #tpu.memory_space<vmem>>[vector<16xi32>, vector<16xi32>], vector<16xf32>,
      %add3A_433 = arith.constant 16 : i32
      %add3A_434 = vector.broadcast %add3A_433 : i32 to vector<16xi32>
      %add3A_435 = arith.addi %shift_left3A_261, %add3A_434 : vector<16xi32>
      %gather3A_436 = tpu.vector_load_idx %arg13[%add3A_248, %add3A_435] : memref<128x128xf32, #tpu.memory_space<vmem>>[vector<16xi32>, vector<16xi32>], vector<16xf32>,
      %mul3A_437 = arith.mulf %gather3A_432, %gather3A_436 : vector<16xf32>
      %add3A_438 = arith.addf %add3A_428, %mul3A_437 : vector<16xf32>
      %add3A_439 = arith.constant 17 : i32
      %add3A_440 = vector.broadcast %add3A_439 : i32 to vector<16xi32>
      %add3A_441 = arith.addi %shift_left3A_253, %add3A_440 : vector<16xi32>
      %gather3A_442 = tpu.vector_load_idx %arg12[%add3A_248, %add3A_441] : memref<128x128xf32, #tpu.memory_space<vmem>>[vector<16xi32>, vector<16xi32>], vector<16xf32>,
      %add3A_443 = arith.constant 17 : i32
      %add3A_444 = vector.broadcast %add3A_443 : i32 to vector<16xi32>
      %add3A_445 = arith.addi %shift_left3A_261, %add3A_444 : vector<16xi32>
      %gather3A_446 = tpu.vector_load_idx %arg13[%add3A_248, %add3A_445] : memref<128x128xf32, #tpu.memory_space<vmem>>[vector<16xi32>, vector<16xi32>], vector<16xf32>,
      %mul3A_447 = arith.mulf %gather3A_442, %gather3A_446 : vector<16xf32>
      %add3A_448 = arith.addf %add3A_438, %mul3A_447 : vector<16xf32>
      %add3A_449 = arith.constant 18 : i32
      %add3A_450 = vector.broadcast %add3A_449 : i32 to vector<16xi32>
      %add3A_451 = arith.addi %shift_left3A_253, %add3A_450 : vector<16xi32>
      %gather3A_452 = tpu.vector_load_idx %arg12[%add3A_248, %add3A_451] : memref<128x128xf32, #tpu.memory_space<vmem>>[vector<16xi32>, vector<16xi32>], vector<16xf32>,
      %add3A_453 = arith.constant 18 : i32
      %add3A_454 = vector.broadcast %add3A_453 : i32 to vector<16xi32>
      %add3A_455 = arith.addi %shift_left3A_261, %add3A_454 : vector<16xi32>
      %gather3A_456 = tpu.vector_load_idx %arg13[%add3A_248, %add3A_455] : memref<128x128xf32, #tpu.memory_space<vmem>>[vector<16xi32>, vector<16xi32>], vector<16xf32>,
      %mul3A_457 = arith.mulf %gather3A_452, %gather3A_456 : vector<16xf32>
      %add3A_458 = arith.addf %add3A_448, %mul3A_457 : vector<16xf32>
      %add3A_459 = arith.constant 19 : i32
      %add3A_460 = vector.broadcast %add3A_459 : i32 to vector<16xi32>
      %add3A_461 = arith.addi %shift_left3A_253, %add3A_460 : vector<16xi32>
      %gather3A_462 = tpu.vector_load_idx %arg12[%add3A_248, %add3A_461] : memref<128x128xf32, #tpu.memory_space<vmem>>[vector<16xi32>, vector<16xi32>], vector<16xf32>,
      %add3A_463 = arith.constant 19 : i32
      %add3A_464 = vector.broadcast %add3A_463 : i32 to vector<16xi32>
      %add3A_465 = arith.addi %shift_left3A_261, %add3A_464 : vector<16xi32>
      %gather3A_466 = tpu.vector_load_idx %arg13[%add3A_248, %add3A_465] : memref<128x128xf32, #tpu.memory_space<vmem>>[vector<16xi32>, vector<16xi32>], vector<16xf32>,
      %mul3A_467 = arith.mulf %gather3A_462, %gather3A_466 : vector<16xf32>
      %add3A_468 = arith.addf %add3A_458, %mul3A_467 : vector<16xf32>
      %add3A_469 = arith.constant 20 : i32
      %add3A_470 = vector.broadcast %add3A_469 : i32 to vector<16xi32>
      %add3A_471 = arith.addi %shift_left3A_253, %add3A_470 : vector<16xi32>
      %gather3A_472 = tpu.vector_load_idx %arg12[%add3A_248, %add3A_471] : memref<128x128xf32, #tpu.memory_space<vmem>>[vector<16xi32>, vector<16xi32>], vector<16xf32>,
      %add3A_473 = arith.constant 20 : i32
      %add3A_474 = vector.broadcast %add3A_473 : i32 to vector<16xi32>
      %add3A_475 = arith.addi %shift_left3A_261, %add3A_474 : vector<16xi32>
      %gather3A_476 = tpu.vector_load_idx %arg13[%add3A_248, %add3A_475] : memref<128x128xf32, #tpu.memory_space<vmem>>[vector<16xi32>, vector<16xi32>], vector<16xf32>,
      %mul3A_477 = arith.mulf %gather3A_472, %gather3A_476 : vector<16xf32>
      %add3A_478 = arith.addf %add3A_468, %mul3A_477 : vector<16xf32>
      %add3A_479 = arith.constant 21 : i32
      %add3A_480 = vector.broadcast %add3A_479 : i32 to vector<16xi32>
      %add3A_481 = arith.addi %shift_left3A_253, %add3A_480 : vector<16xi32>
      %gather3A_482 = tpu.vector_load_idx %arg12[%add3A_248, %add3A_481] : memref<128x128xf32, #tpu.memory_space<vmem>>[vector<16xi32>, vector<16xi32>], vector<16xf32>,
      %add3A_483 = arith.constant 21 : i32
      %add3A_484 = vector.broadcast %add3A_483 : i32 to vector<16xi32>
      %add3A_485 = arith.addi %shift_left3A_261, %add3A_484 : vector<16xi32>
      %gather3A_486 = tpu.vector_load_idx %arg13[%add3A_248, %add3A_485] : memref<128x128xf32, #tpu.memory_space<vmem>>[vector<16xi32>, vector<16xi32>], vector<16xf32>,
      %mul3A_487 = arith.mulf %gather3A_482, %gather3A_486 : vector<16xf32>
      %add3A_488 = arith.addf %add3A_478, %mul3A_487 : vector<16xf32>
      %add3A_489 = arith.constant 22 : i32
      %add3A_490 = vector.broadcast %add3A_489 : i32 to vector<16xi32>
      %add3A_491 = arith.addi %shift_left3A_253, %add3A_490 : vector<16xi32>
      %gather3A_492 = tpu.vector_load_idx %arg12[%add3A_248, %add3A_491] : memref<128x128xf32, #tpu.memory_space<vmem>>[vector<16xi32>, vector<16xi32>], vector<16xf32>,
      %add3A_493 = arith.constant 22 : i32
      %add3A_494 = vector.broadcast %add3A_493 : i32 to vector<16xi32>
      %add3A_495 = arith.addi %shift_left3A_261, %add3A_494 : vector<16xi32>
      %gather3A_496 = tpu.vector_load_idx %arg13[%add3A_248, %add3A_495] : memref<128x128xf32, #tpu.memory_space<vmem>>[vector<16xi32>, vector<16xi32>], vector<16xf32>,
      %mul3A_497 = arith.mulf %gather3A_492, %gather3A_496 : vector<16xf32>
      %add3A_498 = arith.addf %add3A_488, %mul3A_497 : vector<16xf32>
      %add3A_499 = arith.constant 23 : i32
      %add3A_500 = vector.broadcast %add3A_499 : i32 to vector<16xi32>
      %add3A_501 = arith.addi %shift_left3A_253, %add3A_500 : vector<16xi32>
      %gather3A_502 = tpu.vector_load_idx %arg12[%add3A_248, %add3A_501] : memref<128x128xf32, #tpu.memory_space<vmem>>[vector<16xi32>, vector<16xi32>], vector<16xf32>,
      %add3A_503 = arith.constant 23 : i32
      %add3A_504 = vector.broadcast %add3A_503 : i32 to vector<16xi32>
      %add3A_505 = arith.addi %shift_left3A_261, %add3A_504 : vector<16xi32>
      %gather3A_506 = tpu.vector_load_idx %arg13[%add3A_248, %add3A_505] : memref<128x128xf32, #tpu.memory_space<vmem>>[vector<16xi32>, vector<16xi32>], vector<16xf32>,
      %mul3A_507 = arith.mulf %gather3A_502, %gather3A_506 : vector<16xf32>
      %add3A_508 = arith.addf %add3A_498, %mul3A_507 : vector<16xf32>
      %add3A_509 = arith.constant 24 : i32
      %add3A_510 = vector.broadcast %add3A_509 : i32 to vector<16xi32>
      %add3A_511 = arith.addi %shift_left3A_253, %add3A_510 : vector<16xi32>
      %gather3A_512 = tpu.vector_load_idx %arg12[%add3A_248, %add3A_511] : memref<128x128xf32, #tpu.memory_space<vmem>>[vector<16xi32>, vector<16xi32>], vector<16xf32>,
      %add3A_513 = arith.constant 24 : i32
      %add3A_514 = vector.broadcast %add3A_513 : i32 to vector<16xi32>
      %add3A_515 = arith.addi %shift_left3A_261, %add3A_514 : vector<16xi32>
      %gather3A_516 = tpu.vector_load_idx %arg13[%add3A_248, %add3A_515] : memref<128x128xf32, #tpu.memory_space<vmem>>[vector<16xi32>, vector<16xi32>], vector<16xf32>,
      %mul3A_517 = arith.mulf %gather3A_512, %gather3A_516 : vector<16xf32>
      %add3A_518 = arith.addf %add3A_508, %mul3A_517 : vector<16xf32>
      %add3A_519 = arith.constant 25 : i32
      %add3A_520 = vector.broadcast %add3A_519 : i32 to vector<16xi32>
      %add3A_521 = arith.addi %shift_left3A_253, %add3A_520 : vector<16xi32>
      %gather3A_522 = tpu.vector_load_idx %arg12[%add3A_248, %add3A_521] : memref<128x128xf32, #tpu.memory_space<vmem>>[vector<16xi32>, vector<16xi32>], vector<16xf32>,
      %add3A_523 = arith.constant 25 : i32
      %add3A_524 = vector.broadcast %add3A_523 : i32 to vector<16xi32>
      %add3A_525 = arith.addi %shift_left3A_261, %add3A_524 : vector<16xi32>
      %gather3A_526 = tpu.vector_load_idx %arg13[%add3A_248, %add3A_525] : memref<128x128xf32, #tpu.memory_space<vmem>>[vector<16xi32>, vector<16xi32>], vector<16xf32>,
      %mul3A_527 = arith.mulf %gather3A_522, %gather3A_526 : vector<16xf32>
      %add3A_528 = arith.addf %add3A_518, %mul3A_527 : vector<16xf32>
      %add3A_529 = arith.constant 26 : i32
      %add3A_530 = vector.broadcast %add3A_529 : i32 to vector<16xi32>
      %add3A_531 = arith.addi %shift_left3A_253, %add3A_530 : vector<16xi32>
      %gather3A_532 = tpu.vector_load_idx %arg12[%add3A_248, %add3A_531] : memref<128x128xf32, #tpu.memory_space<vmem>>[vector<16xi32>, vector<16xi32>], vector<16xf32>,
      %add3A_533 = arith.constant 26 : i32
      %add3A_534 = vector.broadcast %add3A_533 : i32 to vector<16xi32>
      %add3A_535 = arith.addi %shift_left3A_261, %add3A_534 : vector<16xi32>
      %gather3A_536 = tpu.vector_load_idx %arg13[%add3A_248, %add3A_535] : memref<128x128xf32, #tpu.memory_space<vmem>>[vector<16xi32>, vector<16xi32>], vector<16xf32>,
      %mul3A_537 = arith.mulf %gather3A_532, %gather3A_536 : vector<16xf32>
      %add3A_538 = arith.addf %add3A_528, %mul3A_537 : vector<16xf32>
      %add3A_539 = arith.constant 27 : i32
      %add3A_540 = vector.broadcast %add3A_539 : i32 to vector<16xi32>
      %add3A_541 = arith.addi %shift_left3A_253, %add3A_540 : vector<16xi32>
      %gather3A_542 = tpu.vector_load_idx %arg12[%add3A_248, %add3A_541] : memref<128x128xf32, #tpu.memory_space<vmem>>[vector<16xi32>, vector<16xi32>], vector<16xf32>,
      %add3A_543 = arith.constant 27 : i32
      %add3A_544 = vector.broadcast %add3A_543 : i32 to vector<16xi32>
      %add3A_545 = arith.addi %shift_left3A_261, %add3A_544 : vector<16xi32>
      %gather3A_546 = tpu.vector_load_idx %arg13[%add3A_248, %add3A_545] : memref<128x128xf32, #tpu.memory_space<vmem>>[vector<16xi32>, vector<16xi32>], vector<16xf32>,
      %mul3A_547 = arith.mulf %gather3A_542, %gather3A_546 : vector<16xf32>
      %add3A_548 = arith.addf %add3A_538, %mul3A_547 : vector<16xf32>
      %add3A_549 = arith.constant 28 : i32
      %add3A_550 = vector.broadcast %add3A_549 : i32 to vector<16xi32>
      %add3A_551 = arith.addi %shift_left3A_253, %add3A_550 : vector<16xi32>
      %gather3A_552 = tpu.vector_load_idx %arg12[%add3A_248, %add3A_551] : memref<128x128xf32, #tpu.memory_space<vmem>>[vector<16xi32>, vector<16xi32>], vector<16xf32>,
      %add3A_553 = arith.constant 28 : i32
      %add3A_554 = vector.broadcast %add3A_553 : i32 to vector<16xi32>
      %add3A_555 = arith.addi %shift_left3A_261, %add3A_554 : vector<16xi32>
      %gather3A_556 = tpu.vector_load_idx %arg13[%add3A_248, %add3A_555] : memref<128x128xf32, #tpu.memory_space<vmem>>[vector<16xi32>, vector<16xi32>], vector<16xf32>,
      %mul3A_557 = arith.mulf %gather3A_552, %gather3A_556 : vector<16xf32>
      %add3A_558 = arith.addf %add3A_548, %mul3A_557 : vector<16xf32>
      %add3A_559 = arith.constant 29 : i32
      %add3A_560 = vector.broadcast %add3A_559 : i32 to vector<16xi32>
      %add3A_561 = arith.addi %shift_left3A_253, %add3A_560 : vector<16xi32>
      %gather3A_562 = tpu.vector_load_idx %arg12[%add3A_248, %add3A_561] : memref<128x128xf32, #tpu.memory_space<vmem>>[vector<16xi32>, vector<16xi32>], vector<16xf32>,
      %add3A_563 = arith.constant 29 : i32
      %add3A_564 = vector.broadcast %add3A_563 : i32 to vector<16xi32>
      %add3A_565 = arith.addi %shift_left3A_261, %add3A_564 : vector<16xi32>
      %gather3A_566 = tpu.vector_load_idx %arg13[%add3A_248, %add3A_565] : memref<128x128xf32, #tpu.memory_space<vmem>>[vector<16xi32>, vector<16xi32>], vector<16xf32>,
      %mul3A_567 = arith.mulf %gather3A_562, %gather3A_566 : vector<16xf32>
      %add3A_568 = arith.addf %add3A_558, %mul3A_567 : vector<16xf32>
      %add3A_569 = arith.constant 30 : i32
      %add3A_570 = vector.broadcast %add3A_569 : i32 to vector<16xi32>
      %add3A_571 = arith.addi %shift_left3A_253, %add3A_570 : vector<16xi32>
      %gather3A_572 = tpu.vector_load_idx %arg12[%add3A_248, %add3A_571] : memref<128x128xf32, #tpu.memory_space<vmem>>[vector<16xi32>, vector<16xi32>], vector<16xf32>,
      %add3A_573 = arith.constant 30 : i32
      %add3A_574 = vector.broadcast %add3A_573 : i32 to vector<16xi32>
      %add3A_575 = arith.addi %shift_left3A_261, %add3A_574 : vector<16xi32>
      %gather3A_576 = tpu.vector_load_idx %arg13[%add3A_248, %add3A_575] : memref<128x128xf32, #tpu.memory_space<vmem>>[vector<16xi32>, vector<16xi32>], vector<16xf32>,
      %mul3A_577 = arith.mulf %gather3A_572, %gather3A_576 : vector<16xf32>
      %add3A_578 = arith.addf %add3A_568, %mul3A_577 : vector<16xf32>
      %add3A_579 = arith.constant 31 : i32
      %add3A_580 = vector.broadcast %add3A_579 : i32 to vector<16xi32>
      %add3A_581 = arith.addi %shift_left3A_253, %add3A_580 : vector<16xi32>
      %gather3A_582 = tpu.vector_load_idx %arg12[%add3A_248, %add3A_581] : memref<128x128xf32, #tpu.memory_space<vmem>>[vector<16xi32>, vector<16xi32>], vector<16xf32>,
      %add3A_583 = arith.constant 31 : i32
      %add3A_584 = vector.broadcast %add3A_583 : i32 to vector<16xi32>
      %add3A_585 = arith.addi %shift_left3A_261, %add3A_584 : vector<16xi32>
      %gather3A_586 = tpu.vector_load_idx %arg13[%add3A_248, %add3A_585] : memref<128x128xf32, #tpu.memory_space<vmem>>[vector<16xi32>, vector<16xi32>], vector<16xf32>,
      %mul3A_587 = arith.mulf %gather3A_582, %gather3A_586 : vector<16xf32>
      %add3A_588 = arith.addf %add3A_578, %mul3A_587 : vector<16xf32>
      %swap3A = arith.index_cast %add3A_244 : i32 to index
      %swap3A_589 = tpu.vector_load %arg16[%swap3A] {strides = array<i32>} : memref<512xf32, #tpu.memory_space<vmem>>, vector<16xf32>,
      tpu.vector_store %arg16[%swap3A], %add3A_588 {strides = array<i32>} : memref<512xf32, #tpu.memory_space<vmem>>, vector<16xf32>,
    }
    %scan3A_233 = arith.constant 8 : i32
    "tpu.region"() ({
      %run_scoped3A_234 = tpu.sem_alloc : memref<!tpu.dma_semaphore, #tpu.memory_space<semaphore_mem>>
      %dma_start3A_235 = tpu.memref_slice %arg7[%mul3A_2] : memref<16384xf32, #tpu.memory_space<hbm>> -> memref<512xf32, #tpu.memory_space<hbm>>
      %dma_start3A_236 = tpu.memref_slice %arg7[%mul3A_2] : memref<16384xf32, #tpu.memory_space<hbm>> -> memref<512xf32, #tpu.memory_space<hbm>>
      tpu.enqueue_dma source(%arg16 : memref<512xf32, #tpu.memory_space<vmem>>) target(%dma_start3A_236 : memref<512xf32, #tpu.memory_space<hbm>>) target_semaphore(%run_scoped3A_234 : memref<!tpu.dma_semaphore, #tpu.memory_space<semaphore_mem>>)
      %dma_wait3A_237 = tpu.memref_slice %arg7[%mul3A_2] : memref<16384xf32, #tpu.memory_space<hbm>> -> memref<512xf32, #tpu.memory_space<hbm>>
      %dma_wait3A_238 = tpu.memref_slice %arg7[%mul3A_2] : memref<16384xf32, #tpu.memory_space<hbm>> -> memref<512xf32, #tpu.memory_space<hbm>>
      tpu.wait_dma2 semaphore(%run_scoped3A_234 : memref<!tpu.dma_semaphore, #tpu.memory_space<semaphore_mem>>) src(%arg16 : memref<512xf32, #tpu.memory_space<vmem>>) dst(%dma_wait3A_238 : memref<512xf32, #tpu.memory_space<hbm>>)
      tpu.yield
    }) : () -> ()
    return
  }
}

module attributes {stable_mosaic.version = 14 : i64} {
  func.func @_tr_body(%arg0: i32, %arg1: memref<32x128xf32, #tpu.memory_space<vmem>>, %arg2: memref<32x128xf32, #tpu.memory_space<vmem>>, %arg3: memref<32x128xf32, #tpu.memory_space<vmem>>, %arg4: memref<32x128xf32, #tpu.memory_space<vmem>>, %arg5: memref<128x128xf32, #tpu.memory_space<vmem>>) attributes {dimension_semantics = [#tpu.dimension_semantics<arbitrary>], iteration_bounds = array<i64: 2048>, scalar_prefetch = 0 : i64, scratch_operands = 0 : i64, tpu.core_type = #tpu.core_type<tc>, window_params = [{transform_indices = @transform_0, window_bounds = array<i64: 32, 128>}, {transform_indices = @transform_1, window_bounds = array<i64: 32, 128>}, {transform_indices = @transform_2, window_bounds = array<i64: 32, 128>}, {transform_indices = @transform_3, window_bounds = array<i64: 32, 128>}, {transform_indices = @transform_4, window_bounds = array<i64: 128, 128>}]} {
    %get3A = arith.constant 0 : index
    %get3A_0 = arith.constant 0 : index
    %get3A_1 = vector.load %arg1[%get3A, %get3A_0] : memref<32x128xf32, #tpu.memory_space<vmem>>, vector<32x128xf32>
    %transpose3A = tpu.transpose %get3A_1, [1, 0] : vector<32x128xf32> -> vector<128x32xf32>
    %get3A_2 = arith.constant 0 : index
    %get3A_3 = arith.constant 0 : index
    %get3A_4 = vector.load %arg2[%get3A_2, %get3A_3] : memref<32x128xf32, #tpu.memory_space<vmem>>, vector<32x128xf32>
    %transpose3A_5 = tpu.transpose %get3A_4, [1, 0] : vector<32x128xf32> -> vector<128x32xf32>
    %get3A_6 = arith.constant 0 : index
    %get3A_7 = arith.constant 0 : index
    %get3A_8 = vector.load %arg3[%get3A_6, %get3A_7] : memref<32x128xf32, #tpu.memory_space<vmem>>, vector<32x128xf32>
    %transpose3A_9 = tpu.transpose %get3A_8, [1, 0] : vector<32x128xf32> -> vector<128x32xf32>
    %get3A_10 = arith.constant 0 : index
    %get3A_11 = arith.constant 0 : index
    %get3A_12 = vector.load %arg4[%get3A_10, %get3A_11] : memref<32x128xf32, #tpu.memory_space<vmem>>, vector<32x128xf32>
    %transpose3A_13 = tpu.transpose %get3A_12, [1, 0] : vector<32x128xf32> -> vector<128x32xf32>
    %concatenate3A = tpu.concatenate %transpose3A, %transpose3A_5, %transpose3A_9, %transpose3A_13 in 1 : vector<128x32xf32>, vector<128x32xf32>, vector<128x32xf32>, vector<128x32xf32> -> vector<128x128xf32>
    %swap3A = arith.constant 0 : index
    %swap3A_14 = arith.constant 0 : index
    %swap3A_15 = vector.load %arg5[%swap3A, %swap3A_14] : memref<128x128xf32, #tpu.memory_space<vmem>>, vector<128x128xf32>
    tpu.vector_store %arg5[%swap3A, %swap3A_14], %concatenate3A {strides = array<i32>} : memref<128x128xf32, #tpu.memory_space<vmem>>, vector<128x128xf32>,
    return
  }
  func.func @transform_0(%arg0: i32) -> (i32, i32) {
    %add3A = arith.constant 0 : i32
    %add3A_0 = arith.addi %add3A, %arg0 : i32
    %c0_i32 = arith.constant 0 : i32
    %c0_i32_1 = arith.constant 0 : i32
    return %c0_i32, %add3A_0 : i32, i32
  }
  func.func @transform_1(%arg0: i32) -> (i32, i32) {
    %add3A = arith.constant 2048 : i32
    %add3A_0 = arith.addi %add3A, %arg0 : i32
    %c0_i32 = arith.constant 0 : i32
    %c0_i32_1 = arith.constant 0 : i32
    return %c0_i32, %add3A_0 : i32, i32
  }
  func.func @transform_2(%arg0: i32) -> (i32, i32) {
    %add3A = arith.constant 4096 : i32
    %add3A_0 = arith.addi %add3A, %arg0 : i32
    %c0_i32 = arith.constant 0 : i32
    %c0_i32_1 = arith.constant 0 : i32
    return %c0_i32, %add3A_0 : i32, i32
  }
  func.func @transform_3(%arg0: i32) -> (i32, i32) {
    %add3A = arith.constant 6144 : i32
    %add3A_0 = arith.addi %add3A, %arg0 : i32
    %c0_i32 = arith.constant 0 : i32
    %c0_i32_1 = arith.constant 0 : i32
    return %c0_i32, %add3A_0 : i32, i32
  }
  func.func @transform_4(%arg0: i32) -> (i32, i32) {
    %c0_i32 = arith.constant 0 : i32
    %c0_i32_0 = arith.constant 0 : i32
    return %arg0, %c0_i32 : i32, i32
  }
}

</mosaic_0001>

<sc_bundles>
// kernel: kernel.5.cloned.1.call-start
scs
__scs_entry_jumppad:
0x0: {  	(pc) =	sbr.rel $0x88, $3  }
0x1: {  	(tag) =	ssettag $0x0;
	lr =	simm.s32 $0x1  }
0x2: {  	[smem:$0x3F9C] =	sst lr;
	_ =	strace $0xD0000000  }
0x3: {  	_ = 	snop  }
0x4: {  	_ = 	snop  }
0x5: {  	_ = 	snop  }
0x6: {  	_ = 	snop  }
0x7: {  	_ = 	snop  }
__scs_overlays_trampoline_lowered:
0x8: {  	[smem:$0x3FAB] =	sst s0  }
0x9: {  	[smem:$0x3FAC] =	sst s1  }
0xa: {  	[smem:$0x3FAD] =	sst s2  }
0xb: {  	[smem:$0x3FAE] =	sst s3  }
0xc: {  	[smem:$0x3FAF] =	sst s4  }
0xd: {  	[smem:$0x3FB0] =	sst s5  }
0xe: {  	[smem:$0x3FB1] =	sst s6  }
0xf: {  	[smem:$0x3FB2] =	sst s7  }
0x10: {  	[smem:$0x3FB3] =	sst s8  }
0x11: {  	[smem:$0x3FB4] =	sst s9;
	s0 =	simm.s32 @!p0 $0x0  }
0x12: {  	s1 =	sld [smem:$0x3F9A];
	s0 =	simm.s32 @p0 $0x1  }
0x13: {  	[smem:$0x3FB5] =	sst s0;
	s0 =	simm.s32 @!p1 $0x0  }
0x14: {  	s2 =	sld [smem:$0x3F99];
	s0 =	simm.s32 @p1 $0x1  }
0x15: {  	[smem:$0x3FB6] =	sst s0;
	s0 =	simm.s32 @!p2 $0x0  }
0x16: {  	s3 =	sld [smem:$0x3FDB];
	s0 =	simm.s32 @p2 $0x1  }
0x17: {  	s4 =	simm.s32 $0x1BF5;
	[smem:$0x3FB8] =	sst s0  }
0x18: {  	s0 =	sld [smem:$0x3F9B];
	_ =	swait.ge [sflag:s4], $0x0  }
0x19: {  	s7 =	sld [smem:$0x3F9C]  }
0x1a: {  	s8 =	sadd.s32 $0xFFFFE003, lr  }
0x1b: {  	s9 =	sadd.s32 $0xFFFFFEF7, lr;
	s5 =	simm.s32 $0xFFFFFFFF;
	p2 =	slt.u32 s8, $0xFFFFF086  }
0x1c: {  	p1 =	slt.u32 s9, $0xF7A;
	s5 =	simm.s32 @!p2 $0x0  }
0x1d: {  	s5 =	simm.s32 @p1 $0x1;
	p0 =	seq.s32 s7, s2  }
0x1e: {  	s7 =	smul.u32 @!p0 $0xF7A, s2;
	p2 =	seq.s32 @!p0 s5, $0x0  }
0x1f: {  	s9 =	smul.u32 $0xF7A, s1;
	s8 =	simm.s32 @!p0 $0x1BF5;
	p2 =	por !p2, p0  }
0x20: {  	[sflag:s8] =	ssyncset.s32 @!p0 $0xFFFFF086;
	s6 =	sadd.s32 @!p0 s3, s7;
	s7 =	simm.s32 @!p0 $0x108  }
0x21: {  	s3 =	sadd.s32 s3, s9;
	s6 =	sadd.s32 @!p0 $0x88, s6;
	s7 =	simm.s32 @p2 $0x1082  }
0x22: {  	[simem:s7], [sflag:s8] =	dma.local @!p0 [hbm:s6], $0xF7A  }
0x23: {  	s9 =	sor.u32 $0xD0000000, s2;
	s6 =	simm.s32 $0x108;
	_ =	swait.ge @!p0 [sflag:s8], $0x0  }
0x24: {  	s3 =	sadd.s32 $0x88, s3;
	s6 =	simm.s32 @!p1 $0x1082;
	[sflag:s4] =	ssyncset.s32 $0xFFFFF086  }
0x25: {  	[simem:s6], [sflag:s4] =	dma.local [hbm:s3], $0xF7A  }
0x26: {  	[smem:$0x3F9C] =	sst s1;
	(tag) =	ssettag s2;
	_ =	strace s9  }
0x27: {  	s1 =	sld [smem:$0x3FAC]  }
0x28: {  	s2 =	sld [smem:$0x3FAD]  }
0x29: {  	s4 =	sld [smem:$0x3FAF]  }
0x2a: {  	p0 =	seq.s32 s5, $0x0;
	s5 =	sld [smem:$0x3FB0]  }
0x2b: {  	s6 =	sld [smem:$0x3FB1]  }
0x2c: {  	s7 =	sld [smem:$0x3FB2]  }
0x2d: {  	s3 =	simm.s32 $0x108;
	s8 =	sld [smem:$0x3FB3]  }
0x2e: {  	s3 =	simm.s32 @!p0 $0x1082;
	s9 =	sld [smem:$0x3FB4]  }
0x2f: {  	lr =	sadd.s32 s0, s3;
	s0 =	sld [smem:$0x3FAB]  }
0x30: {  	s3 =	sld [smem:$0x3FAE]  }
0x31: {  	[smem:$0x3FB7] =	sst s10  }
0x32: {  	s10 =	sld [smem:$0x3FB5];
	_ =	sdelay $0x3  }
0x33: {  	p0 =	seq.s32 s10, $0x1;
	s10 =	sld [smem:$0x3FB7];
	_ =	sdelay $0x3  }
0x34: {  	[smem:$0x3FB7] =	sst s10  }
0x35: {  	s10 =	sld [smem:$0x3FB6];
	_ =	sdelay $0x3  }
0x36: {  	p1 =	seq.s32 s10, $0x1;
	s10 =	sld [smem:$0x3FB7];
	_ =	sdelay $0x3  }
0x37: {  	[smem:$0x3FB7] =	sst s10  }
0x38: {  	s10 =	sld [smem:$0x3FB8]  }
0x39: {  	_ = 	snop;
	(pc) =	sbr.ind lr, $3  }
0x3a: {  	_ = 	snop  }
0x3b: {  	_ = 	snop  }
0x3c: {  	p2 =	seq.s32 s10, $0x1;
	s10 =	sld [smem:$0x3FB7]  }
0x3d: {  	_ =	shalt  }
0x3e: {  	_ =	shalt  }
0x3f: {  	_ =	shalt  }
0x40: {  	_ =	shalt  }
0x41: {  	_ =	shalt  }
0x42: {  	_ =	shalt  }
0x43: {  	_ =	shalt  }
0x44: {  	_ =	shalt  }
0x45: {  	_ =	shalt  }
0x46: {  	_ =	shalt  }
0x47: {  	_ =	shalt  }
0x48: {  	_ =	shalt  }
0x49: {  	_ =	shalt  }
0x4a: {  	_ =	shalt  }
0x4b: {  	_ =	shalt  }
0x4c: {  	_ =	shalt  }
0x4d: {  	_ =	shalt  }
0x4e: {  	_ =	shalt  }
0x4f: {  	_ =	shalt  }
0x50: {  	_ =	shalt  }
0x51: {  	_ =	shalt  }
0x52: {  	_ =	shalt  }
0x53: {  	_ =	shalt  }
0x54: {  	_ =	shalt  }
0x55: {  	_ =	shalt  }
0x56: {  	_ =	shalt  }
0x57: {  	_ =	shalt  }
0x58: {  	_ =	shalt  }
0x59: {  	_ =	shalt  }
0x5a: {  	_ =	shalt  }
0x5b: {  	_ =	shalt  }
0x5c: {  	_ =	shalt  }
0x5d: {  	_ =	shalt  }
0x5e: {  	_ =	shalt  }
0x5f: {  	_ =	shalt  }
0x60: {  	_ =	shalt  }
0x61: {  	_ =	shalt  }
0x62: {  	_ =	shalt  }
0x63: {  	_ =	shalt  }
0x64: {  	_ =	shalt  }
0x65: {  	_ =	shalt  }
0x66: {  	_ =	shalt  }
0x67: {  	_ =	shalt  }
0x68: {  	_ =	shalt  }
0x69: {  	_ =	shalt  }
0x6a: {  	_ =	shalt  }
0x6b: {  	_ =	shalt  }
0x6c: {  	_ =	shalt  }
0x6d: {  	_ =	shalt  }
0x6e: {  	_ =	shalt  }
0x6f: {  	_ =	shalt  }
0x70: {  	_ =	shalt  }
0x71: {  	_ =	shalt  }
0x72: {  	_ =	shalt  }
0x73: {  	_ =	shalt  }
0x74: {  	_ =	shalt  }
0x75: {  	_ =	shalt  }
0x76: {  	_ =	shalt  }
0x77: {  	_ =	shalt  }
0x78: {  	_ =	shalt  }
0x79: {  	_ =	shalt  }
0x7a: {  	_ =	shalt  }
0x7b: {  	_ =	shalt  }
0x7c: {  	_ =	shalt  }
0x7d: {  	_ =	shalt  }
0x7e: {  	_ =	shalt  }
0x7f: {  	_ =	shalt  }
0x80: {  	_ =	shalt  }
0x81: {  	_ =	shalt  }
0x82: {  	_ =	shalt  }
0x83: {  	_ =	shalt  }
0x84: {  	_ =	shalt  }
0x85: {  	_ =	shalt  }
0x86: {  	_ =	shalt  }
0x87: {  	_ =	shalt  }
.Lfunc_end0:
.L_simem_size_0:
called_computation_lowered:
.L_overlay_start_0:
0x88: {  	s2 =	sld [smem:$0x3FD9]  }
0x89: {  	s3 =	sld [smem:$0x3FFE];
	_ =	sdelay $0x1  }
0x8a: {  	s1 =	srdreg.scid  }
0x8b: {  	s0 =	sand.u32 $0x1, s1  }
0x8c: {  	s17 =	sshll.u32 s0, $0xA;
	s2 =	sadd.s32 s3, s2  }
0x8d: {  	s2 =	sadd.s32 s2, s17  }
0x8e: {  	[smem:$0x3FC3] =	sst s2  }
0x8f: {  	_ = 	snop  }
0x90: {  	s2 =	sld [smem:$0x3FC9]  }
0x91: {  	s18 =	sld [smem:$0x3FC6]  }
0x92: {  	s4 =	sld [smem:$0x3FC5]  }
0x93: {  	s5 =	sld [smem:$0x3FD0];
	(tm) =	ssettm $0x1  }
0x94: {  	s6 =	sld [smem:$0x3FFB];
	_ =	sdelay $0x3  }
0x95: {  	_ =	strace s6  }
0x96: {  	s6 =	sld [smem:$0x3FFC];
	_ =	sdelay $0x3  }
0x97: {  	_ =	strace s6  }
0x98: {  	s6 =	sld [smem:$0x3FFD];
	_ =	sdelay $0x3  }
0x99: {  	_ =	strace s6  }
0x9a: {  	_ =	strace $0x8FFFFFFF  }
0x9b: {  	s19 =	sld [smem:$0x3FDB];
	_ =	sdelay $0x1  }
0x9c: {  	s7 =	simm.s32 $_scs_section_size  }
0x9d: {  	s8 =	simm.s32 $_size__tile_overlayer_lowered;
	s9 =	simm.s32 $_tile_overlayer_lowered  }
0x9e: {  	s22 =	simm.s32 $0x1BFF;
	s21 =	sshll.u32 s9, $0x1;
	s6 =	sadd.s32 s7, s19  }
0x9f: {  	s10 =	simm.s32 $0x0;
	s20 =	sshll.u32 s8, $0x1;
	s8 =	sadd.s32 s21, s6  }
0xa0: {  	[timem:s10], [sflag:s22] =	dma.local [hbm:s8], s20  }
0xa1: {  	_ =	swait.ge [sflag:s22], s20  }
0xa2: {  	s7 =	ssub.s32 $0x0, s20;
	[sflag:s22] =	ssyncset.done $0x0  }
0xa3: {  	[sflag:s22] =	ssyncadd.s32 s7;
	_ =	sdelay $0x1  }
0xa4: {  	s23 =	simm.s32 $0x1B8B  }
0xa5: {  	_ =	swait.ge [sflag:s23], $0x1  }
0xa6: {  	[sflag:s23] =	ssyncset.done $0x0  }
0xa7: {  	s25 =	simm.s32 $0x1B8E;
	s24 =	sld [smem:$0x3FFE];
	[sflag:s23] =	ssyncadd.s32 $0xFFFFFFFF  }
0xa8: {  	s26 =	simm.s32 $execute0_lowered;
	[smem:$0x3FD2] =	sst s25  }
0xa9: {  	s8 =	sshll.u32 s26, $0x1;
	_ =	strace $0x80000046;
	[dreg:$0x1] =	wrdreg $0xFFFFFFFF  }
0xaa: {  	s28 =	simm.s32 $_size_execute0_lowered;
	s6 =	sadd.s32 s6, s8;
	[dreg:$0x0] =	wrdreg $0x0  }
0xab: {  	s8 =	sshll.u32 s28, $0x1;
	[dreg:$0x2] =	wrdreg s6  }
0xac: {  	[dreg:$0x3] =	wrdreg s8  }
0xad: {  	[dreg:$0x4] =	wrdreg $0xC0  }
0xae: {  	_ =	task [dreg:s10], $0x5FFFF  }
0xaf: {  	[dreg:$0x1] =	wrdreg $0xFFFFFFFF  }
0xb0: {  	[dreg:$0x0] =	wrdreg $0x60  }
0xb1: {  	[dreg:$0x2] =	wrdreg s2  }
0xb2: {  	[dreg:$0x3] =	wrdreg s24  }
0xb3: {  	[dreg:$0x4] =	wrdreg s18  }
0xb4: {  	[dreg:$0x5] =	wrdreg s4  }
0xb5: {  	[dreg:$0x6] =	wrdreg s5  }
0xb6: {  	[dreg:$0x7] =	wrdreg $0x9  }
0xb7: {  	_ =	task.clear_ibuf [dreg:s10], $0x8FFFF;
	_ =	strace $0x90000046  }
0xb8: {  	s29 =	simm.s32 $0x9;
	_ =	strace $0x80000048  }
0xb9: {  	_ =	swait.ge [sflag:s29], $0x1  }
0xba: {  	[sflag:s29] =	ssyncadd.s32 $0xFFFFFFFF  }
0xbb: {  	_ =	strace $0x90000048  }
0xbc: {  	_ =	sfence  }
0xbd: {  	s30 =	sld [smem:$0x0];
	_ =	sdelay $0x2  }
0xbe: {  	s31 =	sshll.u32 s1, $0xD;
	s1 =	sshrl.u32 s1, $0x2  }
0xbf: {  	s3 =	sand.u32 $0x4000, s31;
	s1 =	sadd.s32 s1, s30  }
0xc0: {  	s0 =	sor.u32 s3, s0;
	s1 =	sshll.u32 s1, $0x11  }
0xc1: {  	s0 =	sor.u32 s1, s0  }
0xc2: {  	s0 =	sadd.s32 $0x8F2B, s0  }
0xc3: {  	[sflag:s0] =	ssyncadd.remote.s32 $0x1  }
0xc4: {  	_ =	sfence.sel $0xFFFF  }
0xc5: {  	[dreg:$0x0] =	wrdreg $0xFFFFFFFF;
	(pc) =	sbr.abs _section_cstart, $3  }
0xc6: {  	[dreg:$0x1] =	wrdreg $0xFFFFFFFF  }
0xc7: {  	_ =	task.clear_ibuf [dreg:s10], $0x2FFFF;
	_ =	strace $0x9FFFFFFF  }
0xc8: {  	(tm) =	ssettm $0x7FFFFFFF  }
0xc9: {  	_ =	shalt  }
tec
execute0_lowered:
.L_overlay_start_1:
0x0: {  	(tag) =	ssettag $0x1  }
0x1: {  	s0 =	rddreg [dreg:$0x0]  }
0x2: {  	s3 =	rddreg [dreg:$0x1]  }
0x3: {  	s1 =	rddreg [dreg:$0x2]  }
0x4: {  	s2 =	rddreg [dreg:$0x3]  }
0x5: {  	s8 =	rddreg [dreg:$0x4]  }
0x6: {  	s4 =	simm.s32 $0x0;
	s5 =	srdreg.scid;
	s7 =	stileid.u32  }
0x7: {  	s11 =	simm.s32 $0x100;
	s12 =	simm.s32 $0x2;
	s16 =	simm.s32 $0x800  }
0x8: {  	s17 =	simm.s32 $0x600;
	s18 =	simm.s32 $0x4800;
	s19 =	simm.s32 $0x1  }
0x9: {  	s20 =	simm.s32 $0x480;
	s21 =	simm.s32 $0x680;
	s22 =	simm.s32 $0x500  }
0xa: {  	s23 =	simm.s32 $0x700;
	s24 =	simm.s32 $0x580;
	s25 =	simm.s32 $0x780  }
0xb: {  	s26 =	simm.s32 $0x8900;
	s28 =	simm.s32 $0x0;
	[smem:$0x7FF] =	sst s4  }
0xc: {  	s6 =	sand.u32 $0x1, s5;
	s7 =	sshll.u32 s7, $0xA;
	s5 =	sadd.s32 $0x400, s3  }
0xd: {  	_ =	strace $0x80000047;
	s9 =	sshll.u32 s6, $0x9;
	s10 =	ssub.s32 $0x2, s6  }
0xe: {  	s6 =	sadd.s32 $0x400400, s3;
	s9 =	sor.u32 s9, s7;
	s31 =	sshrl.u32 s10, $0x1  }
0xf: {  	s13 =	sshrl.u32 s9, $0x2;
	s3 =	ssub.s32 s10, s31;
	s9 =	sshrl.u32 s9, $0x3  }
0x10: {  	v0 =	vlaneseq.u32;
	s10 =	simm.s32 $0x80;
	s7 =	sadd.s32 s0, s13;
	s0 =	sadd.s32 $0x10, s0  }
0x11: {  	v0 =	vmul.u32 $0x80, v0;
	s8 =	sadd.s32 s8, s9;
	s9 =	smax.u32 s3, $0x1;
	s13 =	sadd.s32 s13, s0  }
.LBB2_1:
0x12: {  	[tilespmem:s4], [sflag:$0x2] =	stream.strided.gather [hbm4b:s7+s10], $0x200, s11, s10, $0x38;
	[tilespmem:$0x8B00] =	vst v63  }
0x13: {  	_ =	swait.ge [sflag:s12], $0x200  }
0x14: {  	[sflag:s12] =	ssyncset.done $0x0  }
0x15: {  	s0 =	simm.s32 $0x200;
	[sflag:s12] =	ssyncadd.s32 $0xFFFFFE00  }
0x16: {  	[tilespmem:s0], [sflag:$0x2] =	stream.strided.gather [hbm4b:s13+s10], $0x200, s11, s10, $0x38;
	[tilespmem:$0x8B00] =	vst v63  }
0x17: {  	_ =	swait.ge [sflag:s12], $0x200  }
0x18: {  	[sflag:s12] =	ssyncset.done $0x0  }
0x19: {  	s0 =	simm.s32 $0x0;
	[sflag:s12] =	ssyncadd.s32 $0xFFFFFE00  }
0x1a: {  	v1 =	vld [tilespmem:s0+$0x200]  }
0x1b: {  	s3 =	simm.s32 $0x40;
	v2 =	vld [tilespmem:s0+$0x0]  }
.LBB2_2:
0x1c: {  	p0 =	sne.s32 s3, $0x7C0  }
.Ltmp0:
0x1d: {  	_ = 	snop;
	(pc) =	sbr.rel @p0 .LBB2_2-.Ltmp0, $4  }
0x1e: {  	_ = 	snop  }
0x1f: {  	s14 =	sshra.s32 s3, $0x2;
	s3 =	sadd.s32 $0x40, s3;
	v3 =	vand.u32 $0x3FFFF, v1  }
0x20: {  	v1 =	vld [tilespmem:s14+$0x200];
	v4 =	vand.u32 $0x3FFFF, v2;
	[tilespmem:s0+$0x600] =	vst v3  }
0x21: {  	v2 =	vld [tilespmem:s14+$0x0];
	[tilespmem:s0+$0x400] =	vst v4;
	s0 =	smov.u32 s14  }
0x22: {  	_ =	sdelay $0x2  }
0x23: {  	v1 =	vand.u32 $0x3FFFF, v1  }
0x24: {  	v2 =	vand.u32 $0x3FFFF, v2;
	[tilespmem:s0+$0x600] =	vst v1  }
0x25: {  	s14 =	simm.s32 $0x400;
	[tilespmem:s0+$0x400] =	vst v2  }
0x26: {  	[tilespmem:s16], [sflag:$0x1] =	stream.indirect.gather [hbm4b:s5+s10], $0x80, s14, s10, $0xb8;
	[tilespmem:$0x8B00] =	vst v63  }
0x27: {  	_ = 	snop  }
0x28: {  	[tilespmem:s18], [sflag:$0x1] =	stream.indirect.gather [hbm4b:s6+s10], $0x80, s17, s10, $0xb8;
	[tilespmem:$0x8B00] =	vst v63  }
0x29: {  	s15 =	simm.s32 $0x0;
	s29 =	simm.s32 $0x8800  }
0x2a: {  	[tilespmem:s29], [sflag:$0x1] =	stream.indirect.gather [hbm4b:s1+s10], $0x1, s15, s10, $0xb8;
	[tilespmem:$0x8B00] =	vst v63  }
0x2b: {  	s3 =	simm.s32 $0x200;
	s30 =	simm.s32 $0x8880  }
0x2c: {  	[tilespmem:s30], [sflag:$0x1] =	stream.indirect.gather [hbm4b:s2+s10], $0x1, s3, s10, $0xb8;
	[tilespmem:$0x8B00] =	vst v63  }
0x2d: {  	_ =	swait.ge [sflag:s19], $0x4000  }
0x2e: {  	[sflag:s19] =	ssyncset.done $0x0  }
0x2f: {  	[sflag:s19] =	ssyncadd.s32 $0xFFFFC000  }
0x30: {  	_ =	swait.ge [sflag:s19], $0x4000  }
0x31: {  	[sflag:s19] =	ssyncset.done $0x0  }
0x32: {  	[sflag:s19] =	ssyncadd.s32 $0xFFFFC000  }
0x33: {  	_ =	swait.ge [sflag:s19], $0x80  }
0x34: {  	[sflag:s19] =	ssyncset.done $0x0  }
0x35: {  	[sflag:s19] =	ssyncadd.s32 $0xFFFFFF80  }
0x36: {  	_ =	swait.ge [sflag:s19], $0x80  }
0x37: {  	[sflag:s19] =	ssyncset.done $0x0  }
0x38: {  	[sflag:s19] =	ssyncadd.s32 $0xFFFFFF80  }
0x39: {  	v1 =	vld [tilespmem:s15+$0x0]  }
0x3a: {  	v2 =	vld [tilespmem:s3+$0x0];
	_ =	sdelay $0x2  }
0x3b: {  	v3 =	vmov s15  }
0x3c: {  	v3 =	vshll.u32 v3, $0x7;
	v1 =	vshra.s32 v1, $0xD  }
0x3d: {  	v3 =	vor.u32 v0, v3;
	v2 =	vshra.s32 v2, $0xD;
	v4 =	vand.u32 $0xFFFFFF80, v1  }
0x3e: {  	v1 =	vand.u32 $0x60, v1;
	v5 =	vand.u32 $0xFFFFFF80, v2;
	v4 =	vadd.s32 v3, v4  }
0x3f: {  	v2 =	vand.u32 $0x60, v2;
	v3 =	vadd.s32 v3, v5;
	v1 =	vor.u32 v1, v4  }
0x40: {  	v2 =	vor.u32 v2, v3  }
0x41: {  	v3 =	vor.u32 $0x1, v1  }
0x42: {  	v41 =	vld [tilespmem:s29+$0x0];
	v42 =	vor.u32 $0x1, v2  }
0x43: {  	v6 =	vld [tilespmem:s30+$0x0];
	v7 =	vor.u32 $0x2, v1  }
0x44: {  	v9 =	vor.u32 $0x2, v2;
	v8 =	vld.idx.msk [tilespmem:v1+s16+$0x0], $0xffff  }
0x45: {  	v11 =	vor.u32 $0x3, v1;
	v10 =	vld.idx.msk [tilespmem:v2+s18+$0x0], $0xffff  }
0x46: {  	v12 =	vor.u32 $0x3, v2;
	v3 =	vld.idx.msk [tilespmem:v3+s16+$0x0], $0xffff  }
0x47: {  	v13 =	vor.u32 $0x4, v1;
	v5 =	vld.idx.msk [tilespmem:v42+s18+$0x0], $0xffff  }
0x48: {  	v4 =	vadd.f32 v6, v41;
	v14 =	vor.u32 $0x4, v2;
	v7 =	vld.idx.msk [tilespmem:v7+s16+$0x0], $0xffff  }
0x49: {  	v44 =	vor.u32 $0x5, v1;
	v43 =	vld.idx.msk [tilespmem:v9+s18+$0x0], $0xffff  }
0x4a: {  	v15 =	vor.u32 $0x5, v2;
	v4 =	vadd.f32 $3.500000000e+00, v4;
	v11 =	vld.idx.msk [tilespmem:v11+s16+$0x0], $0xffff;
	v8 =	vmul.f32 v10, v8  }
0x4b: {  	v46 =	vor.u32 $0x6, v1;
	v45 =	vld.idx.msk [tilespmem:v12+s18+$0x0], $0xffff  }
0x4c: {  	v16 =	vor.u32 $0x6, v2;
	v13 =	vld.idx.msk [tilespmem:v13+s16+$0x0], $0xffff;
	v3 =	vmul.f32 v5, v3;
	v4 =	vadd.f32 v8, v4  }
0x4d: {  	v49 =	vor.u32 $0x7, v2;
	v47 =	vld.idx.msk [tilespmem:v14+s18+$0x0], $0xffff  }
0x4e: {  	v48 =	vor.u32 $0x7, v1;
	v9 =	vld.idx.msk [tilespmem:v44+s16+$0x0], $0xffff;
	v50 =	vmul.f32 v43, v7;
	v3 =	vadd.f32 v3, v4  }
0x4f: {  	v53 =	vor.u32 $0x8, v2;
	v51 =	vld.idx.msk [tilespmem:v15+s18+$0x0], $0xffff  }
0x50: {  	v52 =	vor.u32 $0x8, v1;
	v12 =	vld.idx.msk [tilespmem:v46+s16+$0x0], $0xffff;
	v54 =	vmul.f32 v45, v11;
	v3 =	vadd.f32 v50, v3  }
0x51: {  	v57 =	vor.u32 $0x9, v2;
	v55 =	vld.idx.msk [tilespmem:v16+s18+$0x0], $0xffff  }
0x52: {  	v56 =	vor.u32 $0x9, v1;
	v59 =	vld.idx.msk [tilespmem:v49+s18+$0x0], $0xffff;
	v58 =	vmul.f32 v47, v13;
	v3 =	vadd.f32 v54, v3  }
0x53: {  	v61 =	vor.u32 $0xA, v2;
	v8 =	vld.idx.msk [tilespmem:v48+s16+$0x0], $0xffff  }
0x54: {  	v60 =	vor.u32 $0xA, v1;
	v63 =	vld.idx.msk [tilespmem:v53+s18+$0x0], $0xffff;
	v62 =	vmul.f32 v51, v9;
	v3 =	vadd.f32 v58, v3  }
0x55: {  	v21 =	vor.u32 $0xB, v2;
	v7 =	vld.idx.msk [tilespmem:v52+s16+$0x0], $0xffff  }
0x56: {  	v20 =	vor.u32 $0xB, v1;
	v23 =	vld.idx.msk [tilespmem:v57+s18+$0x0], $0xffff;
	v22 =	vmul.f32 v55, v12;
	v3 =	vadd.f32 v62, v3  }
0x57: {  	v25 =	vor.u32 $0xC, v2;
	v11 =	vld.idx.msk [tilespmem:v56+s16+$0x0], $0xffff  }
0x58: {  	v24 =	vor.u32 $0xC, v1;
	v27 =	vld.idx.msk [tilespmem:v61+s18+$0x0], $0xffff;
	v26 =	vmul.f32 v59, v8;
	v3 =	vadd.f32 v22, v3  }
0x59: {  	v29 =	vor.u32 $0xD, v2;
	v13 =	vld.idx.msk [tilespmem:v60+s16+$0x0], $0xffff  }
0x5a: {  	v28 =	vor.u32 $0xD, v1;
	v31 =	vld.idx.msk [tilespmem:v21+s18+$0x0], $0xffff;
	v30 =	vmul.f32 v63, v7;
	v3 =	vadd.f32 v26, v3  }
0x5b: {  	v33 =	vor.u32 $0xE, v2;
	v9 =	vld.idx.msk [tilespmem:v20+s16+$0x0], $0xffff  }
0x5c: {  	v32 =	vor.u32 $0xE, v1;
	v35 =	vld.idx.msk [tilespmem:v25+s18+$0x0], $0xffff;
	v34 =	vmul.f32 v23, v11;
	v3 =	vadd.f32 v30, v3  }
0x5d: {  	v37 =	vor.u32 $0xF, v2;
	v12 =	vld.idx.msk [tilespmem:v24+s16+$0x0], $0xffff  }
0x5e: {  	v36 =	vor.u32 $0xF, v1;
	v39 =	vld.idx.msk [tilespmem:v29+s18+$0x0], $0xffff;
	v38 =	vmul.f32 v27, v13;
	v3 =	vadd.f32 v34, v3  }
0x5f: {  	v41 =	vor.u32 $0x10, v2;
	v8 =	vld.idx.msk [tilespmem:v28+s16+$0x0], $0xffff  }
0x60: {  	v40 =	vor.u32 $0x10, v1;
	v43 =	vld.idx.msk [tilespmem:v33+s18+$0x0], $0xffff;
	v42 =	vmul.f32 v31, v9;
	v3 =	vadd.f32 v38, v3  }
0x61: {  	v44 =	vor.u32 $0x11, v1;
	v7 =	vld.idx.msk [tilespmem:v32+s16+$0x0], $0xffff  }
0x62: {  	v45 =	vor.u32 $0x11, v2;
	v47 =	vld.idx.msk [tilespmem:v37+s18+$0x0], $0xffff;
	v46 =	vmul.f32 v35, v12;
	v3 =	vadd.f32 v42, v3  }
0x63: {  	v48 =	vor.u32 $0x12, v1;
	v11 =	vld.idx.msk [tilespmem:v36+s16+$0x0], $0xffff  }
0x64: {  	v49 =	vor.u32 $0x12, v2;
	v51 =	vld.idx.msk [tilespmem:v41+s18+$0x0], $0xffff;
	v50 =	vmul.f32 v39, v8;
	v3 =	vadd.f32 v46, v3  }
0x65: {  	v53 =	vor.u32 $0x13, v2;
	v13 =	vld.idx.msk [tilespmem:v40+s16+$0x0], $0xffff  }
0x66: {  	v52 =	vor.u32 $0x13, v1;
	v9 =	vld.idx.msk [tilespmem:v44+s16+$0x0], $0xffff;
	v54 =	vmul.f32 v43, v7;
	v3 =	vadd.f32 v50, v3  }
0x67: {  	v56 =	vor.u32 $0x14, v1;
	v55 =	vld.idx.msk [tilespmem:v45+s18+$0x0], $0xffff  }
0x68: {  	v57 =	vor.u32 $0x14, v2;
	v12 =	vld.idx.msk [tilespmem:v48+s16+$0x0], $0xffff;
	v58 =	vmul.f32 v47, v11;
	v3 =	vadd.f32 v54, v3  }
0x69: {  	v60 =	vor.u32 $0x15, v1;
	v59 =	vld.idx.msk [tilespmem:v49+s18+$0x0], $0xffff  }
0x6a: {  	v61 =	vor.u32 $0x15, v2;
	v63 =	vld.idx.msk [tilespmem:v53+s18+$0x0], $0xffff;
	v62 =	vmul.f32 v51, v13;
	v3 =	vadd.f32 v58, v3  }
0x6b: {  	v19 =	vor.u32 $0x16, v1;
	v8 =	vld.idx.msk [tilespmem:v52+s16+$0x0], $0xffff  }
0x6c: {  	v20 =	vor.u32 $0x16, v2;
	v7 =	vld.idx.msk [tilespmem:v56+s16+$0x0], $0xffff;
	v21 =	vmul.f32 v55, v9;
	v3 =	vadd.f32 v62, v3  }
0x6d: {  	v23 =	vor.u32 $0x17, v1;
	v22 =	vld.idx.msk [tilespmem:v57+s18+$0x0], $0xffff  }
0x6e: {  	v24 =	vor.u32 $0x17, v2;
	v11 =	vld.idx.msk [tilespmem:v60+s16+$0x0], $0xffff;
	v25 =	vmul.f32 v59, v12;
	v3 =	vadd.f32 v21, v3  }
0x6f: {  	v27 =	vor.u32 $0x18, v1;
	v26 =	vld.idx.msk [tilespmem:v61+s18+$0x0], $0xffff  }
0x70: {  	v28 =	vor.u32 $0x18, v2;
	v13 =	vld.idx.msk [tilespmem:v19+s16+$0x0], $0xffff;
	v29 =	vmul.f32 v63, v8;
	v3 =	vadd.f32 v25, v3  }
0x71: {  	v31 =	vor.u32 $0x19, v1;
	v30 =	vld.idx.msk [tilespmem:v20+s18+$0x0], $0xffff  }
0x72: {  	v32 =	vor.u32 $0x19, v2;
	v9 =	vld.idx.msk [tilespmem:v23+s16+$0x0], $0xffff;
	v33 =	vmul.f32 v22, v7;
	v3 =	vadd.f32 v29, v3  }
0x73: {  	v35 =	vor.u32 $0x1A, v1;
	v34 =	vld.idx.msk [tilespmem:v24+s18+$0x0], $0xffff  }
0x74: {  	v36 =	vor.u32 $0x1A, v2;
	v12 =	vld.idx.msk [tilespmem:v27+s16+$0x0], $0xffff;
	v37 =	vmul.f32 v26, v11;
	v3 =	vadd.f32 v33, v3  }
0x75: {  	v39 =	vor.u32 $0x1B, v1;
	v38 =	vld.idx.msk [tilespmem:v28+s18+$0x0], $0xffff  }
0x76: {  	v40 =	vor.u32 $0x1B, v2;
	v8 =	vld.idx.msk [tilespmem:v31+s16+$0x0], $0xffff;
	v41 =	vmul.f32 v30, v13;
	v3 =	vadd.f32 v37, v3  }
0x77: {  	v43 =	vor.u32 $0x1C, v1;
	v42 =	vld.idx.msk [tilespmem:v32+s18+$0x0], $0xffff  }
0x78: {  	v44 =	vor.u32 $0x1C, v2;
	v7 =	vld.idx.msk [tilespmem:v35+s16+$0x0], $0xffff;
	v45 =	vmul.f32 v34, v9;
	v3 =	vadd.f32 v41, v3  }
0x79: {  	v48 =	vor.u32 $0x1D, v2;
	v46 =	vld.idx.msk [tilespmem:v36+s18+$0x0], $0xffff  }
0x7a: {  	v47 =	vor.u32 $0x1D, v1;
	v11 =	vld.idx.msk [tilespmem:v39+s16+$0x0], $0xffff;
	v49 =	vmul.f32 v38, v12;
	v3 =	vadd.f32 v45, v3  }
0x7b: {  	v52 =	vor.u32 $0x1E, v2;
	v50 =	vld.idx.msk [tilespmem:v40+s18+$0x0], $0xffff  }
0x7c: {  	v51 =	vor.u32 $0x1E, v1;
	v13 =	vld.idx.msk [tilespmem:v43+s16+$0x0], $0xffff;
	v53 =	vmul.f32 v42, v8;
	v3 =	vadd.f32 v49, v3  }
0x7d: {  	v1 =	vor.u32 $0x1F, v1;
	v54 =	vld.idx.msk [tilespmem:v44+s18+$0x0], $0xffff  }
0x7e: {  	v2 =	vor.u32 $0x1F, v2;
	v57 =	vld.idx.msk [tilespmem:v48+s18+$0x0], $0xffff;
	v56 =	vmul.f32 v46, v7;
	v3 =	vadd.f32 v53, v3  }
0x7f: {  	v55 =	vld.idx.msk [tilespmem:v47+s16+$0x0], $0xffff  }
0x80: {  	v60 =	vld.idx.msk [tilespmem:v52+s18+$0x0], $0xffff;
	v59 =	vmul.f32 v50, v11;
	v3 =	vadd.f32 v56, v3  }
0x81: {  	v58 =	vld.idx.msk [tilespmem:v51+s16+$0x0], $0xffff  }
0x82: {  	v1 =	vld.idx.msk [tilespmem:v1+s16+$0x0], $0xffff;
	v61 =	vmul.f32 v54, v13;
	v3 =	vadd.f32 v59, v3  }
0x83: {  	v2 =	vld.idx.msk [tilespmem:v2+s18+$0x0], $0xffff  }
0x84: {  	v62 =	vmul.f32 v57, v55;
	v3 =	vadd.f32 v61, v3;
	_ =	sdelay $0x1  }
0x85: {  	v63 =	vmul.f32 v60, v58;
	v3 =	vadd.f32 v62, v3;
	_ =	sdelay $0x1  }
0x86: {  	v1 =	vmul.f32 v2, v1;
	v3 =	vadd.f32 v63, v3;
	_ =	sdelay $0x1  }
0x87: {  	v1 =	vadd.f32 v1, v3  }
0x88: {  	s31 =	simm.s32 $0x8900  }
0x89: {  	s0 =	simm.s32 $0x10;
	[tilespmem:s31+$0x0] =	vst v1  }
0x8a: {  	s3 =	simm.s32 $0x210;
	v1 =	vld [tilespmem:s0+$0x0]  }
0x8b: {  	s14 =	simm.s32 $0x20;
	s15 =	simm.s32 $0x10;
	v2 =	vld [tilespmem:s3+$0x0]  }
.LBB2_4:
0x8c: {  	p0 =	sne.s32 s14, $0x70;
	_ =	sdelay $0x1  }
0x8d: {  	v3 =	vmov s0;
	s0 =	smov.u32 s14  }
0x8e: {  	v3 =	vshll.u32 v3, $0x7;
	v1 =	vshra.s32 v1, $0xD  }
0x8f: {  	v3 =	vor.u32 v0, v3;
	v2 =	vshra.s32 v2, $0xD;
	v4 =	vand.u32 $0xFFFFFF80, v1  }
0x90: {  	v1 =	vand.u32 $0x60, v1;
	v4 =	vadd.s32 v3, v4;
	v5 =	vand.u32 $0xFFFFFF80, v2  }
0x91: {  	v2 =	vand.u32 $0x60, v2;
	v1 =	vor.u32 v1, v4;
	v3 =	vadd.s32 v3, v5  }
0x92: {  	v2 =	vor.u32 v2, v3  }
0x93: {  	s29 =	sadd.s32 $0x10, s29;
	v3 =	vor.u32 $0x1, v1  }
0x94: {  	s30 =	sadd.s32 $0x10, s30;
	v5 =	vor.u32 $0x1, v2;
	v4 =	vld [tilespmem:s29+$0x0]  }
0x95: {  	v7 =	vor.u32 $0x2, v1;
	v6 =	vld [tilespmem:s30+$0x0]  }
0x96: {  	v9 =	vor.u32 $0x2, v2;
	v8 =	vld.idx.msk [tilespmem:v1+s16+$0x0], $0xffff  }
0x97: {  	v11 =	vor.u32 $0x3, v1;
	v10 =	vld.idx.msk [tilespmem:v2+s18+$0x0], $0xffff  }
0x98: {  	v12 =	vor.u32 $0x3, v2;
	v3 =	vld.idx.msk [tilespmem:v3+s16+$0x0], $0xffff  }
0x99: {  	v13 =	vor.u32 $0x4, v1;
	v5 =	vld.idx.msk [tilespmem:v5+s18+$0x0], $0xffff  }
0x9a: {  	v14 =	vor.u32 $0x4, v2;
	v7 =	vld.idx.msk [tilespmem:v7+s16+$0x0], $0xffff  }
0x9b: {  	v4 =	vadd.f32 v6, v4;
	v6 =	vld.idx.msk [tilespmem:v9+s18+$0x0], $0xffff;
	v9 =	vor.u32 $0x5, v1  }
0x9c: {  	v15 =	vor.u32 $0x5, v2;
	v11 =	vld.idx.msk [tilespmem:v11+s16+$0x0], $0xffff  }
0x9d: {  	v4 =	vadd.f32 $3.500000000e+00, v4;
	v8 =	vmul.f32 v10, v8;
	v10 =	vld.idx.msk [tilespmem:v12+s18+$0x0], $0xffff;
	v12 =	vor.u32 $0x6, v1  }
0x9e: {  	v16 =	vor.u32 $0x6, v2;
	v13 =	vld.idx.msk [tilespmem:v13+s16+$0x0], $0xffff  }
0x9f: {  	v4 =	vadd.f32 v8, v4;
	v3 =	vmul.f32 v5, v3;
	v8 =	vor.u32 $0x7, v1;
	v5 =	vld.idx.msk [tilespmem:v14+s18+$0x0], $0xffff  }
0xa0: {  	v14 =	vor.u32 $0x7, v2;
	v9 =	vld.idx.msk [tilespmem:v9+s16+$0x0], $0xffff  }
0xa1: {  	v3 =	vadd.f32 v3, v4;
	v4 =	vmul.f32 v6, v7;
	v7 =	vor.u32 $0x8, v1;
	v6 =	vld.idx.msk [tilespmem:v15+s18+$0x0], $0xffff  }
0xa2: {  	v15 =	vor.u32 $0x8, v2;
	v12 =	vld.idx.msk [tilespmem:v12+s16+$0x0], $0xffff  }
0xa3: {  	v3 =	vadd.f32 v4, v3;
	v4 =	vmul.f32 v10, v11;
	v11 =	vor.u32 $0x9, v1;
	v10 =	vld.idx.msk [tilespmem:v16+s18+$0x0], $0xffff  }
0xa4: {  	v16 =	vor.u32 $0x9, v2;
	v8 =	vld.idx.msk [tilespmem:v8+s16+$0x0], $0xffff  }
0xa5: {  	v3 =	vadd.f32 v4, v3;
	v4 =	vmul.f32 v5, v13;
	v13 =	vor.u32 $0xA, v1;
	v5 =	vld.idx.msk [tilespmem:v14+s18+$0x0], $0xffff  }
0xa6: {  	v14 =	vor.u32 $0xA, v2;
	v7 =	vld.idx.msk [tilespmem:v7+s16+$0x0], $0xffff  }
0xa7: {  	v3 =	vadd.f32 v4, v3;
	v4 =	vmul.f32 v6, v9;
	v9 =	vor.u32 $0xB, v1;
	v6 =	vld.idx.msk [tilespmem:v15+s18+$0x0], $0xffff  }
0xa8: {  	v15 =	vor.u32 $0xB, v2;
	v11 =	vld.idx.msk [tilespmem:v11+s16+$0x0], $0xffff  }
0xa9: {  	v3 =	vadd.f32 v4, v3;
	v4 =	vmul.f32 v10, v12;
	v12 =	vor.u32 $0xC, v1;
	v10 =	vld.idx.msk [tilespmem:v16+s18+$0x0], $0xffff  }
0xaa: {  	v16 =	vor.u32 $0xC, v2;
	v13 =	vld.idx.msk [tilespmem:v13+s16+$0x0], $0xffff  }
0xab: {  	v3 =	vadd.f32 v4, v3;
	v4 =	vmul.f32 v5, v8;
	v8 =	vor.u32 $0xD, v1;
	v5 =	vld.idx.msk [tilespmem:v14+s18+$0x0], $0xffff  }
0xac: {  	v14 =	vor.u32 $0xD, v2;
	v9 =	vld.idx.msk [tilespmem:v9+s16+$0x0], $0xffff  }
0xad: {  	v3 =	vadd.f32 v4, v3;
	v4 =	vmul.f32 v6, v7;
	v7 =	vor.u32 $0xE, v1;
	v6 =	vld.idx.msk [tilespmem:v15+s18+$0x0], $0xffff  }
0xae: {  	v15 =	vor.u32 $0xE, v2;
	v12 =	vld.idx.msk [tilespmem:v12+s16+$0x0], $0xffff  }
0xaf: {  	v3 =	vadd.f32 v4, v3;
	v4 =	vmul.f32 v10, v11;
	v11 =	vor.u32 $0xF, v1;
	v10 =	vld.idx.msk [tilespmem:v16+s18+$0x0], $0xffff  }
0xb0: {  	v16 =	vor.u32 $0xF, v2;
	v8 =	vld.idx.msk [tilespmem:v8+s16+$0x0], $0xffff  }
0xb1: {  	v3 =	vadd.f32 v4, v3;
	v4 =	vmul.f32 v5, v13;
	v13 =	vor.u32 $0x10, v1;
	v5 =	vld.idx.msk [tilespmem:v14+s18+$0x0], $0xffff  }
0xb2: {  	v14 =	vor.u32 $0x10, v2;
	v7 =	vld.idx.msk [tilespmem:v7+s16+$0x0], $0xffff  }
0xb3: {  	v3 =	vadd.f32 v4, v3;
	v4 =	vmul.f32 v6, v9;
	v9 =	vor.u32 $0x11, v1;
	v6 =	vld.idx.msk [tilespmem:v15+s18+$0x0], $0xffff  }
0xb4: {  	v15 =	vor.u32 $0x11, v2;
	v11 =	vld.idx.msk [tilespmem:v11+s16+$0x0], $0xffff  }
0xb5: {  	v3 =	vadd.f32 v4, v3;
	v4 =	vmul.f32 v10, v12;
	v12 =	vor.u32 $0x12, v1;
	v10 =	vld.idx.msk [tilespmem:v16+s18+$0x0], $0xffff  }
0xb6: {  	v16 =	vor.u32 $0x12, v2;
	v13 =	vld.idx.msk [tilespmem:v13+s16+$0x0], $0xffff  }
0xb7: {  	v3 =	vadd.f32 v4, v3;
	v4 =	vmul.f32 v5, v8;
	v8 =	vor.u32 $0x13, v1;
	v5 =	vld.idx.msk [tilespmem:v14+s18+$0x0], $0xffff  }
0xb8: {  	v14 =	vor.u32 $0x13, v2;
	v9 =	vld.idx.msk [tilespmem:v9+s16+$0x0], $0xffff  }
0xb9: {  	v3 =	vadd.f32 v4, v3;
	v4 =	vmul.f32 v6, v7;
	v7 =	vor.u32 $0x14, v1;
	v6 =	vld.idx.msk [tilespmem:v15+s18+$0x0], $0xffff  }
0xba: {  	v15 =	vor.u32 $0x14, v2;
	v12 =	vld.idx.msk [tilespmem:v12+s16+$0x0], $0xffff  }
0xbb: {  	v3 =	vadd.f32 v4, v3;
	v4 =	vmul.f32 v10, v11;
	v11 =	vor.u32 $0x15, v1;
	v10 =	vld.idx.msk [tilespmem:v16+s18+$0x0], $0xffff  }
0xbc: {  	v16 =	vor.u32 $0x15, v2;
	v8 =	vld.idx.msk [tilespmem:v8+s16+$0x0], $0xffff  }
0xbd: {  	v3 =	vadd.f32 v4, v3;
	v4 =	vmul.f32 v5, v13;
	v13 =	vor.u32 $0x16, v1;
	v5 =	vld.idx.msk [tilespmem:v14+s18+$0x0], $0xffff  }
0xbe: {  	v14 =	vor.u32 $0x16, v2;
	v7 =	vld.idx.msk [tilespmem:v7+s16+$0x0], $0xffff  }
0xbf: {  	v3 =	vadd.f32 v4, v3;
	v4 =	vmul.f32 v6, v9;
	v9 =	vor.u32 $0x17, v1;
	v6 =	vld.idx.msk [tilespmem:v15+s18+$0x0], $0xffff  }
0xc0: {  	v15 =	vor.u32 $0x17, v2;
	v11 =	vld.idx.msk [tilespmem:v11+s16+$0x0], $0xffff  }
0xc1: {  	v3 =	vadd.f32 v4, v3;
	v4 =	vmul.f32 v10, v12;
	v12 =	vor.u32 $0x18, v1;
	v10 =	vld.idx.msk [tilespmem:v16+s18+$0x0], $0xffff  }
0xc2: {  	v16 =	vor.u32 $0x18, v2;
	v13 =	vld.idx.msk [tilespmem:v13+s16+$0x0], $0xffff  }
0xc3: {  	v3 =	vadd.f32 v4, v3;
	v4 =	vmul.f32 v5, v8;
	v8 =	vor.u32 $0x19, v1;
	v5 =	vld.idx.msk [tilespmem:v14+s18+$0x0], $0xffff  }
0xc4: {  	v14 =	vor.u32 $0x19, v2;
	v9 =	vld.idx.msk [tilespmem:v9+s16+$0x0], $0xffff  }
0xc5: {  	v3 =	vadd.f32 v4, v3;
	v4 =	vmul.f32 v6, v7;
	v7 =	vor.u32 $0x1A, v1;
	v6 =	vld.idx.msk [tilespmem:v15+s18+$0x0], $0xffff  }
0xc6: {  	v15 =	vor.u32 $0x1A, v2;
	v12 =	vld.idx.msk [tilespmem:v12+s16+$0x0], $0xffff  }
0xc7: {  	v3 =	vadd.f32 v4, v3;
	v4 =	vmul.f32 v10, v11;
	v11 =	vor.u32 $0x1B, v1;
	v10 =	vld.idx.msk [tilespmem:v16+s18+$0x0], $0xffff  }
0xc8: {  	v16 =	vor.u32 $0x1B, v2;
	v8 =	vld.idx.msk [tilespmem:v8+s16+$0x0], $0xffff  }
0xc9: {  	v3 =	vadd.f32 v4, v3;
	v4 =	vmul.f32 v5, v13;
	v13 =	vor.u32 $0x1C, v1;
	v5 =	vld.idx.msk [tilespmem:v14+s18+$0x0], $0xffff  }
0xca: {  	v14 =	vor.u32 $0x1C, v2;
	v7 =	vld.idx.msk [tilespmem:v7+s16+$0x0], $0xffff  }
0xcb: {  	v3 =	vadd.f32 v4, v3;
	v4 =	vmul.f32 v6, v9;
	v9 =	vor.u32 $0x1D, v1;
	v6 =	vld.idx.msk [tilespmem:v15+s18+$0x0], $0xffff  }
0xcc: {  	v15 =	vor.u32 $0x1D, v2;
	v11 =	vld.idx.msk [tilespmem:v11+s16+$0x0], $0xffff  }
0xcd: {  	v3 =	vadd.f32 v4, v3;
	v4 =	vmul.f32 v10, v12;
	v12 =	vor.u32 $0x1E, v1;
	v10 =	vld.idx.msk [tilespmem:v16+s18+$0x0], $0xffff  }
0xce: {  	v16 =	vor.u32 $0x1E, v2;
	v13 =	vld.idx.msk [tilespmem:v13+s16+$0x0], $0xffff  }
0xcf: {  	v1 =	vor.u32 $0x1F, v1;
	v3 =	vadd.f32 v4, v3;
	v4 =	vmul.f32 v5, v8;
	v5 =	vld.idx.msk [tilespmem:v14+s18+$0x0], $0xffff  }
0xd0: {  	v2 =	vor.u32 $0x1F, v2;
	v8 =	vld.idx.msk [tilespmem:v9+s16+$0x0], $0xffff  }
0xd1: {  	v3 =	vadd.f32 v4, v3;
	v4 =	vmul.f32 v6, v7;
	v6 =	vld.idx.msk [tilespmem:v15+s18+$0x0], $0xffff  }
0xd2: {  	v7 =	vld.idx.msk [tilespmem:v12+s16+$0x0], $0xffff  }
0xd3: {  	v3 =	vadd.f32 v4, v3;
	v4 =	vmul.f32 v10, v11;
	v9 =	vld.idx.msk [tilespmem:v16+s18+$0x0], $0xffff  }
0xd4: {  	v1 =	vld.idx.msk [tilespmem:v1+s16+$0x0], $0xffff  }
0xd5: {  	v3 =	vadd.f32 v4, v3;
	v4 =	vmul.f32 v5, v13;
	v2 =	vld.idx.msk [tilespmem:v2+s18+$0x0], $0xffff;
	_ =	sdelay $0x1  }
0xd6: {  	v3 =	vadd.f32 v4, v3;
	v4 =	vmul.f32 v6, v8;
	_ =	sdelay $0x1  }
0xd7: {  	v3 =	vadd.f32 v4, v3;
	v4 =	vmul.f32 v9, v7;
	_ =	sdelay $0x1  }
0xd8: {  	v3 =	vadd.f32 v4, v3;
	v1 =	vmul.f32 v2, v1;
	_ =	sdelay $0x1  }
.Ltmp1:
0xd9: {  	v1 =	vadd.f32 v1, v3;
	(pc) =	sbr.rel @p0 .LBB2_4-.Ltmp1, $4  }
0xda: {  	s31 =	sadd.s32 $0x10, s31  }
0xdb: {  	s15 =	sadd.s32 $0x10, s15;
	[tilespmem:s31+$0x0] =	vst v1  }
0xdc: {  	s3 =	sadd.s32 $0x10, s3;
	v1 =	vld [tilespmem:s15+$0x0]  }
0xdd: {  	s14 =	sadd.s32 $0x10, s14;
	v2 =	vld [tilespmem:s3+$0x0]  }
0xde: {  	_ =	sdelay $0x1  }
0xdf: {  	v3 =	vmov s0  }
0xe0: {  	v3 =	vshll.u32 v3, $0x7;
	v1 =	vshra.s32 v1, $0xD  }
0xe1: {  	v3 =	vor.u32 v0, v3;
	v2 =	vshra.s32 v2, $0xD;
	v4 =	vand.u32 $0xFFFFFF80, v1  }
0xe2: {  	v1 =	vand.u32 $0x60, v1;
	v4 =	vadd.s32 v3, v4;
	v5 =	vand.u32 $0xFFFFFF80, v2  }
0xe3: {  	v2 =	vand.u32 $0x60, v2;
	v1 =	vor.u32 v1, v4;
	v3 =	vadd.s32 v3, v5  }
0xe4: {  	v2 =	vor.u32 v2, v3  }
0xe5: {  	s14 =	sadd.s32 $0x10, s29;
	v3 =	vor.u32 $0x1, v1  }
0xe6: {  	s15 =	sadd.s32 $0x10, s30;
	v51 =	vld [tilespmem:s14+$0x0];
	v52 =	vor.u32 $0x1, v2  }
0xe7: {  	v6 =	vld [tilespmem:s15+$0x0];
	v7 =	vor.u32 $0x2, v1  }
0xe8: {  	v9 =	vor.u32 $0x2, v2;
	v8 =	vld.idx.msk [tilespmem:v1+s16+$0x0], $0xffff  }
0xe9: {  	v11 =	vor.u32 $0x3, v1;
	v10 =	vld.idx.msk [tilespmem:v2+s18+$0x0], $0xffff  }
0xea: {  	v12 =	vor.u32 $0x3, v2;
	v3 =	vld.idx.msk [tilespmem:v3+s16+$0x0], $0xffff  }
0xeb: {  	v13 =	vor.u32 $0x4, v1;
	v5 =	vld.idx.msk [tilespmem:v52+s18+$0x0], $0xffff  }
0xec: {  	v4 =	vadd.f32 v6, v51;
	v14 =	vor.u32 $0x4, v2;
	v7 =	vld.idx.msk [tilespmem:v7+s16+$0x0], $0xffff  }
0xed: {  	v54 =	vor.u32 $0x5, v1;
	v53 =	vld.idx.msk [tilespmem:v9+s18+$0x0], $0xffff  }
0xee: {  	v15 =	vor.u32 $0x5, v2;
	v4 =	vadd.f32 $3.500000000e+00, v4;
	v11 =	vld.idx.msk [tilespmem:v11+s16+$0x0], $0xffff;
	v8 =	vmul.f32 v10, v8  }
0xef: {  	v56 =	vor.u32 $0x6, v1;
	v55 =	vld.idx.msk [tilespmem:v12+s18+$0x0], $0xffff  }
0xf0: {  	v16 =	vor.u32 $0x6, v2;
	v13 =	vld.idx.msk [tilespmem:v13+s16+$0x0], $0xffff;
	v3 =	vmul.f32 v5, v3;
	v4 =	vadd.f32 v8, v4  }
0xf1: {  	v59 =	vor.u32 $0x7, v2;
	v57 =	vld.idx.msk [tilespmem:v14+s18+$0x0], $0xffff  }
0xf2: {  	v58 =	vor.u32 $0x7, v1;
	v9 =	vld.idx.msk [tilespmem:v54+s16+$0x0], $0xffff;
	v60 =	vmul.f32 v53, v7;
	v3 =	vadd.f32 v3, v4  }
0xf3: {  	v63 =	vor.u32 $0x8, v2;
	v61 =	vld.idx.msk [tilespmem:v15+s18+$0x0], $0xffff  }
0xf4: {  	v62 =	vor.u32 $0x8, v1;
	v12 =	vld.idx.msk [tilespmem:v56+s16+$0x0], $0xffff;
	v20 =	vmul.f32 v55, v11;
	v3 =	vadd.f32 v60, v3  }
0xf5: {  	v23 =	vor.u32 $0x9, v2;
	v21 =	vld.idx.msk [tilespmem:v16+s18+$0x0], $0xffff  }
0xf6: {  	v22 =	vor.u32 $0x9, v1;
	v25 =	vld.idx.msk [tilespmem:v59+s18+$0x0], $0xffff;
	v24 =	vmul.f32 v57, v13;
	v3 =	vadd.f32 v20, v3  }
0xf7: {  	v27 =	vor.u32 $0xA, v2;
	v8 =	vld.idx.msk [tilespmem:v58+s16+$0x0], $0xffff  }
0xf8: {  	v26 =	vor.u32 $0xA, v1;
	v29 =	vld.idx.msk [tilespmem:v63+s18+$0x0], $0xffff;
	v28 =	vmul.f32 v61, v9;
	v3 =	vadd.f32 v24, v3  }
0xf9: {  	v31 =	vor.u32 $0xB, v2;
	v7 =	vld.idx.msk [tilespmem:v62+s16+$0x0], $0xffff  }
0xfa: {  	v30 =	vor.u32 $0xB, v1;
	v33 =	vld.idx.msk [tilespmem:v23+s18+$0x0], $0xffff;
	v32 =	vmul.f32 v21, v12;
	v3 =	vadd.f32 v28, v3  }
0xfb: {  	v35 =	vor.u32 $0xC, v2;
	v11 =	vld.idx.msk [tilespmem:v22+s16+$0x0], $0xffff  }
0xfc: {  	v34 =	vor.u32 $0xC, v1;
	v37 =	vld.idx.msk [tilespmem:v27+s18+$0x0], $0xffff;
	v36 =	vmul.f32 v25, v8;
	v3 =	vadd.f32 v32, v3  }
0xfd: {  	v39 =	vor.u32 $0xD, v2;
	v13 =	vld.idx.msk [tilespmem:v26+s16+$0x0], $0xffff  }
0xfe: {  	v38 =	vor.u32 $0xD, v1;
	v41 =	vld.idx.msk [tilespmem:v31+s18+$0x0], $0xffff;
	v40 =	vmul.f32 v29, v7;
	v3 =	vadd.f32 v36, v3  }
0xff: {  	v43 =	vor.u32 $0xE, v2;
	v9 =	vld.idx.msk [tilespmem:v30+s16+$0x0], $0xffff  }
0x100: {  	v42 =	vor.u32 $0xE, v1;
	v45 =	vld.idx.msk [tilespmem:v35+s18+$0x0], $0xffff;
	v44 =	vmul.f32 v33, v11;
	v3 =	vadd.f32 v40, v3  }
0x101: {  	v47 =	vor.u32 $0xF, v2;
	v12 =	vld.idx.msk [tilespmem:v34+s16+$0x0], $0xffff  }
0x102: {  	v46 =	vor.u32 $0xF, v1;
	v49 =	vld.idx.msk [tilespmem:v39+s18+$0x0], $0xffff;
	v48 =	vmul.f32 v37, v13;
	v3 =	vadd.f32 v44, v3  }
0x103: {  	v51 =	vor.u32 $0x10, v2;
	v8 =	vld.idx.msk [tilespmem:v38+s16+$0x0], $0xffff  }
0x104: {  	v50 =	vor.u32 $0x10, v1;
	v53 =	vld.idx.msk [tilespmem:v43+s18+$0x0], $0xffff;
	v52 =	vmul.f32 v41, v9;
	v3 =	vadd.f32 v48, v3  }
0x105: {  	v54 =	vor.u32 $0x11, v1;
	v7 =	vld.idx.msk [tilespmem:v42+s16+$0x0], $0xffff  }
0x106: {  	v55 =	vor.u32 $0x11, v2;
	v57 =	vld.idx.msk [tilespmem:v47+s18+$0x0], $0xffff;
	v56 =	vmul.f32 v45, v12;
	v3 =	vadd.f32 v52, v3  }
0x107: {  	v58 =	vor.u32 $0x12, v1;
	v11 =	vld.idx.msk [tilespmem:v46+s16+$0x0], $0xffff  }
0x108: {  	v59 =	vor.u32 $0x12, v2;
	v61 =	vld.idx.msk [tilespmem:v51+s18+$0x0], $0xffff;
	v60 =	vmul.f32 v49, v8;
	v3 =	vadd.f32 v56, v3  }
0x109: {  	v63 =	vor.u32 $0x13, v2;
	v13 =	vld.idx.msk [tilespmem:v50+s16+$0x0], $0xffff  }
0x10a: {  	v62 =	vor.u32 $0x13, v1;
	v9 =	vld.idx.msk [tilespmem:v54+s16+$0x0], $0xffff;
	v20 =	vmul.f32 v53, v7;
	v3 =	vadd.f32 v60, v3  }
0x10b: {  	v23 =	vor.u32 $0x14, v2;
	v21 =	vld.idx.msk [tilespmem:v55+s18+$0x0], $0xffff  }
0x10c: {  	v22 =	vor.u32 $0x14, v1;
	v12 =	vld.idx.msk [tilespmem:v58+s16+$0x0], $0xffff;
	v24 =	vmul.f32 v57, v11;
	v3 =	vadd.f32 v20, v3  }
0x10d: {  	v27 =	vor.u32 $0x15, v2;
	v25 =	vld.idx.msk [tilespmem:v59+s18+$0x0], $0xffff  }
0x10e: {  	v26 =	vor.u32 $0x15, v1;
	v29 =	vld.idx.msk [tilespmem:v63+s18+$0x0], $0xffff;
	v28 =	vmul.f32 v61, v13;
	v3 =	vadd.f32 v24, v3  }
0x10f: {  	v31 =	vor.u32 $0x16, v2;
	v8 =	vld.idx.msk [tilespmem:v62+s16+$0x0], $0xffff  }
0x110: {  	v30 =	vor.u32 $0x16, v1;
	v33 =	vld.idx.msk [tilespmem:v23+s18+$0x0], $0xffff;
	v32 =	vmul.f32 v21, v9;
	v3 =	vadd.f32 v28, v3  }
0x111: {  	v35 =	vor.u32 $0x17, v2;
	v7 =	vld.idx.msk [tilespmem:v22+s16+$0x0], $0xffff  }
0x112: {  	v34 =	vor.u32 $0x17, v1;
	v37 =	vld.idx.msk [tilespmem:v27+s18+$0x0], $0xffff;
	v36 =	vmul.f32 v25, v12;
	v3 =	vadd.f32 v32, v3  }
0x113: {  	v39 =	vor.u32 $0x18, v2;
	v11 =	vld.idx.msk [tilespmem:v26+s16+$0x0], $0xffff  }
0x114: {  	v41 =	vld.idx.msk [tilespmem:v31+s18+$0x0], $0xffff;
	v38 =	vor.u32 $0x18, v1;
	v40 =	vmul.f32 v29, v8;
	v3 =	vadd.f32 v36, v3  }
0x115: {  	v43 =	vor.u32 $0x19, v2;
	v13 =	vld.idx.msk [tilespmem:v30+s16+$0x0], $0xffff  }
0x116: {  	v42 =	vor.u32 $0x19, v1;
	v45 =	vld.idx.msk [tilespmem:v35+s18+$0x0], $0xffff;
	v44 =	vmul.f32 v33, v7;
	v3 =	vadd.f32 v40, v3  }
0x117: {  	v47 =	vor.u32 $0x1A, v2;
	v9 =	vld.idx.msk [tilespmem:v34+s16+$0x0], $0xffff  }
0x118: {  	v46 =	vor.u32 $0x1A, v1;
	v49 =	vld.idx.msk [tilespmem:v39+s18+$0x0], $0xffff;
	v48 =	vmul.f32 v37, v11;
	v3 =	vadd.f32 v44, v3  }
0x119: {  	v51 =	vor.u32 $0x1B, v2;
	v12 =	vld.idx.msk [tilespmem:v38+s16+$0x0], $0xffff  }
0x11a: {  	v50 =	vor.u32 $0x1B, v1;
	v53 =	vld.idx.msk [tilespmem:v43+s18+$0x0], $0xffff;
	v52 =	vmul.f32 v41, v13;
	v3 =	vadd.f32 v48, v3  }
0x11b: {  	v55 =	vor.u32 $0x1C, v2;
	v8 =	vld.idx.msk [tilespmem:v42+s16+$0x0], $0xffff  }
0x11c: {  	v54 =	vor.u32 $0x1C, v1;
	v57 =	vld.idx.msk [tilespmem:v47+s18+$0x0], $0xffff;
	v56 =	vmul.f32 v45, v9;
	v3 =	vadd.f32 v52, v3  }
0x11d: {  	v58 =	vor.u32 $0x1D, v1;
	v7 =	vld.idx.msk [tilespmem:v46+s16+$0x0], $0xffff  }
0x11e: {  	v59 =	vor.u32 $0x1D, v2;
	v61 =	vld.idx.msk [tilespmem:v51+s18+$0x0], $0xffff;
	v60 =	vmul.f32 v49, v12;
	v3 =	vadd.f32 v56, v3  }
0x11f: {  	v62 =	vor.u32 $0x1E, v1;
	v11 =	vld.idx.msk [tilespmem:v50+s16+$0x0], $0xffff  }
0x120: {  	v63 =	vor.u32 $0x1E, v2;
	v18 =	vld.idx.msk [tilespmem:v55+s18+$0x0], $0xffff;
	v17 =	vmul.f32 v53, v8;
	v3 =	vadd.f32 v60, v3  }
0x121: {  	v2 =	vor.u32 $0x1F, v2;
	v13 =	vld.idx.msk [tilespmem:v54+s16+$0x0], $0xffff  }
0x122: {  	v1 =	vor.u32 $0x1F, v1;
	v19 =	vld.idx.msk [tilespmem:v58+s16+$0x0], $0xffff;
	v20 =	vmul.f32 v57, v7;
	v3 =	vadd.f32 v17, v3  }
0x123: {  	v21 =	vld.idx.msk [tilespmem:v59+s18+$0x0], $0xffff  }
0x124: {  	v22 =	vld.idx.msk [tilespmem:v62+s16+$0x0], $0xffff;
	v23 =	vmul.f32 v61, v11;
	v3 =	vadd.f32 v20, v3  }
0x125: {  	v24 =	vld.idx.msk [tilespmem:v63+s18+$0x0], $0xffff  }
0x126: {  	v2 =	vld.idx.msk [tilespmem:v2+s18+$0x0], $0xffff;
	v25 =	vmul.f32 v18, v13;
	v3 =	vadd.f32 v23, v3  }
0x127: {  	v1 =	vld.idx.msk [tilespmem:v1+s16+$0x0], $0xffff  }
0x128: {  	v26 =	vmul.f32 v21, v19;
	v3 =	vadd.f32 v25, v3;
	_ =	sdelay $0x1  }
0x129: {  	v27 =	vmul.f32 v24, v22;
	v3 =	vadd.f32 v26, v3;
	_ =	sdelay $0x1  }
0x12a: {  	v1 =	vmul.f32 v2, v1;
	v3 =	vadd.f32 v27, v3;
	_ =	sdelay $0x1  }
0x12b: {  	v1 =	vadd.f32 v1, v3  }
0x12c: {  	s3 =	sadd.s32 $0x10, s31  }
0x12d: {  	s14 =	simm.s32 $0x80;
	[tilespmem:s3+$0x0] =	vst v1  }
0x12e: {  	[tilespmem:s16], [sflag:$0x1] =	stream.indirect.gather [hbm4b:s5+s14], $0x80, s20, s14, $0xb8;
	[tilespmem:$0x8B00] =	vst v63  }
0x12f: {  	_ = 	snop  }
0x130: {  	[tilespmem:s18], [sflag:$0x1] =	stream.indirect.gather [hbm4b:s6+s14], $0x80, s21, s14, $0xb8;
	[tilespmem:$0x8B00] =	vst v63  }
0x131: {  	s29 =	simm.s32 $0x8800  }
0x132: {  	[tilespmem:s29], [sflag:$0x1] =	stream.indirect.gather [hbm4b:s1+s14], $0x1, s14, s14, $0xb8;
	[tilespmem:$0x8B00] =	vst v63  }
0x133: {  	s30 =	simm.s32 $0x8880;
	s3 =	simm.s32 $0x280  }
0x134: {  	[tilespmem:s30], [sflag:$0x1] =	stream.indirect.gather [hbm4b:s2+s14], $0x1, s3, s14, $0xb8;
	[tilespmem:$0x8B00] =	vst v63  }
0x135: {  	_ =	swait.ge [sflag:s19], $0x4000  }
0x136: {  	[sflag:s19] =	ssyncset.done $0x0  }
0x137: {  	[sflag:s19] =	ssyncadd.s32 $0xFFFFC000  }
0x138: {  	_ =	swait.ge [sflag:s19], $0x4000  }
0x139: {  	[sflag:s19] =	ssyncset.done $0x0  }
0x13a: {  	[sflag:s19] =	ssyncadd.s32 $0xFFFFC000  }
0x13b: {  	_ =	swait.ge [sflag:s19], $0x80  }
0x13c: {  	[sflag:s19] =	ssyncset.done $0x0  }
0x13d: {  	[sflag:s19] =	ssyncadd.s32 $0xFFFFFF80  }
0x13e: {  	_ =	swait.ge [sflag:s19], $0x80  }
0x13f: {  	[sflag:s19] =	ssyncset.done $0x0  }
0x140: {  	[sflag:s19] =	ssyncadd.s32 $0xFFFFFF80  }
0x141: {  	v1 =	vld [tilespmem:s14+$0x0]  }
0x142: {  	v2 =	vld [tilespmem:s3+$0x0];
	_ =	sdelay $0x1  }
0x143: {  	s15 =	simm.s32 $0x0  }
0x144: {  	v3 =	vmov s15  }
0x145: {  	v3 =	vshll.u32 v3, $0x7;
	v1 =	vshra.s32 v1, $0xD  }
0x146: {  	v3 =	vor.u32 v0, v3;
	v2 =	vshra.s32 v2, $0xD;
	v28 =	vand.u32 $0xFFFFFF80, v1  }
0x147: {  	v1 =	vand.u32 $0x60, v1;
	v29 =	vand.u32 $0xFFFFFF80, v2;
	v4 =	vadd.s32 v3, v28  }
0x148: {  	v2 =	vand.u32 $0x60, v2;
	v3 =	vadd.s32 v3, v29;
	v1 =	vor.u32 v1, v4  }
0x149: {  	v2 =	vor.u32 v2, v3  }
0x14a: {  	v3 =	vor.u32 $0x1, v1  }
0x14b: {  	v30 =	vld [tilespmem:s29+$0x0];
	v31 =	vor.u32 $0x1, v2  }
0x14c: {  	v32 =	vld [tilespmem:s30+$0x0];
	v33 =	vor.u32 $0x2, v1  }
0x14d: {  	v35 =	vor.u32 $0x2, v2;
	v34 =	vld.idx.msk [tilespmem:v1+s16+$0x0], $0xffff  }
0x14e: {  	v37 =	vor.u32 $0x3, v1;
	v36 =	vld.idx.msk [tilespmem:v2+s18+$0x0], $0xffff  }
0x14f: {  	v38 =	vor.u32 $0x3, v2;
	v3 =	vld.idx.msk [tilespmem:v3+s16+$0x0], $0xffff  }
0x150: {  	v39 =	vor.u32 $0x4, v1;
	v5 =	vld.idx.msk [tilespmem:v31+s18+$0x0], $0xffff  }
0x151: {  	v4 =	vadd.f32 v32, v30;
	v40 =	vor.u32 $0x4, v2;
	v7 =	vld.idx.msk [tilespmem:v33+s16+$0x0], $0xffff  }
0x152: {  	v42 =	vor.u32 $0x5, v1;
	v41 =	vld.idx.msk [tilespmem:v35+s18+$0x0], $0xffff  }
0x153: {  	v43 =	vor.u32 $0x5, v2;
	v4 =	vadd.f32 $3.500000000e+00, v4;
	v11 =	vld.idx.msk [tilespmem:v37+s16+$0x0], $0xffff;
	v8 =	vmul.f32 v36, v34  }
0x154: {  	v45 =	vor.u32 $0x6, v1;
	v44 =	vld.idx.msk [tilespmem:v38+s18+$0x0], $0xffff  }
0x155: {  	v46 =	vor.u32 $0x6, v2;
	v13 =	vld.idx.msk [tilespmem:v39+s16+$0x0], $0xffff;
	v3 =	vmul.f32 v5, v3;
	v4 =	vadd.f32 v8, v4  }
0x156: {  	v49 =	vor.u32 $0x7, v2;
	v47 =	vld.idx.msk [tilespmem:v40+s18+$0x0], $0xffff  }
0x157: {  	v48 =	vor.u32 $0x7, v1;
	v9 =	vld.idx.msk [tilespmem:v42+s16+$0x0], $0xffff;
	v50 =	vmul.f32 v41, v7;
	v3 =	vadd.f32 v3, v4  }
0x158: {  	v53 =	vor.u32 $0x8, v2;
	v51 =	vld.idx.msk [tilespmem:v43+s18+$0x0], $0xffff  }
0x159: {  	v52 =	vor.u32 $0x8, v1;
	v12 =	vld.idx.msk [tilespmem:v45+s16+$0x0], $0xffff;
	v54 =	vmul.f32 v44, v11;
	v3 =	vadd.f32 v50, v3  }
0x15a: {  	v57 =	vor.u32 $0x9, v2;
	v55 =	vld.idx.msk [tilespmem:v46+s18+$0x0], $0xffff  }
0x15b: {  	v56 =	vor.u32 $0x9, v1;
	v59 =	vld.idx.msk [tilespmem:v49+s18+$0x0], $0xffff;
	v58 =	vmul.f32 v47, v13;
	v3 =	vadd.f32 v54, v3  }
0x15c: {  	v61 =	vor.u32 $0xA, v2;
	v8 =	vld.idx.msk [tilespmem:v48+s16+$0x0], $0xffff  }
0x15d: {  	v60 =	vor.u32 $0xA, v1;
	v63 =	vld.idx.msk [tilespmem:v53+s18+$0x0], $0xffff;
	v62 =	vmul.f32 v51, v9;
	v3 =	vadd.f32 v58, v3  }
0x15e: {  	v21 =	vor.u32 $0xB, v2;
	v7 =	vld.idx.msk [tilespmem:v52+s16+$0x0], $0xffff  }
0x15f: {  	v20 =	vor.u32 $0xB, v1;
	v23 =	vld.idx.msk [tilespmem:v57+s18+$0x0], $0xffff;
	v22 =	vmul.f32 v55, v12;
	v3 =	vadd.f32 v62, v3  }
0x160: {  	v25 =	vor.u32 $0xC, v2;
	v11 =	vld.idx.msk [tilespmem:v56+s16+$0x0], $0xffff  }
0x161: {  	v24 =	vor.u32 $0xC, v1;
	v27 =	vld.idx.msk [tilespmem:v61+s18+$0x0], $0xffff;
	v26 =	vmul.f32 v59, v8;
	v3 =	vadd.f32 v22, v3  }
0x162: {  	v29 =	vor.u32 $0xD, v2;
	v13 =	vld.idx.msk [tilespmem:v60+s16+$0x0], $0xffff  }
0x163: {  	v28 =	vor.u32 $0xD, v1;
	v31 =	vld.idx.msk [tilespmem:v21+s18+$0x0], $0xffff;
	v30 =	vmul.f32 v63, v7;
	v3 =	vadd.f32 v26, v3  }
0x164: {  	v33 =	vor.u32 $0xE, v2;
	v9 =	vld.idx.msk [tilespmem:v20+s16+$0x0], $0xffff  }
0x165: {  	v32 =	vor.u32 $0xE, v1;
	v35 =	vld.idx.msk [tilespmem:v25+s18+$0x0], $0xffff;
	v34 =	vmul.f32 v23, v11;
	v3 =	vadd.f32 v30, v3  }
0x166: {  	v37 =	vor.u32 $0xF, v2;
	v12 =	vld.idx.msk [tilespmem:v24+s16+$0x0], $0xffff  }
0x167: {  	v39 =	vld.idx.msk [tilespmem:v29+s18+$0x0], $0xffff;
	v36 =	vor.u32 $0xF, v1;
	v38 =	vmul.f32 v27, v13;
	v3 =	vadd.f32 v34, v3  }
0x168: {  	v40 =	vor.u32 $0x10, v1;
	v8 =	vld.idx.msk [tilespmem:v28+s16+$0x0], $0xffff  }
0x169: {  	v41 =	vor.u32 $0x10, v2;
	v43 =	vld.idx.msk [tilespmem:v33+s18+$0x0], $0xffff;
	v42 =	vmul.f32 v31, v9;
	v3 =	vadd.f32 v38, v3  }
0x16a: {  	v45 =	vor.u32 $0x11, v2;
	v7 =	vld.idx.msk [tilespmem:v32+s16+$0x0], $0xffff  }
0x16b: {  	v44 =	vor.u32 $0x11, v1;
	v47 =	vld.idx.msk [tilespmem:v37+s18+$0x0], $0xffff;
	v46 =	vmul.f32 v35, v12;
	v3 =	vadd.f32 v42, v3  }
0x16c: {  	v48 =	vor.u32 $0x12, v1;
	v11 =	vld.idx.msk [tilespmem:v36+s16+$0x0], $0xffff  }
0x16d: {  	v49 =	vor.u32 $0x12, v2;
	v13 =	vld.idx.msk [tilespmem:v40+s16+$0x0], $0xffff;
	v50 =	vmul.f32 v39, v8;
	v3 =	vadd.f32 v46, v3  }
0x16e: {  	v53 =	vor.u32 $0x13, v2;
	v51 =	vld.idx.msk [tilespmem:v41+s18+$0x0], $0xffff  }
0x16f: {  	v52 =	vor.u32 $0x13, v1;
	v55 =	vld.idx.msk [tilespmem:v45+s18+$0x0], $0xffff;
	v54 =	vmul.f32 v43, v7;
	v3 =	vadd.f32 v50, v3  }
0x170: {  	v56 =	vor.u32 $0x14, v1;
	v9 =	vld.idx.msk [tilespmem:v44+s16+$0x0], $0xffff  }
0x171: {  	v57 =	vor.u32 $0x14, v2;
	v12 =	vld.idx.msk [tilespmem:v48+s16+$0x0], $0xffff;
	v58 =	vmul.f32 v47, v11;
	v3 =	vadd.f32 v54, v3  }
0x172: {  	v60 =	vor.u32 $0x15, v1;
	v59 =	vld.idx.msk [tilespmem:v49+s18+$0x0], $0xffff  }
0x173: {  	v61 =	vor.u32 $0x15, v2;
	v63 =	vld.idx.msk [tilespmem:v53+s18+$0x0], $0xffff;
	v62 =	vmul.f32 v51, v13;
	v3 =	vadd.f32 v58, v3  }
0x174: {  	v19 =	vor.u32 $0x16, v1;
	v8 =	vld.idx.msk [tilespmem:v52+s16+$0x0], $0xffff  }
0x175: {  	v20 =	vor.u32 $0x16, v2;
	v7 =	vld.idx.msk [tilespmem:v56+s16+$0x0], $0xffff;
	v21 =	vmul.f32 v55, v9;
	v3 =	vadd.f32 v62, v3  }
0x176: {  	v23 =	vor.u32 $0x17, v1;
	v22 =	vld.idx.msk [tilespmem:v57+s18+$0x0], $0xffff  }
0x177: {  	v24 =	vor.u32 $0x17, v2;
	v11 =	vld.idx.msk [tilespmem:v60+s16+$0x0], $0xffff;
	v25 =	vmul.f32 v59, v12;
	v3 =	vadd.f32 v21, v3  }
0x178: {  	v27 =	vor.u32 $0x18, v1;
	v26 =	vld.idx.msk [tilespmem:v61+s18+$0x0], $0xffff  }
0x179: {  	v28 =	vor.u32 $0x18, v2;
	v13 =	vld.idx.msk [tilespmem:v19+s16+$0x0], $0xffff;
	v29 =	vmul.f32 v63, v8;
	v3 =	vadd.f32 v25, v3  }
0x17a: {  	v31 =	vor.u32 $0x19, v1;
	v30 =	vld.idx.msk [tilespmem:v20+s18+$0x0], $0xffff  }
0x17b: {  	v32 =	vor.u32 $0x19, v2;
	v9 =	vld.idx.msk [tilespmem:v23+s16+$0x0], $0xffff;
	v33 =	vmul.f32 v22, v7;
	v3 =	vadd.f32 v29, v3  }
0x17c: {  	v35 =	vor.u32 $0x1A, v1;
	v34 =	vld.idx.msk [tilespmem:v24+s18+$0x0], $0xffff  }
0x17d: {  	v36 =	vor.u32 $0x1A, v2;
	v12 =	vld.idx.msk [tilespmem:v27+s16+$0x0], $0xffff;
	v37 =	vmul.f32 v26, v11;
	v3 =	vadd.f32 v33, v3  }
0x17e: {  	v39 =	vor.u32 $0x1B, v1;
	v38 =	vld.idx.msk [tilespmem:v28+s18+$0x0], $0xffff  }
0x17f: {  	v40 =	vor.u32 $0x1B, v2;
	v8 =	vld.idx.msk [tilespmem:v31+s16+$0x0], $0xffff;
	v41 =	vmul.f32 v30, v13;
	v3 =	vadd.f32 v37, v3  }
0x180: {  	v43 =	vor.u32 $0x1C, v1;
	v42 =	vld.idx.msk [tilespmem:v32+s18+$0x0], $0xffff  }
0x181: {  	v44 =	vor.u32 $0x1C, v2;
	v7 =	vld.idx.msk [tilespmem:v35+s16+$0x0], $0xffff;
	v45 =	vmul.f32 v34, v9;
	v3 =	vadd.f32 v41, v3  }
0x182: {  	v48 =	vor.u32 $0x1D, v2;
	v46 =	vld.idx.msk [tilespmem:v36+s18+$0x0], $0xffff  }
0x183: {  	v47 =	vor.u32 $0x1D, v1;
	v11 =	vld.idx.msk [tilespmem:v39+s16+$0x0], $0xffff;
	v49 =	vmul.f32 v38, v12;
	v3 =	vadd.f32 v45, v3  }
0x184: {  	v52 =	vor.u32 $0x1E, v2;
	v50 =	vld.idx.msk [tilespmem:v40+s18+$0x0], $0xffff  }
0x185: {  	v51 =	vor.u32 $0x1E, v1;
	v13 =	vld.idx.msk [tilespmem:v43+s16+$0x0], $0xffff;
	v53 =	vmul.f32 v42, v8;
	v3 =	vadd.f32 v49, v3  }
0x186: {  	v1 =	vor.u32 $0x1F, v1;
	v54 =	vld.idx.msk [tilespmem:v44+s18+$0x0], $0xffff  }
0x187: {  	v2 =	vor.u32 $0x1F, v2;
	v57 =	vld.idx.msk [tilespmem:v48+s18+$0x0], $0xffff;
	v56 =	vmul.f32 v46, v7;
	v3 =	vadd.f32 v53, v3  }
0x188: {  	v55 =	vld.idx.msk [tilespmem:v47+s16+$0x0], $0xffff  }
0x189: {  	v60 =	vld.idx.msk [tilespmem:v52+s18+$0x0], $0xffff;
	v59 =	vmul.f32 v50, v11;
	v3 =	vadd.f32 v56, v3  }
0x18a: {  	v58 =	vld.idx.msk [tilespmem:v51+s16+$0x0], $0xffff  }
0x18b: {  	v1 =	vld.idx.msk [tilespmem:v1+s16+$0x0], $0xffff;
	v61 =	vmul.f32 v54, v13;
	v3 =	vadd.f32 v59, v3  }
0x18c: {  	v2 =	vld.idx.msk [tilespmem:v2+s18+$0x0], $0xffff  }
0x18d: {  	v62 =	vmul.f32 v57, v55;
	v3 =	vadd.f32 v61, v3;
	_ =	sdelay $0x1  }
0x18e: {  	v63 =	vmul.f32 v60, v58;
	v3 =	vadd.f32 v62, v3;
	_ =	sdelay $0x1  }
0x18f: {  	v1 =	vmul.f32 v2, v1;
	v3 =	vadd.f32 v63, v3;
	_ =	sdelay $0x1  }
0x190: {  	v1 =	vadd.f32 v1, v3  }
0x191: {  	s31 =	simm.s32 $0x8980  }
0x192: {  	s0 =	simm.s32 $0x90;
	[tilespmem:s31+$0x0] =	vst v1  }
0x193: {  	s3 =	simm.s32 $0x290;
	v1 =	vld [tilespmem:s0+$0x0]  }
0x194: {  	s15 =	simm.s32 $0x20;
	s14 =	simm.s32 $0x10;
	v2 =	vld [tilespmem:s3+$0x0]  }
.LBB2_6:
0x195: {  	p0 =	sne.s32 s15, $0x70;
	_ =	sdelay $0x1  }
0x196: {  	v3 =	vmov s14;
	s14 =	smov.u32 s15  }
0x197: {  	v3 =	vshll.u32 v3, $0x7;
	v1 =	vshra.s32 v1, $0xD  }
0x198: {  	v3 =	vor.u32 v0, v3;
	v2 =	vshra.s32 v2, $0xD;
	v4 =	vand.u32 $0xFFFFFF80, v1  }
0x199: {  	v1 =	vand.u32 $0x60, v1;
	v4 =	vadd.s32 v3, v4;
	v5 =	vand.u32 $0xFFFFFF80, v2  }
0x19a: {  	v2 =	vand.u32 $0x60, v2;
	v1 =	vor.u32 v1, v4;
	v3 =	vadd.s32 v3, v5  }
0x19b: {  	v2 =	vor.u32 v2, v3  }
0x19c: {  	s29 =	sadd.s32 $0x10, s29;
	v3 =	vor.u32 $0x1, v1  }
0x19d: {  	s30 =	sadd.s32 $0x10, s30;
	v5 =	vor.u32 $0x1, v2;
	v4 =	vld [tilespmem:s29+$0x0]  }
0x19e: {  	v7 =	vor.u32 $0x2, v1;
	v6 =	vld [tilespmem:s30+$0x0]  }
0x19f: {  	v9 =	vor.u32 $0x2, v2;
	v8 =	vld.idx.msk [tilespmem:v1+s16+$0x0], $0xffff  }
0x1a0: {  	v11 =	vor.u32 $0x3, v1;
	v10 =	vld.idx.msk [tilespmem:v2+s18+$0x0], $0xffff  }
0x1a1: {  	v12 =	vor.u32 $0x3, v2;
	v3 =	vld.idx.msk [tilespmem:v3+s16+$0x0], $0xffff  }
0x1a2: {  	v13 =	vor.u32 $0x4, v1;
	v5 =	vld.idx.msk [tilespmem:v5+s18+$0x0], $0xffff  }
0x1a3: {  	v14 =	vor.u32 $0x4, v2;
	v7 =	vld.idx.msk [tilespmem:v7+s16+$0x0], $0xffff  }
0x1a4: {  	v4 =	vadd.f32 v6, v4;
	v6 =	vld.idx.msk [tilespmem:v9+s18+$0x0], $0xffff;
	v9 =	vor.u32 $0x5, v1  }
0x1a5: {  	v15 =	vor.u32 $0x5, v2;
	v11 =	vld.idx.msk [tilespmem:v11+s16+$0x0], $0xffff  }
0x1a6: {  	v4 =	vadd.f32 $3.500000000e+00, v4;
	v8 =	vmul.f32 v10, v8;
	v10 =	vld.idx.msk [tilespmem:v12+s18+$0x0], $0xffff;
	v12 =	vor.u32 $0x6, v1  }
0x1a7: {  	v16 =	vor.u32 $0x6, v2;
	v13 =	vld.idx.msk [tilespmem:v13+s16+$0x0], $0xffff  }
0x1a8: {  	v4 =	vadd.f32 v8, v4;
	v3 =	vmul.f32 v5, v3;
	v8 =	vor.u32 $0x7, v1;
	v5 =	vld.idx.msk [tilespmem:v14+s18+$0x0], $0xffff  }
0x1a9: {  	v14 =	vor.u32 $0x7, v2;
	v9 =	vld.idx.msk [tilespmem:v9+s16+$0x0], $0xffff  }
0x1aa: {  	v3 =	vadd.f32 v3, v4;
	v4 =	vmul.f32 v6, v7;
	v7 =	vor.u32 $0x8, v1;
	v6 =	vld.idx.msk [tilespmem:v15+s18+$0x0], $0xffff  }
0x1ab: {  	v15 =	vor.u32 $0x8, v2;
	v12 =	vld.idx.msk [tilespmem:v12+s16+$0x0], $0xffff  }
0x1ac: {  	v3 =	vadd.f32 v4, v3;
	v4 =	vmul.f32 v10, v11;
	v11 =	vor.u32 $0x9, v1;
	v10 =	vld.idx.msk [tilespmem:v16+s18+$0x0], $0xffff  }
0x1ad: {  	v16 =	vor.u32 $0x9, v2;
	v8 =	vld.idx.msk [tilespmem:v8+s16+$0x0], $0xffff  }
0x1ae: {  	v3 =	vadd.f32 v4, v3;
	v4 =	vmul.f32 v5, v13;
	v13 =	vor.u32 $0xA, v1;
	v5 =	vld.idx.msk [tilespmem:v14+s18+$0x0], $0xffff  }
0x1af: {  	v14 =	vor.u32 $0xA, v2;
	v7 =	vld.idx.msk [tilespmem:v7+s16+$0x0], $0xffff  }
0x1b0: {  	v3 =	vadd.f32 v4, v3;
	v4 =	vmul.f32 v6, v9;
	v9 =	vor.u32 $0xB, v1;
	v6 =	vld.idx.msk [tilespmem:v15+s18+$0x0], $0xffff  }
0x1b1: {  	v15 =	vor.u32 $0xB, v2;
	v11 =	vld.idx.msk [tilespmem:v11+s16+$0x0], $0xffff  }
0x1b2: {  	v3 =	vadd.f32 v4, v3;
	v4 =	vmul.f32 v10, v12;
	v12 =	vor.u32 $0xC, v1;
	v10 =	vld.idx.msk [tilespmem:v16+s18+$0x0], $0xffff  }
0x1b3: {  	v16 =	vor.u32 $0xC, v2;
	v13 =	vld.idx.msk [tilespmem:v13+s16+$0x0], $0xffff  }
0x1b4: {  	v3 =	vadd.f32 v4, v3;
	v4 =	vmul.f32 v5, v8;
	v8 =	vor.u32 $0xD, v1;
	v5 =	vld.idx.msk [tilespmem:v14+s18+$0x0], $0xffff  }
0x1b5: {  	v14 =	vor.u32 $0xD, v2;
	v9 =	vld.idx.msk [tilespmem:v9+s16+$0x0], $0xffff  }
0x1b6: {  	v3 =	vadd.f32 v4, v3;
	v4 =	vmul.f32 v6, v7;
	v7 =	vor.u32 $0xE, v1;
	v6 =	vld.idx.msk [tilespmem:v15+s18+$0x0], $0xffff  }
0x1b7: {  	v15 =	vor.u32 $0xE, v2;
	v12 =	vld.idx.msk [tilespmem:v12+s16+$0x0], $0xffff  }
0x1b8: {  	v3 =	vadd.f32 v4, v3;
	v4 =	vmul.f32 v10, v11;
	v11 =	vor.u32 $0xF, v1;
	v10 =	vld.idx.msk [tilespmem:v16+s18+$0x0], $0xffff  }
0x1b9: {  	v16 =	vor.u32 $0xF, v2;
	v8 =	vld.idx.msk [tilespmem:v8+s16+$0x0], $0xffff  }
0x1ba: {  	v3 =	vadd.f32 v4, v3;
	v4 =	vmul.f32 v5, v13;
	v13 =	vor.u32 $0x10, v1;
	v5 =	vld.idx.msk [tilespmem:v14+s18+$0x0], $0xffff  }
0x1bb: {  	v14 =	vor.u32 $0x10, v2;
	v7 =	vld.idx.msk [tilespmem:v7+s16+$0x0], $0xffff  }
0x1bc: {  	v3 =	vadd.f32 v4, v3;
	v4 =	vmul.f32 v6, v9;
	v9 =	vor.u32 $0x11, v1;
	v6 =	vld.idx.msk [tilespmem:v15+s18+$0x0], $0xffff  }
0x1bd: {  	v15 =	vor.u32 $0x11, v2;
	v11 =	vld.idx.msk [tilespmem:v11+s16+$0x0], $0xffff  }
0x1be: {  	v3 =	vadd.f32 v4, v3;
	v4 =	vmul.f32 v10, v12;
	v12 =	vor.u32 $0x12, v1;
	v10 =	vld.idx.msk [tilespmem:v16+s18+$0x0], $0xffff  }
0x1bf: {  	v16 =	vor.u32 $0x12, v2;
	v13 =	vld.idx.msk [tilespmem:v13+s16+$0x0], $0xffff  }
0x1c0: {  	v3 =	vadd.f32 v4, v3;
	v4 =	vmul.f32 v5, v8;
	v8 =	vor.u32 $0x13, v1;
	v5 =	vld.idx.msk [tilespmem:v14+s18+$0x0], $0xffff  }
0x1c1: {  	v14 =	vor.u32 $0x13, v2;
	v9 =	vld.idx.msk [tilespmem:v9+s16+$0x0], $0xffff  }
0x1c2: {  	v3 =	vadd.f32 v4, v3;
	v4 =	vmul.f32 v6, v7;
	v7 =	vor.u32 $0x14, v1;
	v6 =	vld.idx.msk [tilespmem:v15+s18+$0x0], $0xffff  }
0x1c3: {  	v15 =	vor.u32 $0x14, v2;
	v12 =	vld.idx.msk [tilespmem:v12+s16+$0x0], $0xffff  }
0x1c4: {  	v3 =	vadd.f32 v4, v3;
	v4 =	vmul.f32 v10, v11;
	v11 =	vor.u32 $0x15, v1;
	v10 =	vld.idx.msk [tilespmem:v16+s18+$0x0], $0xffff  }
0x1c5: {  	v16 =	vor.u32 $0x15, v2;
	v8 =	vld.idx.msk [tilespmem:v8+s16+$0x0], $0xffff  }
0x1c6: {  	v3 =	vadd.f32 v4, v3;
	v4 =	vmul.f32 v5, v13;
	v13 =	vor.u32 $0x16, v1;
	v5 =	vld.idx.msk [tilespmem:v14+s18+$0x0], $0xffff  }
0x1c7: {  	v14 =	vor.u32 $0x16, v2;
	v7 =	vld.idx.msk [tilespmem:v7+s16+$0x0], $0xffff  }
0x1c8: {  	v3 =	vadd.f32 v4, v3;
	v4 =	vmul.f32 v6, v9;
	v9 =	vor.u32 $0x17, v1;
	v6 =	vld.idx.msk [tilespmem:v15+s18+$0x0], $0xffff  }
0x1c9: {  	v15 =	vor.u32 $0x17, v2;
	v11 =	vld.idx.msk [tilespmem:v11+s16+$0x0], $0xffff  }
0x1ca: {  	v3 =	vadd.f32 v4, v3;
	v4 =	vmul.f32 v10, v12;
	v12 =	vor.u32 $0x18, v1;
	v10 =	vld.idx.msk [tilespmem:v16+s18+$0x0], $0xffff  }
0x1cb: {  	v16 =	vor.u32 $0x18, v2;
	v13 =	vld.idx.msk [tilespmem:v13+s16+$0x0], $0xffff  }
0x1cc: {  	v3 =	vadd.f32 v4, v3;
	v4 =	vmul.f32 v5, v8;
	v8 =	vor.u32 $0x19, v1;
	v5 =	vld.idx.msk [tilespmem:v14+s18+$0x0], $0xffff  }
0x1cd: {  	v14 =	vor.u32 $0x19, v2;
	v9 =	vld.idx.msk [tilespmem:v9+s16+$0x0], $0xffff  }
0x1ce: {  	v3 =	vadd.f32 v4, v3;
	v4 =	vmul.f32 v6, v7;
	v7 =	vor.u32 $0x1A, v1;
	v6 =	vld.idx.msk [tilespmem:v15+s18+$0x0], $0xffff  }
0x1cf: {  	v15 =	vor.u32 $0x1A, v2;
	v12 =	vld.idx.msk [tilespmem:v12+s16+$0x0], $0xffff  }
0x1d0: {  	v3 =	vadd.f32 v4, v3;
	v4 =	vmul.f32 v10, v11;
	v11 =	vor.u32 $0x1B, v1;
	v10 =	vld.idx.msk [tilespmem:v16+s18+$0x0], $0xffff  }
0x1d1: {  	v16 =	vor.u32 $0x1B, v2;
	v8 =	vld.idx.msk [tilespmem:v8+s16+$0x0], $0xffff  }
0x1d2: {  	v3 =	vadd.f32 v4, v3;
	v4 =	vmul.f32 v5, v13;
	v13 =	vor.u32 $0x1C, v1;
	v5 =	vld.idx.msk [tilespmem:v14+s18+$0x0], $0xffff  }
0x1d3: {  	v14 =	vor.u32 $0x1C, v2;
	v7 =	vld.idx.msk [tilespmem:v7+s16+$0x0], $0xffff  }
0x1d4: {  	v3 =	vadd.f32 v4, v3;
	v4 =	vmul.f32 v6, v9;
	v9 =	vor.u32 $0x1D, v1;
	v6 =	vld.idx.msk [tilespmem:v15+s18+$0x0], $0xffff  }
0x1d5: {  	v15 =	vor.u32 $0x1D, v2;
	v11 =	vld.idx.msk [tilespmem:v11+s16+$0x0], $0xffff  }
0x1d6: {  	v3 =	vadd.f32 v4, v3;
	v4 =	vmul.f32 v10, v12;
	v12 =	vor.u32 $0x1E, v1;
	v10 =	vld.idx.msk [tilespmem:v16+s18+$0x0], $0xffff  }
0x1d7: {  	v16 =	vor.u32 $0x1E, v2;
	v13 =	vld.idx.msk [tilespmem:v13+s16+$0x0], $0xffff  }
0x1d8: {  	v1 =	vor.u32 $0x1F, v1;
	v3 =	vadd.f32 v4, v3;
	v4 =	vmul.f32 v5, v8;
	v5 =	vld.idx.msk [tilespmem:v14+s18+$0x0], $0xffff  }
0x1d9: {  	v2 =	vor.u32 $0x1F, v2;
	v8 =	vld.idx.msk [tilespmem:v9+s16+$0x0], $0xffff  }
0x1da: {  	v3 =	vadd.f32 v4, v3;
	v4 =	vmul.f32 v6, v7;
	v6 =	vld.idx.msk [tilespmem:v15+s18+$0x0], $0xffff  }
0x1db: {  	v7 =	vld.idx.msk [tilespmem:v12+s16+$0x0], $0xffff  }
0x1dc: {  	v3 =	vadd.f32 v4, v3;
	v4 =	vmul.f32 v10, v11;
	v9 =	vld.idx.msk [tilespmem:v16+s18+$0x0], $0xffff  }
0x1dd: {  	v1 =	vld.idx.msk [tilespmem:v1+s16+$0x0], $0xffff  }
0x1de: {  	v3 =	vadd.f32 v4, v3;
	v4 =	vmul.f32 v5, v13;
	v2 =	vld.idx.msk [tilespmem:v2+s18+$0x0], $0xffff;
	_ =	sdelay $0x1  }
0x1df: {  	v3 =	vadd.f32 v4, v3;
	v4 =	vmul.f32 v6, v8;
	_ =	sdelay $0x1  }
0x1e0: {  	v3 =	vadd.f32 v4, v3;
	v4 =	vmul.f32 v9, v7;
	_ =	sdelay $0x1  }
0x1e1: {  	v3 =	vadd.f32 v4, v3;
	v1 =	vmul.f32 v2, v1;
	_ =	sdelay $0x1  }
.Ltmp2:
0x1e2: {  	v1 =	vadd.f32 v1, v3;
	(pc) =	sbr.rel @p0 .LBB2_6-.Ltmp2, $4  }
0x1e3: {  	s31 =	sadd.s32 $0x10, s31  }
0x1e4: {  	s0 =	sadd.s32 $0x10, s0;
	[tilespmem:s31+$0x0] =	vst v1  }
0x1e5: {  	s3 =	sadd.s32 $0x10, s3;
	v1 =	vld [tilespmem:s0+$0x0]  }
0x1e6: {  	s15 =	sadd.s32 $0x10, s15;
	v2 =	vld [tilespmem:s3+$0x0]  }
0x1e7: {  	_ =	sdelay $0x1  }
0x1e8: {  	v3 =	vmov s14  }
0x1e9: {  	v3 =	vshll.u32 v3, $0x7;
	v1 =	vshra.s32 v1, $0xD  }
0x1ea: {  	v3 =	vor.u32 v0, v3;
	v2 =	vshra.s32 v2, $0xD;
	v4 =	vand.u32 $0xFFFFFF80, v1  }
0x1eb: {  	v1 =	vand.u32 $0x60, v1;
	v4 =	vadd.s32 v3, v4;
	v5 =	vand.u32 $0xFFFFFF80, v2  }
0x1ec: {  	v2 =	vand.u32 $0x60, v2;
	v1 =	vor.u32 v1, v4;
	v3 =	vadd.s32 v3, v5  }
0x1ed: {  	v2 =	vor.u32 v2, v3  }
0x1ee: {  	s0 =	sadd.s32 $0x10, s29;
	v3 =	vor.u32 $0x1, v1  }
0x1ef: {  	s15 =	sadd.s32 $0x10, s30;
	v51 =	vld [tilespmem:s0+$0x0];
	v52 =	vor.u32 $0x1, v2  }
0x1f0: {  	v6 =	vld [tilespmem:s15+$0x0];
	v7 =	vor.u32 $0x2, v1  }
0x1f1: {  	v9 =	vor.u32 $0x2, v2;
	v8 =	vld.idx.msk [tilespmem:v1+s16+$0x0], $0xffff  }
0x1f2: {  	v11 =	vor.u32 $0x3, v1;
	v10 =	vld.idx.msk [tilespmem:v2+s18+$0x0], $0xffff  }
0x1f3: {  	v12 =	vor.u32 $0x3, v2;
	v3 =	vld.idx.msk [tilespmem:v3+s16+$0x0], $0xffff  }
0x1f4: {  	v13 =	vor.u32 $0x4, v1;
	v5 =	vld.idx.msk [tilespmem:v52+s18+$0x0], $0xffff  }
0x1f5: {  	v4 =	vadd.f32 v6, v51;
	v14 =	vor.u32 $0x4, v2;
	v7 =	vld.idx.msk [tilespmem:v7+s16+$0x0], $0xffff  }
0x1f6: {  	v54 =	vor.u32 $0x5, v1;
	v53 =	vld.idx.msk [tilespmem:v9+s18+$0x0], $0xffff  }
0x1f7: {  	v15 =	vor.u32 $0x5, v2;
	v4 =	vadd.f32 $3.500000000e+00, v4;
	v11 =	vld.idx.msk [tilespmem:v11+s16+$0x0], $0xffff;
	v8 =	vmul.f32 v10, v8  }
0x1f8: {  	v56 =	vor.u32 $0x6, v1;
	v55 =	vld.idx.msk [tilespmem:v12+s18+$0x0], $0xffff  }
0x1f9: {  	v16 =	vor.u32 $0x6, v2;
	v13 =	vld.idx.msk [tilespmem:v13+s16+$0x0], $0xffff;
	v3 =	vmul.f32 v5, v3;
	v4 =	vadd.f32 v8, v4  }
0x1fa: {  	v59 =	vor.u32 $0x7, v2;
	v57 =	vld.idx.msk [tilespmem:v14+s18+$0x0], $0xffff  }
0x1fb: {  	v58 =	vor.u32 $0x7, v1;
	v9 =	vld.idx.msk [tilespmem:v54+s16+$0x0], $0xffff;
	v60 =	vmul.f32 v53, v7;
	v3 =	vadd.f32 v3, v4  }
0x1fc: {  	v63 =	vor.u32 $0x8, v2;
	v61 =	vld.idx.msk [tilespmem:v15+s18+$0x0], $0xffff  }
0x1fd: {  	v62 =	vor.u32 $0x8, v1;
	v12 =	vld.idx.msk [tilespmem:v56+s16+$0x0], $0xffff;
	v20 =	vmul.f32 v55, v11;
	v3 =	vadd.f32 v60, v3  }
0x1fe: {  	v23 =	vor.u32 $0x9, v2;
	v21 =	vld.idx.msk [tilespmem:v16+s18+$0x0], $0xffff  }
0x1ff: {  	v22 =	vor.u32 $0x9, v1;
	v25 =	vld.idx.msk [tilespmem:v59+s18+$0x0], $0xffff;
	v24 =	vmul.f32 v57, v13;
	v3 =	vadd.f32 v20, v3  }
0x200: {  	v27 =	vor.u32 $0xA, v2;
	v8 =	vld.idx.msk [tilespmem:v58+s16+$0x0], $0xffff  }
0x201: {  	v26 =	vor.u32 $0xA, v1;
	v29 =	vld.idx.msk [tilespmem:v63+s18+$0x0], $0xffff;
	v28 =	vmul.f32 v61, v9;
	v3 =	vadd.f32 v24, v3  }
0x202: {  	v31 =	vor.u32 $0xB, v2;
	v7 =	vld.idx.msk [tilespmem:v62+s16+$0x0], $0xffff  }
0x203: {  	v30 =	vor.u32 $0xB, v1;
	v33 =	vld.idx.msk [tilespmem:v23+s18+$0x0], $0xffff;
	v32 =	vmul.f32 v21, v12;
	v3 =	vadd.f32 v28, v3  }
0x204: {  	v35 =	vor.u32 $0xC, v2;
	v11 =	vld.idx.msk [tilespmem:v22+s16+$0x0], $0xffff  }
0x205: {  	v34 =	vor.u32 $0xC, v1;
	v37 =	vld.idx.msk [tilespmem:v27+s18+$0x0], $0xffff;
	v36 =	vmul.f32 v25, v8;
	v3 =	vadd.f32 v32, v3  }
0x206: {  	v39 =	vor.u32 $0xD, v2;
	v13 =	vld.idx.msk [tilespmem:v26+s16+$0x0], $0xffff  }
0x207: {  	v38 =	vor.u32 $0xD, v1;
	v41 =	vld.idx.msk [tilespmem:v31+s18+$0x0], $0xffff;
	v40 =	vmul.f32 v29, v7;
	v3 =	vadd.f32 v36, v3  }
0x208: {  	v43 =	vor.u32 $0xE, v2;
	v9 =	vld.idx.msk [tilespmem:v30+s16+$0x0], $0xffff  }
0x209: {  	v42 =	vor.u32 $0xE, v1;
	v45 =	vld.idx.msk [tilespmem:v35+s18+$0x0], $0xffff;
	v44 =	vmul.f32 v33, v11;
	v3 =	vadd.f32 v40, v3  }
0x20a: {  	v47 =	vor.u32 $0xF, v2;
	v12 =	vld.idx.msk [tilespmem:v34+s16+$0x0], $0xffff  }
0x20b: {  	v46 =	vor.u32 $0xF, v1;
	v49 =	vld.idx.msk [tilespmem:v39+s18+$0x0], $0xffff;
	v48 =	vmul.f32 v37, v13;
	v3 =	vadd.f32 v44, v3  }
0x20c: {  	v51 =	vor.u32 $0x10, v2;
	v8 =	vld.idx.msk [tilespmem:v38+s16+$0x0], $0xffff  }
0x20d: {  	v50 =	vor.u32 $0x10, v1;
	v53 =	vld.idx.msk [tilespmem:v43+s18+$0x0], $0xffff;
	v52 =	vmul.f32 v41, v9;
	v3 =	vadd.f32 v48, v3  }
0x20e: {  	v54 =	vor.u32 $0x11, v1;
	v7 =	vld.idx.msk [tilespmem:v42+s16+$0x0], $0xffff  }
0x20f: {  	v55 =	vor.u32 $0x11, v2;
	v57 =	vld.idx.msk [tilespmem:v47+s18+$0x0], $0xffff;
	v56 =	vmul.f32 v45, v12;
	v3 =	vadd.f32 v52, v3  }
0x210: {  	v58 =	vor.u32 $0x12, v1;
	v11 =	vld.idx.msk [tilespmem:v46+s16+$0x0], $0xffff  }
0x211: {  	v59 =	vor.u32 $0x12, v2;
	v61 =	vld.idx.msk [tilespmem:v51+s18+$0x0], $0xffff;
	v60 =	vmul.f32 v49, v8;
	v3 =	vadd.f32 v56, v3  }
0x212: {  	v63 =	vor.u32 $0x13, v2;
	v13 =	vld.idx.msk [tilespmem:v50+s16+$0x0], $0xffff  }
0x213: {  	v62 =	vor.u32 $0x13, v1;
	v9 =	vld.idx.msk [tilespmem:v54+s16+$0x0], $0xffff;
	v20 =	vmul.f32 v53, v7;
	v3 =	vadd.f32 v60, v3  }
0x214: {  	v23 =	vor.u32 $0x14, v2;
	v21 =	vld.idx.msk [tilespmem:v55+s18+$0x0], $0xffff  }
0x215: {  	v22 =	vor.u32 $0x14, v1;
	v12 =	vld.idx.msk [tilespmem:v58+s16+$0x0], $0xffff;
	v24 =	vmul.f32 v57, v11;
	v3 =	vadd.f32 v20, v3  }
0x216: {  	v27 =	vor.u32 $0x15, v2;
	v25 =	vld.idx.msk [tilespmem:v59+s18+$0x0], $0xffff  }
0x217: {  	v26 =	vor.u32 $0x15, v1;
	v29 =	vld.idx.msk [tilespmem:v63+s18+$0x0], $0xffff;
	v28 =	vmul.f32 v61, v13;
	v3 =	vadd.f32 v24, v3  }
0x218: {  	v31 =	vor.u32 $0x16, v2;
	v8 =	vld.idx.msk [tilespmem:v62+s16+$0x0], $0xffff  }
0x219: {  	v30 =	vor.u32 $0x16, v1;
	v33 =	vld.idx.msk [tilespmem:v23+s18+$0x0], $0xffff;
	v32 =	vmul.f32 v21, v9;
	v3 =	vadd.f32 v28, v3  }
0x21a: {  	v35 =	vor.u32 $0x17, v2;
	v7 =	vld.idx.msk [tilespmem:v22+s16+$0x0], $0xffff  }
0x21b: {  	v34 =	vor.u32 $0x17, v1;
	v37 =	vld.idx.msk [tilespmem:v27+s18+$0x0], $0xffff;
	v36 =	vmul.f32 v25, v12;
	v3 =	vadd.f32 v32, v3  }
0x21c: {  	v39 =	vor.u32 $0x18, v2;
	v11 =	vld.idx.msk [tilespmem:v26+s16+$0x0], $0xffff  }
0x21d: {  	v41 =	vld.idx.msk [tilespmem:v31+s18+$0x0], $0xffff;
	v38 =	vor.u32 $0x18, v1;
	v40 =	vmul.f32 v29, v8;
	v3 =	vadd.f32 v36, v3  }
0x21e: {  	v43 =	vor.u32 $0x19, v2;
	v13 =	vld.idx.msk [tilespmem:v30+s16+$0x0], $0xffff  }
0x21f: {  	v42 =	vor.u32 $0x19, v1;
	v45 =	vld.idx.msk [tilespmem:v35+s18+$0x0], $0xffff;
	v44 =	vmul.f32 v33, v7;
	v3 =	vadd.f32 v40, v3  }
0x220: {  	v47 =	vor.u32 $0x1A, v2;
	v9 =	vld.idx.msk [tilespmem:v34+s16+$0x0], $0xffff  }
0x221: {  	v46 =	vor.u32 $0x1A, v1;
	v49 =	vld.idx.msk [tilespmem:v39+s18+$0x0], $0xffff;
	v48 =	vmul.f32 v37, v11;
	v3 =	vadd.f32 v44, v3  }
0x222: {  	v51 =	vor.u32 $0x1B, v2;
	v12 =	vld.idx.msk [tilespmem:v38+s16+$0x0], $0xffff  }
0x223: {  	v50 =	vor.u32 $0x1B, v1;
	v53 =	vld.idx.msk [tilespmem:v43+s18+$0x0], $0xffff;
	v52 =	vmul.f32 v41, v13;
	v3 =	vadd.f32 v48, v3  }
0x224: {  	v55 =	vor.u32 $0x1C, v2;
	v8 =	vld.idx.msk [tilespmem:v42+s16+$0x0], $0xffff  }
0x225: {  	v54 =	vor.u32 $0x1C, v1;
	v57 =	vld.idx.msk [tilespmem:v47+s18+$0x0], $0xffff;
	v56 =	vmul.f32 v45, v9;
	v3 =	vadd.f32 v52, v3  }
0x226: {  	v58 =	vor.u32 $0x1D, v1;
	v7 =	vld.idx.msk [tilespmem:v46+s16+$0x0], $0xffff  }
0x227: {  	v59 =	vor.u32 $0x1D, v2;
	v61 =	vld.idx.msk [tilespmem:v51+s18+$0x0], $0xffff;
	v60 =	vmul.f32 v49, v12;
	v3 =	vadd.f32 v56, v3  }
0x228: {  	v62 =	vor.u32 $0x1E, v1;
	v11 =	vld.idx.msk [tilespmem:v50+s16+$0x0], $0xffff  }
0x229: {  	v63 =	vor.u32 $0x1E, v2;
	v18 =	vld.idx.msk [tilespmem:v55+s18+$0x0], $0xffff;
	v17 =	vmul.f32 v53, v8;
	v3 =	vadd.f32 v60, v3  }
0x22a: {  	v2 =	vor.u32 $0x1F, v2;
	v13 =	vld.idx.msk [tilespmem:v54+s16+$0x0], $0xffff  }
0x22b: {  	v1 =	vor.u32 $0x1F, v1;
	v19 =	vld.idx.msk [tilespmem:v58+s16+$0x0], $0xffff;
	v20 =	vmul.f32 v57, v7;
	v3 =	vadd.f32 v17, v3  }
0x22c: {  	v21 =	vld.idx.msk [tilespmem:v59+s18+$0x0], $0xffff  }
0x22d: {  	v22 =	vld.idx.msk [tilespmem:v62+s16+$0x0], $0xffff;
	v23 =	vmul.f32 v61, v11;
	v3 =	vadd.f32 v20, v3  }
0x22e: {  	v24 =	vld.idx.msk [tilespmem:v63+s18+$0x0], $0xffff  }
0x22f: {  	v2 =	vld.idx.msk [tilespmem:v2+s18+$0x0], $0xffff;
	v25 =	vmul.f32 v18, v13;
	v3 =	vadd.f32 v23, v3  }
0x230: {  	v1 =	vld.idx.msk [tilespmem:v1+s16+$0x0], $0xffff  }
0x231: {  	v26 =	vmul.f32 v21, v19;
	v3 =	vadd.f32 v25, v3;
	_ =	sdelay $0x1  }
0x232: {  	v27 =	vmul.f32 v24, v22;
	v3 =	vadd.f32 v26, v3;
	_ =	sdelay $0x1  }
0x233: {  	v1 =	vmul.f32 v2, v1;
	v3 =	vadd.f32 v27, v3;
	_ =	sdelay $0x1  }
0x234: {  	v1 =	vadd.f32 v1, v3  }
0x235: {  	s3 =	sadd.s32 $0x10, s31  }
0x236: {  	[tilespmem:s3+$0x0] =	vst v1  }
0x237: {  	[tilespmem:s16], [sflag:$0x1] =	stream.indirect.gather [hbm4b:s5+s10], $0x80, s22, s10, $0xb8;
	[tilespmem:$0x8B00] =	vst v63  }
0x238: {  	_ = 	snop  }
0x239: {  	[tilespmem:s18], [sflag:$0x1] =	stream.indirect.gather [hbm4b:s6+s10], $0x80, s23, s10, $0xb8;
	[tilespmem:$0x8B00] =	vst v63  }
0x23a: {  	s14 =	simm.s32 $0x100;
	s29 =	simm.s32 $0x8800  }
0x23b: {  	[tilespmem:s29], [sflag:$0x1] =	stream.indirect.gather [hbm4b:s1+s10], $0x1, s14, s10, $0xb8;
	[tilespmem:$0x8B00] =	vst v63  }
0x23c: {  	s30 =	simm.s32 $0x8880;
	s3 =	simm.s32 $0x300  }
0x23d: {  	[tilespmem:s30], [sflag:$0x1] =	stream.indirect.gather [hbm4b:s2+s10], $0x1, s3, s10, $0xb8;
	[tilespmem:$0x8B00] =	vst v63  }
0x23e: {  	_ =	swait.ge [sflag:s19], $0x4000  }
0x23f: {  	[sflag:s19] =	ssyncset.done $0x0  }
0x240: {  	[sflag:s19] =	ssyncadd.s32 $0xFFFFC000  }
0x241: {  	_ =	swait.ge [sflag:s19], $0x4000  }
0x242: {  	[sflag:s19] =	ssyncset.done $0x0  }
0x243: {  	[sflag:s19] =	ssyncadd.s32 $0xFFFFC000  }
0x244: {  	_ =	swait.ge [sflag:s19], $0x80  }
0x245: {  	[sflag:s19] =	ssyncset.done $0x0  }
0x246: {  	[sflag:s19] =	ssyncadd.s32 $0xFFFFFF80  }
0x247: {  	_ =	swait.ge [sflag:s19], $0x80  }
0x248: {  	[sflag:s19] =	ssyncset.done $0x0  }
0x249: {  	[sflag:s19] =	ssyncadd.s32 $0xFFFFFF80  }
0x24a: {  	v1 =	vld [tilespmem:s14+$0x0]  }
0x24b: {  	v2 =	vld [tilespmem:s3+$0x0];
	_ =	sdelay $0x1  }
0x24c: {  	s15 =	simm.s32 $0x0  }
0x24d: {  	v3 =	vmov s15  }
0x24e: {  	v3 =	vshll.u32 v3, $0x7;
	v1 =	vshra.s32 v1, $0xD  }
0x24f: {  	v3 =	vor.u32 v0, v3;
	v2 =	vshra.s32 v2, $0xD;
	v28 =	vand.u32 $0xFFFFFF80, v1  }
0x250: {  	v1 =	vand.u32 $0x60, v1;
	v29 =	vand.u32 $0xFFFFFF80, v2;
	v4 =	vadd.s32 v3, v28  }
0x251: {  	v2 =	vand.u32 $0x60, v2;
	v3 =	vadd.s32 v3, v29;
	v1 =	vor.u32 v1, v4  }
0x252: {  	v2 =	vor.u32 v2, v3  }
0x253: {  	v3 =	vor.u32 $0x1, v1  }
0x254: {  	v30 =	vld [tilespmem:s29+$0x0];
	v31 =	vor.u32 $0x1, v2  }
0x255: {  	v32 =	vld [tilespmem:s30+$0x0];
	v33 =	vor.u32 $0x2, v1  }
0x256: {  	v35 =	vor.u32 $0x2, v2;
	v34 =	vld.idx.msk [tilespmem:v1+s16+$0x0], $0xffff  }
0x257: {  	v37 =	vor.u32 $0x3, v1;
	v36 =	vld.idx.msk [tilespmem:v2+s18+$0x0], $0xffff  }
0x258: {  	v38 =	vor.u32 $0x3, v2;
	v3 =	vld.idx.msk [tilespmem:v3+s16+$0x0], $0xffff  }
0x259: {  	v39 =	vor.u32 $0x4, v1;
	v5 =	vld.idx.msk [tilespmem:v31+s18+$0x0], $0xffff  }
0x25a: {  	v4 =	vadd.f32 v32, v30;
	v40 =	vor.u32 $0x4, v2;
	v7 =	vld.idx.msk [tilespmem:v33+s16+$0x0], $0xffff  }
0x25b: {  	v42 =	vor.u32 $0x5, v1;
	v41 =	vld.idx.msk [tilespmem:v35+s18+$0x0], $0xffff  }
0x25c: {  	v43 =	vor.u32 $0x5, v2;
	v4 =	vadd.f32 $3.500000000e+00, v4;
	v11 =	vld.idx.msk [tilespmem:v37+s16+$0x0], $0xffff;
	v8 =	vmul.f32 v36, v34  }
0x25d: {  	v45 =	vor.u32 $0x6, v1;
	v44 =	vld.idx.msk [tilespmem:v38+s18+$0x0], $0xffff  }
0x25e: {  	v46 =	vor.u32 $0x6, v2;
	v13 =	vld.idx.msk [tilespmem:v39+s16+$0x0], $0xffff;
	v3 =	vmul.f32 v5, v3;
	v4 =	vadd.f32 v8, v4  }
0x25f: {  	v49 =	vor.u32 $0x7, v2;
	v47 =	vld.idx.msk [tilespmem:v40+s18+$0x0], $0xffff  }
0x260: {  	v48 =	vor.u32 $0x7, v1;
	v9 =	vld.idx.msk [tilespmem:v42+s16+$0x0], $0xffff;
	v50 =	vmul.f32 v41, v7;
	v3 =	vadd.f32 v3, v4  }
0x261: {  	v53 =	vor.u32 $0x8, v2;
	v51 =	vld.idx.msk [tilespmem:v43+s18+$0x0], $0xffff  }
0x262: {  	v52 =	vor.u32 $0x8, v1;
	v12 =	vld.idx.msk [tilespmem:v45+s16+$0x0], $0xffff;
	v54 =	vmul.f32 v44, v11;
	v3 =	vadd.f32 v50, v3  }
0x263: {  	v57 =	vor.u32 $0x9, v2;
	v55 =	vld.idx.msk [tilespmem:v46+s18+$0x0], $0xffff  }
0x264: {  	v56 =	vor.u32 $0x9, v1;
	v59 =	vld.idx.msk [tilespmem:v49+s18+$0x0], $0xffff;
	v58 =	vmul.f32 v47, v13;
	v3 =	vadd.f32 v54, v3  }
0x265: {  	v61 =	vor.u32 $0xA, v2;
	v8 =	vld.idx.msk [tilespmem:v48+s16+$0x0], $0xffff  }
0x266: {  	v60 =	vor.u32 $0xA, v1;
	v63 =	vld.idx.msk [tilespmem:v53+s18+$0x0], $0xffff;
	v62 =	vmul.f32 v51, v9;
	v3 =	vadd.f32 v58, v3  }
0x267: {  	v21 =	vor.u32 $0xB, v2;
	v7 =	vld.idx.msk [tilespmem:v52+s16+$0x0], $0xffff  }
0x268: {  	v20 =	vor.u32 $0xB, v1;
	v23 =	vld.idx.msk [tilespmem:v57+s18+$0x0], $0xffff;
	v22 =	vmul.f32 v55, v12;
	v3 =	vadd.f32 v62, v3  }
0x269: {  	v25 =	vor.u32 $0xC, v2;
	v11 =	vld.idx.msk [tilespmem:v56+s16+$0x0], $0xffff  }
0x26a: {  	v24 =	vor.u32 $0xC, v1;
	v27 =	vld.idx.msk [tilespmem:v61+s18+$0x0], $0xffff;
	v26 =	vmul.f32 v59, v8;
	v3 =	vadd.f32 v22, v3  }
0x26b: {  	v29 =	vor.u32 $0xD, v2;
	v13 =	vld.idx.msk [tilespmem:v60+s16+$0x0], $0xffff  }
0x26c: {  	v28 =	vor.u32 $0xD, v1;
	v31 =	vld.idx.msk [tilespmem:v21+s18+$0x0], $0xffff;
	v30 =	vmul.f32 v63, v7;
	v3 =	vadd.f32 v26, v3  }
0x26d: {  	v33 =	vor.u32 $0xE, v2;
	v9 =	vld.idx.msk [tilespmem:v20+s16+$0x0], $0xffff  }
0x26e: {  	v32 =	vor.u32 $0xE, v1;
	v35 =	vld.idx.msk [tilespmem:v25+s18+$0x0], $0xffff;
	v34 =	vmul.f32 v23, v11;
	v3 =	vadd.f32 v30, v3  }
0x26f: {  	v37 =	vor.u32 $0xF, v2;
	v12 =	vld.idx.msk [tilespmem:v24+s16+$0x0], $0xffff  }
0x270: {  	v39 =	vld.idx.msk [tilespmem:v29+s18+$0x0], $0xffff;
	v36 =	vor.u32 $0xF, v1;
	v38 =	vmul.f32 v27, v13;
	v3 =	vadd.f32 v34, v3  }
0x271: {  	v40 =	vor.u32 $0x10, v1;
	v8 =	vld.idx.msk [tilespmem:v28+s16+$0x0], $0xffff  }
0x272: {  	v41 =	vor.u32 $0x10, v2;
	v43 =	vld.idx.msk [tilespmem:v33+s18+$0x0], $0xffff;
	v42 =	vmul.f32 v31, v9;
	v3 =	vadd.f32 v38, v3  }
0x273: {  	v45 =	vor.u32 $0x11, v2;
	v7 =	vld.idx.msk [tilespmem:v32+s16+$0x0], $0xffff  }
0x274: {  	v44 =	vor.u32 $0x11, v1;
	v47 =	vld.idx.msk [tilespmem:v37+s18+$0x0], $0xffff;
	v46 =	vmul.f32 v35, v12;
	v3 =	vadd.f32 v42, v3  }
0x275: {  	v48 =	vor.u32 $0x12, v1;
	v11 =	vld.idx.msk [tilespmem:v36+s16+$0x0], $0xffff  }
0x276: {  	v49 =	vor.u32 $0x12, v2;
	v13 =	vld.idx.msk [tilespmem:v40+s16+$0x0], $0xffff;
	v50 =	vmul.f32 v39, v8;
	v3 =	vadd.f32 v46, v3  }
0x277: {  	v53 =	vor.u32 $0x13, v2;
	v51 =	vld.idx.msk [tilespmem:v41+s18+$0x0], $0xffff  }
0x278: {  	v52 =	vor.u32 $0x13, v1;
	v55 =	vld.idx.msk [tilespmem:v45+s18+$0x0], $0xffff;
	v54 =	vmul.f32 v43, v7;
	v3 =	vadd.f32 v50, v3  }
0x279: {  	v56 =	vor.u32 $0x14, v1;
	v9 =	vld.idx.msk [tilespmem:v44+s16+$0x0], $0xffff  }
0x27a: {  	v57 =	vor.u32 $0x14, v2;
	v12 =	vld.idx.msk [tilespmem:v48+s16+$0x0], $0xffff;
	v58 =	vmul.f32 v47, v11;
	v3 =	vadd.f32 v54, v3  }
0x27b: {  	v60 =	vor.u32 $0x15, v1;
	v59 =	vld.idx.msk [tilespmem:v49+s18+$0x0], $0xffff  }
0x27c: {  	v61 =	vor.u32 $0x15, v2;
	v63 =	vld.idx.msk [tilespmem:v53+s18+$0x0], $0xffff;
	v62 =	vmul.f32 v51, v13;
	v3 =	vadd.f32 v58, v3  }
0x27d: {  	v19 =	vor.u32 $0x16, v1;
	v8 =	vld.idx.msk [tilespmem:v52+s16+$0x0], $0xffff  }
0x27e: {  	v20 =	vor.u32 $0x16, v2;
	v7 =	vld.idx.msk [tilespmem:v56+s16+$0x0], $0xffff;
	v21 =	vmul.f32 v55, v9;
	v3 =	vadd.f32 v62, v3  }
0x27f: {  	v23 =	vor.u32 $0x17, v1;
	v22 =	vld.idx.msk [tilespmem:v57+s18+$0x0], $0xffff  }
0x280: {  	v24 =	vor.u32 $0x17, v2;
	v11 =	vld.idx.msk [tilespmem:v60+s16+$0x0], $0xffff;
	v25 =	vmul.f32 v59, v12;
	v3 =	vadd.f32 v21, v3  }
0x281: {  	v27 =	vor.u32 $0x18, v1;
	v26 =	vld.idx.msk [tilespmem:v61+s18+$0x0], $0xffff  }
0x282: {  	v28 =	vor.u32 $0x18, v2;
	v13 =	vld.idx.msk [tilespmem:v19+s16+$0x0], $0xffff;
	v29 =	vmul.f32 v63, v8;
	v3 =	vadd.f32 v25, v3  }
0x283: {  	v31 =	vor.u32 $0x19, v1;
	v30 =	vld.idx.msk [tilespmem:v20+s18+$0x0], $0xffff  }
0x284: {  	v32 =	vor.u32 $0x19, v2;
	v9 =	vld.idx.msk [tilespmem:v23+s16+$0x0], $0xffff;
	v33 =	vmul.f32 v22, v7;
	v3 =	vadd.f32 v29, v3  }
0x285: {  	v35 =	vor.u32 $0x1A, v1;
	v34 =	vld.idx.msk [tilespmem:v24+s18+$0x0], $0xffff  }
0x286: {  	v36 =	vor.u32 $0x1A, v2;
	v12 =	vld.idx.msk [tilespmem:v27+s16+$0x0], $0xffff;
	v37 =	vmul.f32 v26, v11;
	v3 =	vadd.f32 v33, v3  }
0x287: {  	v39 =	vor.u32 $0x1B, v1;
	v38 =	vld.idx.msk [tilespmem:v28+s18+$0x0], $0xffff  }
0x288: {  	v40 =	vor.u32 $0x1B, v2;
	v8 =	vld.idx.msk [tilespmem:v31+s16+$0x0], $0xffff;
	v41 =	vmul.f32 v30, v13;
	v3 =	vadd.f32 v37, v3  }
0x289: {  	v43 =	vor.u32 $0x1C, v1;
	v42 =	vld.idx.msk [tilespmem:v32+s18+$0x0], $0xffff  }
0x28a: {  	v44 =	vor.u32 $0x1C, v2;
	v7 =	vld.idx.msk [tilespmem:v35+s16+$0x0], $0xffff;
	v45 =	vmul.f32 v34, v9;
	v3 =	vadd.f32 v41, v3  }
0x28b: {  	v48 =	vor.u32 $0x1D, v2;
	v46 =	vld.idx.msk [tilespmem:v36+s18+$0x0], $0xffff  }
0x28c: {  	v47 =	vor.u32 $0x1D, v1;
	v11 =	vld.idx.msk [tilespmem:v39+s16+$0x0], $0xffff;
	v49 =	vmul.f32 v38, v12;
	v3 =	vadd.f32 v45, v3  }
0x28d: {  	v52 =	vor.u32 $0x1E, v2;
	v50 =	vld.idx.msk [tilespmem:v40+s18+$0x0], $0xffff  }
0x28e: {  	v51 =	vor.u32 $0x1E, v1;
	v13 =	vld.idx.msk [tilespmem:v43+s16+$0x0], $0xffff;
	v53 =	vmul.f32 v42, v8;
	v3 =	vadd.f32 v49, v3  }
0x28f: {  	v1 =	vor.u32 $0x1F, v1;
	v54 =	vld.idx.msk [tilespmem:v44+s18+$0x0], $0xffff  }
0x290: {  	v2 =	vor.u32 $0x1F, v2;
	v57 =	vld.idx.msk [tilespmem:v48+s18+$0x0], $0xffff;
	v56 =	vmul.f32 v46, v7;
	v3 =	vadd.f32 v53, v3  }
0x291: {  	v55 =	vld.idx.msk [tilespmem:v47+s16+$0x0], $0xffff  }
0x292: {  	v60 =	vld.idx.msk [tilespmem:v52+s18+$0x0], $0xffff;
	v59 =	vmul.f32 v50, v11;
	v3 =	vadd.f32 v56, v3  }
0x293: {  	v58 =	vld.idx.msk [tilespmem:v51+s16+$0x0], $0xffff  }
0x294: {  	v1 =	vld.idx.msk [tilespmem:v1+s16+$0x0], $0xffff;
	v61 =	vmul.f32 v54, v13;
	v3 =	vadd.f32 v59, v3  }
0x295: {  	v2 =	vld.idx.msk [tilespmem:v2+s18+$0x0], $0xffff  }
0x296: {  	v62 =	vmul.f32 v57, v55;
	v3 =	vadd.f32 v61, v3;
	_ =	sdelay $0x1  }
0x297: {  	v63 =	vmul.f32 v60, v58;
	v3 =	vadd.f32 v62, v3;
	_ =	sdelay $0x1  }
0x298: {  	v1 =	vmul.f32 v2, v1;
	v3 =	vadd.f32 v63, v3;
	_ =	sdelay $0x1  }
0x299: {  	v1 =	vadd.f32 v1, v3  }
0x29a: {  	s31 =	simm.s32 $0x8A00  }
0x29b: {  	s0 =	simm.s32 $0x110;
	[tilespmem:s31+$0x0] =	vst v1  }
0x29c: {  	s3 =	simm.s32 $0x310;
	v1 =	vld [tilespmem:s0+$0x0]  }
0x29d: {  	s15 =	simm.s32 $0x20;
	s14 =	simm.s32 $0x10;
	v2 =	vld [tilespmem:s3+$0x0]  }
.LBB2_8:
0x29e: {  	p0 =	sne.s32 s15, $0x70;
	_ =	sdelay $0x1  }
0x29f: {  	v3 =	vmov s14;
	s14 =	smov.u32 s15  }
0x2a0: {  	v3 =	vshll.u32 v3, $0x7;
	v1 =	vshra.s32 v1, $0xD  }
0x2a1: {  	v3 =	vor.u32 v0, v3;
	v2 =	vshra.s32 v2, $0xD;
	v4 =	vand.u32 $0xFFFFFF80, v1  }
0x2a2: {  	v1 =	vand.u32 $0x60, v1;
	v4 =	vadd.s32 v3, v4;
	v5 =	vand.u32 $0xFFFFFF80, v2  }
0x2a3: {  	v2 =	vand.u32 $0x60, v2;
	v1 =	vor.u32 v1, v4;
	v3 =	vadd.s32 v3, v5  }
0x2a4: {  	v2 =	vor.u32 v2, v3  }
0x2a5: {  	s29 =	sadd.s32 $0x10, s29;
	v3 =	vor.u32 $0x1, v1  }
0x2a6: {  	s30 =	sadd.s32 $0x10, s30;
	v5 =	vor.u32 $0x1, v2;
	v4 =	vld [tilespmem:s29+$0x0]  }
0x2a7: {  	v7 =	vor.u32 $0x2, v1;
	v6 =	vld [tilespmem:s30+$0x0]  }
0x2a8: {  	v9 =	vor.u32 $0x2, v2;
	v8 =	vld.idx.msk [tilespmem:v1+s16+$0x0], $0xffff  }
0x2a9: {  	v11 =	vor.u32 $0x3, v1;
	v10 =	vld.idx.msk [tilespmem:v2+s18+$0x0], $0xffff  }
0x2aa: {  	v12 =	vor.u32 $0x3, v2;
	v3 =	vld.idx.msk [tilespmem:v3+s16+$0x0], $0xffff  }
0x2ab: {  	v13 =	vor.u32 $0x4, v1;
	v5 =	vld.idx.msk [tilespmem:v5+s18+$0x0], $0xffff  }
0x2ac: {  	v14 =	vor.u32 $0x4, v2;
	v7 =	vld.idx.msk [tilespmem:v7+s16+$0x0], $0xffff  }
0x2ad: {  	v4 =	vadd.f32 v6, v4;
	v6 =	vld.idx.msk [tilespmem:v9+s18+$0x0], $0xffff;
	v9 =	vor.u32 $0x5, v1  }
0x2ae: {  	v15 =	vor.u32 $0x5, v2;
	v11 =	vld.idx.msk [tilespmem:v11+s16+$0x0], $0xffff  }
0x2af: {  	v4 =	vadd.f32 $3.500000000e+00, v4;
	v8 =	vmul.f32 v10, v8;
	v10 =	vld.idx.msk [tilespmem:v12+s18+$0x0], $0xffff;
	v12 =	vor.u32 $0x6, v1  }
0x2b0: {  	v16 =	vor.u32 $0x6, v2;
	v13 =	vld.idx.msk [tilespmem:v13+s16+$0x0], $0xffff  }
0x2b1: {  	v4 =	vadd.f32 v8, v4;
	v3 =	vmul.f32 v5, v3;
	v8 =	vor.u32 $0x7, v1;
	v5 =	vld.idx.msk [tilespmem:v14+s18+$0x0], $0xffff  }
0x2b2: {  	v14 =	vor.u32 $0x7, v2;
	v9 =	vld.idx.msk [tilespmem:v9+s16+$0x0], $0xffff  }
0x2b3: {  	v3 =	vadd.f32 v3, v4;
	v4 =	vmul.f32 v6, v7;
	v7 =	vor.u32 $0x8, v1;
	v6 =	vld.idx.msk [tilespmem:v15+s18+$0x0], $0xffff  }
0x2b4: {  	v15 =	vor.u32 $0x8, v2;
	v12 =	vld.idx.msk [tilespmem:v12+s16+$0x0], $0xffff  }
0x2b5: {  	v3 =	vadd.f32 v4, v3;
	v4 =	vmul.f32 v10, v11;
	v11 =	vor.u32 $0x9, v1;
	v10 =	vld.idx.msk [tilespmem:v16+s18+$0x0], $0xffff  }
0x2b6: {  	v16 =	vor.u32 $0x9, v2;
	v8 =	vld.idx.msk [tilespmem:v8+s16+$0x0], $0xffff  }
0x2b7: {  	v3 =	vadd.f32 v4, v3;
	v4 =	vmul.f32 v5, v13;
	v13 =	vor.u32 $0xA, v1;
	v5 =	vld.idx.msk [tilespmem:v14+s18+$0x0], $0xffff  }
0x2b8: {  	v14 =	vor.u32 $0xA, v2;
	v7 =	vld.idx.msk [tilespmem:v7+s16+$0x0], $0xffff  }
0x2b9: {  	v3 =	vadd.f32 v4, v3;
	v4 =	vmul.f32 v6, v9;
	v9 =	vor.u32 $0xB, v1;
	v6 =	vld.idx.msk [tilespmem:v15+s18+$0x0], $0xffff  }
0x2ba: {  	v15 =	vor.u32 $0xB, v2;
	v11 =	vld.idx.msk [tilespmem:v11+s16+$0x0], $0xffff  }
0x2bb: {  	v3 =	vadd.f32 v4, v3;
	v4 =	vmul.f32 v10, v12;
	v12 =	vor.u32 $0xC, v1;
	v10 =	vld.idx.msk [tilespmem:v16+s18+$0x0], $0xffff  }
0x2bc: {  	v16 =	vor.u32 $0xC, v2;
	v13 =	vld.idx.msk [tilespmem:v13+s16+$0x0], $0xffff  }
0x2bd: {  	v3 =	vadd.f32 v4, v3;
	v4 =	vmul.f32 v5, v8;
	v8 =	vor.u32 $0xD, v1;
	v5 =	vld.idx.msk [tilespmem:v14+s18+$0x0], $0xffff  }
0x2be: {  	v14 =	vor.u32 $0xD, v2;
	v9 =	vld.idx.msk [tilespmem:v9+s16+$0x0], $0xffff  }
0x2bf: {  	v3 =	vadd.f32 v4, v3;
	v4 =	vmul.f32 v6, v7;
	v7 =	vor.u32 $0xE, v1;
	v6 =	vld.idx.msk [tilespmem:v15+s18+$0x0], $0xffff  }
0x2c0: {  	v15 =	vor.u32 $0xE, v2;
	v12 =	vld.idx.msk [tilespmem:v12+s16+$0x0], $0xffff  }
0x2c1: {  	v3 =	vadd.f32 v4, v3;
	v4 =	vmul.f32 v10, v11;
	v11 =	vor.u32 $0xF, v1;
	v10 =	vld.idx.msk [tilespmem:v16+s18+$0x0], $0xffff  }
0x2c2: {  	v16 =	vor.u32 $0xF, v2;
	v8 =	vld.idx.msk [tilespmem:v8+s16+$0x0], $0xffff  }
0x2c3: {  	v3 =	vadd.f32 v4, v3;
	v4 =	vmul.f32 v5, v13;
	v13 =	vor.u32 $0x10, v1;
	v5 =	vld.idx.msk [tilespmem:v14+s18+$0x0], $0xffff  }
0x2c4: {  	v14 =	vor.u32 $0x10, v2;
	v7 =	vld.idx.msk [tilespmem:v7+s16+$0x0], $0xffff  }
0x2c5: {  	v3 =	vadd.f32 v4, v3;
	v4 =	vmul.f32 v6, v9;
	v9 =	vor.u32 $0x11, v1;
	v6 =	vld.idx.msk [tilespmem:v15+s18+$0x0], $0xffff  }
0x2c6: {  	v15 =	vor.u32 $0x11, v2;
	v11 =	vld.idx.msk [tilespmem:v11+s16+$0x0], $0xffff  }
0x2c7: {  	v3 =	vadd.f32 v4, v3;
	v4 =	vmul.f32 v10, v12;
	v12 =	vor.u32 $0x12, v1;
	v10 =	vld.idx.msk [tilespmem:v16+s18+$0x0], $0xffff  }
0x2c8: {  	v16 =	vor.u32 $0x12, v2;
	v13 =	vld.idx.msk [tilespmem:v13+s16+$0x0], $0xffff  }
0x2c9: {  	v3 =	vadd.f32 v4, v3;
	v4 =	vmul.f32 v5, v8;
	v8 =	vor.u32 $0x13, v1;
	v5 =	vld.idx.msk [tilespmem:v14+s18+$0x0], $0xffff  }
0x2ca: {  	v14 =	vor.u32 $0x13, v2;
	v9 =	vld.idx.msk [tilespmem:v9+s16+$0x0], $0xffff  }
0x2cb: {  	v3 =	vadd.f32 v4, v3;
	v4 =	vmul.f32 v6, v7;
	v7 =	vor.u32 $0x14, v1;
	v6 =	vld.idx.msk [tilespmem:v15+s18+$0x0], $0xffff  }
0x2cc: {  	v15 =	vor.u32 $0x14, v2;
	v12 =	vld.idx.msk [tilespmem:v12+s16+$0x0], $0xffff  }
0x2cd: {  	v3 =	vadd.f32 v4, v3;
	v4 =	vmul.f32 v10, v11;
	v11 =	vor.u32 $0x15, v1;
	v10 =	vld.idx.msk [tilespmem:v16+s18+$0x0], $0xffff  }
0x2ce: {  	v16 =	vor.u32 $0x15, v2;
	v8 =	vld.idx.msk [tilespmem:v8+s16+$0x0], $0xffff  }
0x2cf: {  	v3 =	vadd.f32 v4, v3;
	v4 =	vmul.f32 v5, v13;
	v13 =	vor.u32 $0x16, v1;
	v5 =	vld.idx.msk [tilespmem:v14+s18+$0x0], $0xffff  }
0x2d0: {  	v14 =	vor.u32 $0x16, v2;
	v7 =	vld.idx.msk [tilespmem:v7+s16+$0x0], $0xffff  }
0x2d1: {  	v3 =	vadd.f32 v4, v3;
	v4 =	vmul.f32 v6, v9;
	v9 =	vor.u32 $0x17, v1;
	v6 =	vld.idx.msk [tilespmem:v15+s18+$0x0], $0xffff  }
0x2d2: {  	v15 =	vor.u32 $0x17, v2;
	v11 =	vld.idx.msk [tilespmem:v11+s16+$0x0], $0xffff  }
0x2d3: {  	v3 =	vadd.f32 v4, v3;
	v4 =	vmul.f32 v10, v12;
	v12 =	vor.u32 $0x18, v1;
	v10 =	vld.idx.msk [tilespmem:v16+s18+$0x0], $0xffff  }
0x2d4: {  	v16 =	vor.u32 $0x18, v2;
	v13 =	vld.idx.msk [tilespmem:v13+s16+$0x0], $0xffff  }
0x2d5: {  	v3 =	vadd.f32 v4, v3;
	v4 =	vmul.f32 v5, v8;
	v8 =	vor.u32 $0x19, v1;
	v5 =	vld.idx.msk [tilespmem:v14+s18+$0x0], $0xffff  }
0x2d6: {  	v14 =	vor.u32 $0x19, v2;
	v9 =	vld.idx.msk [tilespmem:v9+s16+$0x0], $0xffff  }
0x2d7: {  	v3 =	vadd.f32 v4, v3;
	v4 =	vmul.f32 v6, v7;
	v7 =	vor.u32 $0x1A, v1;
	v6 =	vld.idx.msk [tilespmem:v15+s18+$0x0], $0xffff  }
0x2d8: {  	v15 =	vor.u32 $0x1A, v2;
	v12 =	vld.idx.msk [tilespmem:v12+s16+$0x0], $0xffff  }
0x2d9: {  	v3 =	vadd.f32 v4, v3;
	v4 =	vmul.f32 v10, v11;
	v11 =	vor.u32 $0x1B, v1;
	v10 =	vld.idx.msk [tilespmem:v16+s18+$0x0], $0xffff  }
0x2da: {  	v16 =	vor.u32 $0x1B, v2;
	v8 =	vld.idx.msk [tilespmem:v8+s16+$0x0], $0xffff  }
0x2db: {  	v3 =	vadd.f32 v4, v3;
	v4 =	vmul.f32 v5, v13;
	v13 =	vor.u32 $0x1C, v1;
	v5 =	vld.idx.msk [tilespmem:v14+s18+$0x0], $0xffff  }
0x2dc: {  	v14 =	vor.u32 $0x1C, v2;
	v7 =	vld.idx.msk [tilespmem:v7+s16+$0x0], $0xffff  }
0x2dd: {  	v3 =	vadd.f32 v4, v3;
	v4 =	vmul.f32 v6, v9;
	v9 =	vor.u32 $0x1D, v1;
	v6 =	vld.idx.msk [tilespmem:v15+s18+$0x0], $0xffff  }
0x2de: {  	v15 =	vor.u32 $0x1D, v2;
	v11 =	vld.idx.msk [tilespmem:v11+s16+$0x0], $0xffff  }
0x2df: {  	v3 =	vadd.f32 v4, v3;
	v4 =	vmul.f32 v10, v12;
	v12 =	vor.u32 $0x1E, v1;
	v10 =	vld.idx.msk [tilespmem:v16+s18+$0x0], $0xffff  }
0x2e0: {  	v16 =	vor.u32 $0x1E, v2;
	v13 =	vld.idx.msk [tilespmem:v13+s16+$0x0], $0xffff  }
0x2e1: {  	v1 =	vor.u32 $0x1F, v1;
	v3 =	vadd.f32 v4, v3;
	v4 =	vmul.f32 v5, v8;
	v5 =	vld.idx.msk [tilespmem:v14+s18+$0x0], $0xffff  }
0x2e2: {  	v2 =	vor.u32 $0x1F, v2;
	v8 =	vld.idx.msk [tilespmem:v9+s16+$0x0], $0xffff  }
0x2e3: {  	v3 =	vadd.f32 v4, v3;
	v4 =	vmul.f32 v6, v7;
	v6 =	vld.idx.msk [tilespmem:v15+s18+$0x0], $0xffff  }
0x2e4: {  	v7 =	vld.idx.msk [tilespmem:v12+s16+$0x0], $0xffff  }
0x2e5: {  	v3 =	vadd.f32 v4, v3;
	v4 =	vmul.f32 v10, v11;
	v9 =	vld.idx.msk [tilespmem:v16+s18+$0x0], $0xffff  }
0x2e6: {  	v1 =	vld.idx.msk [tilespmem:v1+s16+$0x0], $0xffff  }
0x2e7: {  	v3 =	vadd.f32 v4, v3;
	v4 =	vmul.f32 v5, v13;
	v2 =	vld.idx.msk [tilespmem:v2+s18+$0x0], $0xffff;
	_ =	sdelay $0x1  }
0x2e8: {  	v3 =	vadd.f32 v4, v3;
	v4 =	vmul.f32 v6, v8;
	_ =	sdelay $0x1  }
0x2e9: {  	v3 =	vadd.f32 v4, v3;
	v4 =	vmul.f32 v9, v7;
	_ =	sdelay $0x1  }
0x2ea: {  	v3 =	vadd.f32 v4, v3;
	v1 =	vmul.f32 v2, v1;
	_ =	sdelay $0x1  }
.Ltmp3:
0x2eb: {  	v1 =	vadd.f32 v1, v3;
	(pc) =	sbr.rel @p0 .LBB2_8-.Ltmp3, $4  }
0x2ec: {  	s31 =	sadd.s32 $0x10, s31  }
0x2ed: {  	s0 =	sadd.s32 $0x10, s0;
	[tilespmem:s31+$0x0] =	vst v1  }
0x2ee: {  	s3 =	sadd.s32 $0x10, s3;
	v1 =	vld [tilespmem:s0+$0x0]  }
0x2ef: {  	s15 =	sadd.s32 $0x10, s15;
	v2 =	vld [tilespmem:s3+$0x0]  }
0x2f0: {  	_ =	sdelay $0x1  }
0x2f1: {  	v3 =	vmov s14  }
0x2f2: {  	v3 =	vshll.u32 v3, $0x7;
	v1 =	vshra.s32 v1, $0xD  }
0x2f3: {  	v3 =	vor.u32 v0, v3;
	v2 =	vshra.s32 v2, $0xD;
	v4 =	vand.u32 $0xFFFFFF80, v1  }
0x2f4: {  	v1 =	vand.u32 $0x60, v1;
	v4 =	vadd.s32 v3, v4;
	v5 =	vand.u32 $0xFFFFFF80, v2  }
0x2f5: {  	v2 =	vand.u32 $0x60, v2;
	v1 =	vor.u32 v1, v4;
	v3 =	vadd.s32 v3, v5  }
0x2f6: {  	v2 =	vor.u32 v2, v3  }
0x2f7: {  	s0 =	sadd.s32 $0x10, s29;
	v3 =	vor.u32 $0x1, v1  }
0x2f8: {  	s15 =	sadd.s32 $0x10, s30;
	v51 =	vld [tilespmem:s0+$0x0];
	v52 =	vor.u32 $0x1, v2  }
0x2f9: {  	v6 =	vld [tilespmem:s15+$0x0];
	v7 =	vor.u32 $0x2, v1  }
0x2fa: {  	v9 =	vor.u32 $0x2, v2;
	v8 =	vld.idx.msk [tilespmem:v1+s16+$0x0], $0xffff  }
0x2fb: {  	v11 =	vor.u32 $0x3, v1;
	v10 =	vld.idx.msk [tilespmem:v2+s18+$0x0], $0xffff  }
0x2fc: {  	v12 =	vor.u32 $0x3, v2;
	v3 =	vld.idx.msk [tilespmem:v3+s16+$0x0], $0xffff  }
0x2fd: {  	v13 =	vor.u32 $0x4, v1;
	v5 =	vld.idx.msk [tilespmem:v52+s18+$0x0], $0xffff  }
0x2fe: {  	v4 =	vadd.f32 v6, v51;
	v14 =	vor.u32 $0x4, v2;
	v7 =	vld.idx.msk [tilespmem:v7+s16+$0x0], $0xffff  }
0x2ff: {  	v54 =	vor.u32 $0x5, v1;
	v53 =	vld.idx.msk [tilespmem:v9+s18+$0x0], $0xffff  }
0x300: {  	v15 =	vor.u32 $0x5, v2;
	v4 =	vadd.f32 $3.500000000e+00, v4;
	v11 =	vld.idx.msk [tilespmem:v11+s16+$0x0], $0xffff;
	v8 =	vmul.f32 v10, v8  }
0x301: {  	v56 =	vor.u32 $0x6, v1;
	v55 =	vld.idx.msk [tilespmem:v12+s18+$0x0], $0xffff  }
0x302: {  	v16 =	vor.u32 $0x6, v2;
	v13 =	vld.idx.msk [tilespmem:v13+s16+$0x0], $0xffff;
	v3 =	vmul.f32 v5, v3;
	v4 =	vadd.f32 v8, v4  }
0x303: {  	v59 =	vor.u32 $0x7, v2;
	v57 =	vld.idx.msk [tilespmem:v14+s18+$0x0], $0xffff  }
0x304: {  	v58 =	vor.u32 $0x7, v1;
	v9 =	vld.idx.msk [tilespmem:v54+s16+$0x0], $0xffff;
	v60 =	vmul.f32 v53, v7;
	v3 =	vadd.f32 v3, v4  }
0x305: {  	v63 =	vor.u32 $0x8, v2;
	v61 =	vld.idx.msk [tilespmem:v15+s18+$0x0], $0xffff  }
0x306: {  	v62 =	vor.u32 $0x8, v1;
	v12 =	vld.idx.msk [tilespmem:v56+s16+$0x0], $0xffff;
	v20 =	vmul.f32 v55, v11;
	v3 =	vadd.f32 v60, v3  }
0x307: {  	v23 =	vor.u32 $0x9, v2;
	v21 =	vld.idx.msk [tilespmem:v16+s18+$0x0], $0xffff  }
0x308: {  	v22 =	vor.u32 $0x9, v1;
	v25 =	vld.idx.msk [tilespmem:v59+s18+$0x0], $0xffff;
	v24 =	vmul.f32 v57, v13;
	v3 =	vadd.f32 v20, v3  }
0x309: {  	v27 =	vor.u32 $0xA, v2;
	v8 =	vld.idx.msk [tilespmem:v58+s16+$0x0], $0xffff  }
0x30a: {  	v26 =	vor.u32 $0xA, v1;
	v29 =	vld.idx.msk [tilespmem:v63+s18+$0x0], $0xffff;
	v28 =	vmul.f32 v61, v9;
	v3 =	vadd.f32 v24, v3  }
0x30b: {  	v31 =	vor.u32 $0xB, v2;
	v7 =	vld.idx.msk [tilespmem:v62+s16+$0x0], $0xffff  }
0x30c: {  	v30 =	vor.u32 $0xB, v1;
	v33 =	vld.idx.msk [tilespmem:v23+s18+$0x0], $0xffff;
	v32 =	vmul.f32 v21, v12;
	v3 =	vadd.f32 v28, v3  }
0x30d: {  	v35 =	vor.u32 $0xC, v2;
	v11 =	vld.idx.msk [tilespmem:v22+s16+$0x0], $0xffff  }
0x30e: {  	v34 =	vor.u32 $0xC, v1;
	v37 =	vld.idx.msk [tilespmem:v27+s18+$0x0], $0xffff;
	v36 =	vmul.f32 v25, v8;
	v3 =	vadd.f32 v32, v3  }
0x30f: {  	v39 =	vor.u32 $0xD, v2;
	v13 =	vld.idx.msk [tilespmem:v26+s16+$0x0], $0xffff  }
0x310: {  	v38 =	vor.u32 $0xD, v1;
	v41 =	vld.idx.msk [tilespmem:v31+s18+$0x0], $0xffff;
	v40 =	vmul.f32 v29, v7;
	v3 =	vadd.f32 v36, v3  }
0x311: {  	v43 =	vor.u32 $0xE, v2;
	v9 =	vld.idx.msk [tilespmem:v30+s16+$0x0], $0xffff  }
0x312: {  	v42 =	vor.u32 $0xE, v1;
	v45 =	vld.idx.msk [tilespmem:v35+s18+$0x0], $0xffff;
	v44 =	vmul.f32 v33, v11;
	v3 =	vadd.f32 v40, v3  }
0x313: {  	v47 =	vor.u32 $0xF, v2;
	v12 =	vld.idx.msk [tilespmem:v34+s16+$0x0], $0xffff  }
0x314: {  	v46 =	vor.u32 $0xF, v1;
	v49 =	vld.idx.msk [tilespmem:v39+s18+$0x0], $0xffff;
	v48 =	vmul.f32 v37, v13;
	v3 =	vadd.f32 v44, v3  }
0x315: {  	v51 =	vor.u32 $0x10, v2;
	v8 =	vld.idx.msk [tilespmem:v38+s16+$0x0], $0xffff  }
0x316: {  	v50 =	vor.u32 $0x10, v1;
	v53 =	vld.idx.msk [tilespmem:v43+s18+$0x0], $0xffff;
	v52 =	vmul.f32 v41, v9;
	v3 =	vadd.f32 v48, v3  }
0x317: {  	v54 =	vor.u32 $0x11, v1;
	v7 =	vld.idx.msk [tilespmem:v42+s16+$0x0], $0xffff  }
0x318: {  	v55 =	vor.u32 $0x11, v2;
	v57 =	vld.idx.msk [tilespmem:v47+s18+$0x0], $0xffff;
	v56 =	vmul.f32 v45, v12;
	v3 =	vadd.f32 v52, v3  }
0x319: {  	v58 =	vor.u32 $0x12, v1;
	v11 =	vld.idx.msk [tilespmem:v46+s16+$0x0], $0xffff  }
0x31a: {  	v59 =	vor.u32 $0x12, v2;
	v61 =	vld.idx.msk [tilespmem:v51+s18+$0x0], $0xffff;
	v60 =	vmul.f32 v49, v8;
	v3 =	vadd.f32 v56, v3  }
0x31b: {  	v63 =	vor.u32 $0x13, v2;
	v13 =	vld.idx.msk [tilespmem:v50+s16+$0x0], $0xffff  }
0x31c: {  	v62 =	vor.u32 $0x13, v1;
	v9 =	vld.idx.msk [tilespmem:v54+s16+$0x0], $0xffff;
	v20 =	vmul.f32 v53, v7;
	v3 =	vadd.f32 v60, v3  }
0x31d: {  	v23 =	vor.u32 $0x14, v2;
	v21 =	vld.idx.msk [tilespmem:v55+s18+$0x0], $0xffff  }
0x31e: {  	v22 =	vor.u32 $0x14, v1;
	v12 =	vld.idx.msk [tilespmem:v58+s16+$0x0], $0xffff;
	v24 =	vmul.f32 v57, v11;
	v3 =	vadd.f32 v20, v3  }
0x31f: {  	v27 =	vor.u32 $0x15, v2;
	v25 =	vld.idx.msk [tilespmem:v59+s18+$0x0], $0xffff  }
0x320: {  	v26 =	vor.u32 $0x15, v1;
	v29 =	vld.idx.msk [tilespmem:v63+s18+$0x0], $0xffff;
	v28 =	vmul.f32 v61, v13;
	v3 =	vadd.f32 v24, v3  }
0x321: {  	v31 =	vor.u32 $0x16, v2;
	v8 =	vld.idx.msk [tilespmem:v62+s16+$0x0], $0xffff  }
0x322: {  	v30 =	vor.u32 $0x16, v1;
	v33 =	vld.idx.msk [tilespmem:v23+s18+$0x0], $0xffff;
	v32 =	vmul.f32 v21, v9;
	v3 =	vadd.f32 v28, v3  }
0x323: {  	v35 =	vor.u32 $0x17, v2;
	v7 =	vld.idx.msk [tilespmem:v22+s16+$0x0], $0xffff  }
0x324: {  	v34 =	vor.u32 $0x17, v1;
	v37 =	vld.idx.msk [tilespmem:v27+s18+$0x0], $0xffff;
	v36 =	vmul.f32 v25, v12;
	v3 =	vadd.f32 v32, v3  }
0x325: {  	v39 =	vor.u32 $0x18, v2;
	v11 =	vld.idx.msk [tilespmem:v26+s16+$0x0], $0xffff  }
0x326: {  	v41 =	vld.idx.msk [tilespmem:v31+s18+$0x0], $0xffff;
	v38 =	vor.u32 $0x18, v1;
	v40 =	vmul.f32 v29, v8;
	v3 =	vadd.f32 v36, v3  }
0x327: {  	v43 =	vor.u32 $0x19, v2;
	v13 =	vld.idx.msk [tilespmem:v30+s16+$0x0], $0xffff  }
0x328: {  	v42 =	vor.u32 $0x19, v1;
	v45 =	vld.idx.msk [tilespmem:v35+s18+$0x0], $0xffff;
	v44 =	vmul.f32 v33, v7;
	v3 =	vadd.f32 v40, v3  }
0x329: {  	v47 =	vor.u32 $0x1A, v2;
	v9 =	vld.idx.msk [tilespmem:v34+s16+$0x0], $0xffff  }
0x32a: {  	v46 =	vor.u32 $0x1A, v1;
	v49 =	vld.idx.msk [tilespmem:v39+s18+$0x0], $0xffff;
	v48 =	vmul.f32 v37, v11;
	v3 =	vadd.f32 v44, v3  }
0x32b: {  	v51 =	vor.u32 $0x1B, v2;
	v12 =	vld.idx.msk [tilespmem:v38+s16+$0x0], $0xffff  }
0x32c: {  	v50 =	vor.u32 $0x1B, v1;
	v53 =	vld.idx.msk [tilespmem:v43+s18+$0x0], $0xffff;
	v52 =	vmul.f32 v41, v13;
	v3 =	vadd.f32 v48, v3  }
0x32d: {  	v55 =	vor.u32 $0x1C, v2;
	v8 =	vld.idx.msk [tilespmem:v42+s16+$0x0], $0xffff  }
0x32e: {  	v54 =	vor.u32 $0x1C, v1;
	v57 =	vld.idx.msk [tilespmem:v47+s18+$0x0], $0xffff;
	v56 =	vmul.f32 v45, v9;
	v3 =	vadd.f32 v52, v3  }
0x32f: {  	v58 =	vor.u32 $0x1D, v1;
	v7 =	vld.idx.msk [tilespmem:v46+s16+$0x0], $0xffff  }
0x330: {  	v59 =	vor.u32 $0x1D, v2;
	v61 =	vld.idx.msk [tilespmem:v51+s18+$0x0], $0xffff;
	v60 =	vmul.f32 v49, v12;
	v3 =	vadd.f32 v56, v3  }
0x331: {  	v62 =	vor.u32 $0x1E, v1;
	v11 =	vld.idx.msk [tilespmem:v50+s16+$0x0], $0xffff  }
0x332: {  	v63 =	vor.u32 $0x1E, v2;
	v18 =	vld.idx.msk [tilespmem:v55+s18+$0x0], $0xffff;
	v17 =	vmul.f32 v53, v8;
	v3 =	vadd.f32 v60, v3  }
0x333: {  	v2 =	vor.u32 $0x1F, v2;
	v13 =	vld.idx.msk [tilespmem:v54+s16+$0x0], $0xffff  }
0x334: {  	v1 =	vor.u32 $0x1F, v1;
	v19 =	vld.idx.msk [tilespmem:v58+s16+$0x0], $0xffff;
	v20 =	vmul.f32 v57, v7;
	v3 =	vadd.f32 v17, v3  }
0x335: {  	v21 =	vld.idx.msk [tilespmem:v59+s18+$0x0], $0xffff  }
0x336: {  	v22 =	vld.idx.msk [tilespmem:v62+s16+$0x0], $0xffff;
	v23 =	vmul.f32 v61, v11;
	v3 =	vadd.f32 v20, v3  }
0x337: {  	v24 =	vld.idx.msk [tilespmem:v63+s18+$0x0], $0xffff  }
0x338: {  	v2 =	vld.idx.msk [tilespmem:v2+s18+$0x0], $0xffff;
	v25 =	vmul.f32 v18, v13;
	v3 =	vadd.f32 v23, v3  }
0x339: {  	v1 =	vld.idx.msk [tilespmem:v1+s16+$0x0], $0xffff  }
0x33a: {  	v26 =	vmul.f32 v21, v19;
	v3 =	vadd.f32 v25, v3;
	_ =	sdelay $0x1  }
0x33b: {  	v27 =	vmul.f32 v24, v22;
	v3 =	vadd.f32 v26, v3;
	_ =	sdelay $0x1  }
0x33c: {  	v1 =	vmul.f32 v2, v1;
	v3 =	vadd.f32 v27, v3;
	_ =	sdelay $0x1  }
0x33d: {  	v1 =	vadd.f32 v1, v3  }
0x33e: {  	s3 =	sadd.s32 $0x10, s31  }
0x33f: {  	[tilespmem:s3+$0x0] =	vst v1  }
0x340: {  	[tilespmem:s16], [sflag:$0x1] =	stream.indirect.gather [hbm4b:s5+s10], $0x80, s24, s10, $0xb8;
	[tilespmem:$0x8B00] =	vst v63  }
0x341: {  	_ = 	snop  }
0x342: {  	[tilespmem:s18], [sflag:$0x1] =	stream.indirect.gather [hbm4b:s6+s10], $0x80, s25, s10, $0xb8;
	[tilespmem:$0x8B00] =	vst v63  }
0x343: {  	s14 =	simm.s32 $0x180;
	s29 =	simm.s32 $0x8800  }
0x344: {  	[tilespmem:s29], [sflag:$0x1] =	stream.indirect.gather [hbm4b:s1+s10], $0x1, s14, s10, $0xb8;
	[tilespmem:$0x8B00] =	vst v63  }
0x345: {  	s30 =	simm.s32 $0x8880;
	s3 =	simm.s32 $0x380  }
0x346: {  	[tilespmem:s30], [sflag:$0x1] =	stream.indirect.gather [hbm4b:s2+s10], $0x1, s3, s10, $0xb8;
	[tilespmem:$0x8B00] =	vst v63  }
0x347: {  	_ =	swait.ge [sflag:s19], $0x4000  }
0x348: {  	[sflag:s19] =	ssyncset.done $0x0  }
0x349: {  	[sflag:s19] =	ssyncadd.s32 $0xFFFFC000  }
0x34a: {  	_ =	swait.ge [sflag:s19], $0x4000  }
0x34b: {  	[sflag:s19] =	ssyncset.done $0x0  }
0x34c: {  	[sflag:s19] =	ssyncadd.s32 $0xFFFFC000  }
0x34d: {  	_ =	swait.ge [sflag:s19], $0x80  }
0x34e: {  	[sflag:s19] =	ssyncset.done $0x0  }
0x34f: {  	[sflag:s19] =	ssyncadd.s32 $0xFFFFFF80  }
0x350: {  	_ =	swait.ge [sflag:s19], $0x80  }
0x351: {  	[sflag:s19] =	ssyncset.done $0x0  }
0x352: {  	[sflag:s19] =	ssyncadd.s32 $0xFFFFFF80  }
0x353: {  	v1 =	vld [tilespmem:s14+$0x0]  }
0x354: {  	v2 =	vld [tilespmem:s3+$0x0];
	_ =	sdelay $0x1  }
0x355: {  	s15 =	simm.s32 $0x0  }
0x356: {  	v3 =	vmov s15  }
0x357: {  	v3 =	vshll.u32 v3, $0x7;
	v1 =	vshra.s32 v1, $0xD  }
0x358: {  	v3 =	vor.u32 v0, v3;
	v2 =	vshra.s32 v2, $0xD;
	v28 =	vand.u32 $0xFFFFFF80, v1  }
0x359: {  	v1 =	vand.u32 $0x60, v1;
	v29 =	vand.u32 $0xFFFFFF80, v2;
	v4 =	vadd.s32 v3, v28  }
0x35a: {  	v2 =	vand.u32 $0x60, v2;
	v3 =	vadd.s32 v3, v29;
	v1 =	vor.u32 v1, v4  }
0x35b: {  	v2 =	vor.u32 v2, v3  }
0x35c: {  	v3 =	vor.u32 $0x1, v1  }
0x35d: {  	v30 =	vld [tilespmem:s29+$0x0];
	v31 =	vor.u32 $0x1, v2  }
0x35e: {  	v32 =	vld [tilespmem:s30+$0x0];
	v33 =	vor.u32 $0x2, v1  }
0x35f: {  	v35 =	vor.u32 $0x2, v2;
	v34 =	vld.idx.msk [tilespmem:v1+s16+$0x0], $0xffff  }
0x360: {  	v37 =	vor.u32 $0x3, v1;
	v36 =	vld.idx.msk [tilespmem:v2+s18+$0x0], $0xffff  }
0x361: {  	v38 =	vor.u32 $0x3, v2;
	v3 =	vld.idx.msk [tilespmem:v3+s16+$0x0], $0xffff  }
0x362: {  	v39 =	vor.u32 $0x4, v1;
	v5 =	vld.idx.msk [tilespmem:v31+s18+$0x0], $0xffff  }
0x363: {  	v4 =	vadd.f32 v32, v30;
	v40 =	vor.u32 $0x4, v2;
	v7 =	vld.idx.msk [tilespmem:v33+s16+$0x0], $0xffff  }
0x364: {  	v42 =	vor.u32 $0x5, v1;
	v41 =	vld.idx.msk [tilespmem:v35+s18+$0x0], $0xffff  }
0x365: {  	v43 =	vor.u32 $0x5, v2;
	v4 =	vadd.f32 $3.500000000e+00, v4;
	v11 =	vld.idx.msk [tilespmem:v37+s16+$0x0], $0xffff;
	v8 =	vmul.f32 v36, v34  }
0x366: {  	v45 =	vor.u32 $0x6, v1;
	v44 =	vld.idx.msk [tilespmem:v38+s18+$0x0], $0xffff  }
0x367: {  	v46 =	vor.u32 $0x6, v2;
	v13 =	vld.idx.msk [tilespmem:v39+s16+$0x0], $0xffff;
	v3 =	vmul.f32 v5, v3;
	v4 =	vadd.f32 v8, v4  }
0x368: {  	v49 =	vor.u32 $0x7, v2;
	v47 =	vld.idx.msk [tilespmem:v40+s18+$0x0], $0xffff  }
0x369: {  	v48 =	vor.u32 $0x7, v1;
	v9 =	vld.idx.msk [tilespmem:v42+s16+$0x0], $0xffff;
	v50 =	vmul.f32 v41, v7;
	v3 =	vadd.f32 v3, v4  }
0x36a: {  	v53 =	vor.u32 $0x8, v2;
	v51 =	vld.idx.msk [tilespmem:v43+s18+$0x0], $0xffff  }
0x36b: {  	v52 =	vor.u32 $0x8, v1;
	v12 =	vld.idx.msk [tilespmem:v45+s16+$0x0], $0xffff;
	v54 =	vmul.f32 v44, v11;
	v3 =	vadd.f32 v50, v3  }
0x36c: {  	v57 =	vor.u32 $0x9, v2;
	v55 =	vld.idx.msk [tilespmem:v46+s18+$0x0], $0xffff  }
0x36d: {  	v56 =	vor.u32 $0x9, v1;
	v59 =	vld.idx.msk [tilespmem:v49+s18+$0x0], $0xffff;
	v58 =	vmul.f32 v47, v13;
	v3 =	vadd.f32 v54, v3  }
0x36e: {  	v61 =	vor.u32 $0xA, v2;
	v8 =	vld.idx.msk [tilespmem:v48+s16+$0x0], $0xffff  }
0x36f: {  	v60 =	vor.u32 $0xA, v1;
	v63 =	vld.idx.msk [tilespmem:v53+s18+$0x0], $0xffff;
	v62 =	vmul.f32 v51, v9;
	v3 =	vadd.f32 v58, v3  }
0x370: {  	v21 =	vor.u32 $0xB, v2;
	v7 =	vld.idx.msk [tilespmem:v52+s16+$0x0], $0xffff  }
0x371: {  	v20 =	vor.u32 $0xB, v1;
	v23 =	vld.idx.msk [tilespmem:v57+s18+$0x0], $0xffff;
	v22 =	vmul.f32 v55, v12;
	v3 =	vadd.f32 v62, v3  }
0x372: {  	v25 =	vor.u32 $0xC, v2;
	v11 =	vld.idx.msk [tilespmem:v56+s16+$0x0], $0xffff  }
0x373: {  	v24 =	vor.u32 $0xC, v1;
	v27 =	vld.idx.msk [tilespmem:v61+s18+$0x0], $0xffff;
	v26 =	vmul.f32 v59, v8;
	v3 =	vadd.f32 v22, v3  }
0x374: {  	v29 =	vor.u32 $0xD, v2;
	v13 =	vld.idx.msk [tilespmem:v60+s16+$0x0], $0xffff  }
0x375: {  	v28 =	vor.u32 $0xD, v1;
	v31 =	vld.idx.msk [tilespmem:v21+s18+$0x0], $0xffff;
	v30 =	vmul.f32 v63, v7;
	v3 =	vadd.f32 v26, v3  }
0x376: {  	v33 =	vor.u32 $0xE, v2;
	v9 =	vld.idx.msk [tilespmem:v20+s16+$0x0], $0xffff  }
0x377: {  	v32 =	vor.u32 $0xE, v1;
	v35 =	vld.idx.msk [tilespmem:v25+s18+$0x0], $0xffff;
	v34 =	vmul.f32 v23, v11;
	v3 =	vadd.f32 v30, v3  }
0x378: {  	v37 =	vor.u32 $0xF, v2;
	v12 =	vld.idx.msk [tilespmem:v24+s16+$0x0], $0xffff  }
0x379: {  	v39 =	vld.idx.msk [tilespmem:v29+s18+$0x0], $0xffff;
	v36 =	vor.u32 $0xF, v1;
	v38 =	vmul.f32 v27, v13;
	v3 =	vadd.f32 v34, v3  }
0x37a: {  	v40 =	vor.u32 $0x10, v1;
	v8 =	vld.idx.msk [tilespmem:v28+s16+$0x0], $0xffff  }
0x37b: {  	v41 =	vor.u32 $0x10, v2;
	v43 =	vld.idx.msk [tilespmem:v33+s18+$0x0], $0xffff;
	v42 =	vmul.f32 v31, v9;
	v3 =	vadd.f32 v38, v3  }
0x37c: {  	v45 =	vor.u32 $0x11, v2;
	v7 =	vld.idx.msk [tilespmem:v32+s16+$0x0], $0xffff  }
0x37d: {  	v44 =	vor.u32 $0x11, v1;
	v47 =	vld.idx.msk [tilespmem:v37+s18+$0x0], $0xffff;
	v46 =	vmul.f32 v35, v12;
	v3 =	vadd.f32 v42, v3  }
0x37e: {  	v48 =	vor.u32 $0x12, v1;
	v11 =	vld.idx.msk [tilespmem:v36+s16+$0x0], $0xffff  }
0x37f: {  	v49 =	vor.u32 $0x12, v2;
	v13 =	vld.idx.msk [tilespmem:v40+s16+$0x0], $0xffff;
	v50 =	vmul.f32 v39, v8;
	v3 =	vadd.f32 v46, v3  }
0x380: {  	v53 =	vor.u32 $0x13, v2;
	v51 =	vld.idx.msk [tilespmem:v41+s18+$0x0], $0xffff  }
0x381: {  	v52 =	vor.u32 $0x13, v1;
	v55 =	vld.idx.msk [tilespmem:v45+s18+$0x0], $0xffff;
	v54 =	vmul.f32 v43, v7;
	v3 =	vadd.f32 v50, v3  }
0x382: {  	v56 =	vor.u32 $0x14, v1;
	v9 =	vld.idx.msk [tilespmem:v44+s16+$0x0], $0xffff  }
0x383: {  	v57 =	vor.u32 $0x14, v2;
	v12 =	vld.idx.msk [tilespmem:v48+s16+$0x0], $0xffff;
	v58 =	vmul.f32 v47, v11;
	v3 =	vadd.f32 v54, v3  }
0x384: {  	v60 =	vor.u32 $0x15, v1;
	v59 =	vld.idx.msk [tilespmem:v49+s18+$0x0], $0xffff  }
0x385: {  	v61 =	vor.u32 $0x15, v2;
	v63 =	vld.idx.msk [tilespmem:v53+s18+$0x0], $0xffff;
	v62 =	vmul.f32 v51, v13;
	v3 =	vadd.f32 v58, v3  }
0x386: {  	v19 =	vor.u32 $0x16, v1;
	v8 =	vld.idx.msk [tilespmem:v52+s16+$0x0], $0xffff  }
0x387: {  	v20 =	vor.u32 $0x16, v2;
	v7 =	vld.idx.msk [tilespmem:v56+s16+$0x0], $0xffff;
	v21 =	vmul.f32 v55, v9;
	v3 =	vadd.f32 v62, v3  }
0x388: {  	v23 =	vor.u32 $0x17, v1;
	v22 =	vld.idx.msk [tilespmem:v57+s18+$0x0], $0xffff  }
0x389: {  	v24 =	vor.u32 $0x17, v2;
	v11 =	vld.idx.msk [tilespmem:v60+s16+$0x0], $0xffff;
	v25 =	vmul.f32 v59, v12;
	v3 =	vadd.f32 v21, v3  }
0x38a: {  	v27 =	vor.u32 $0x18, v1;
	v26 =	vld.idx.msk [tilespmem:v61+s18+$0x0], $0xffff  }
0x38b: {  	v28 =	vor.u32 $0x18, v2;
	v13 =	vld.idx.msk [tilespmem:v19+s16+$0x0], $0xffff;
	v29 =	vmul.f32 v63, v8;
	v3 =	vadd.f32 v25, v3  }
0x38c: {  	v31 =	vor.u32 $0x19, v1;
	v30 =	vld.idx.msk [tilespmem:v20+s18+$0x0], $0xffff  }
0x38d: {  	v32 =	vor.u32 $0x19, v2;
	v9 =	vld.idx.msk [tilespmem:v23+s16+$0x0], $0xffff;
	v33 =	vmul.f32 v22, v7;
	v3 =	vadd.f32 v29, v3  }
0x38e: {  	v35 =	vor.u32 $0x1A, v1;
	v34 =	vld.idx.msk [tilespmem:v24+s18+$0x0], $0xffff  }
0x38f: {  	v36 =	vor.u32 $0x1A, v2;
	v12 =	vld.idx.msk [tilespmem:v27+s16+$0x0], $0xffff;
	v37 =	vmul.f32 v26, v11;
	v3 =	vadd.f32 v33, v3  }
0x390: {  	v39 =	vor.u32 $0x1B, v1;
	v38 =	vld.idx.msk [tilespmem:v28+s18+$0x0], $0xffff  }
0x391: {  	v40 =	vor.u32 $0x1B, v2;
	v8 =	vld.idx.msk [tilespmem:v31+s16+$0x0], $0xffff;
	v41 =	vmul.f32 v30, v13;
	v3 =	vadd.f32 v37, v3  }
0x392: {  	v43 =	vor.u32 $0x1C, v1;
	v42 =	vld.idx.msk [tilespmem:v32+s18+$0x0], $0xffff  }
0x393: {  	v44 =	vor.u32 $0x1C, v2;
	v7 =	vld.idx.msk [tilespmem:v35+s16+$0x0], $0xffff;
	v45 =	vmul.f32 v34, v9;
	v3 =	vadd.f32 v41, v3  }
0x394: {  	v48 =	vor.u32 $0x1D, v2;
	v46 =	vld.idx.msk [tilespmem:v36+s18+$0x0], $0xffff  }
0x395: {  	v47 =	vor.u32 $0x1D, v1;
	v11 =	vld.idx.msk [tilespmem:v39+s16+$0x0], $0xffff;
	v49 =	vmul.f32 v38, v12;
	v3 =	vadd.f32 v45, v3  }
0x396: {  	v52 =	vor.u32 $0x1E, v2;
	v50 =	vld.idx.msk [tilespmem:v40+s18+$0x0], $0xffff  }
0x397: {  	v51 =	vor.u32 $0x1E, v1;
	v13 =	vld.idx.msk [tilespmem:v43+s16+$0x0], $0xffff;
	v53 =	vmul.f32 v42, v8;
	v3 =	vadd.f32 v49, v3  }
0x398: {  	v1 =	vor.u32 $0x1F, v1;
	v54 =	vld.idx.msk [tilespmem:v44+s18+$0x0], $0xffff  }
0x399: {  	v2 =	vor.u32 $0x1F, v2;
	v57 =	vld.idx.msk [tilespmem:v48+s18+$0x0], $0xffff;
	v56 =	vmul.f32 v46, v7;
	v3 =	vadd.f32 v53, v3  }
0x39a: {  	v55 =	vld.idx.msk [tilespmem:v47+s16+$0x0], $0xffff  }
0x39b: {  	v60 =	vld.idx.msk [tilespmem:v52+s18+$0x0], $0xffff;
	v59 =	vmul.f32 v50, v11;
	v3 =	vadd.f32 v56, v3  }
0x39c: {  	v58 =	vld.idx.msk [tilespmem:v51+s16+$0x0], $0xffff  }
0x39d: {  	v1 =	vld.idx.msk [tilespmem:v1+s16+$0x0], $0xffff;
	v61 =	vmul.f32 v54, v13;
	v3 =	vadd.f32 v59, v3  }
0x39e: {  	v2 =	vld.idx.msk [tilespmem:v2+s18+$0x0], $0xffff  }
0x39f: {  	v62 =	vmul.f32 v57, v55;
	v3 =	vadd.f32 v61, v3;
	_ =	sdelay $0x1  }
0x3a0: {  	v63 =	vmul.f32 v60, v58;
	v3 =	vadd.f32 v62, v3;
	_ =	sdelay $0x1  }
0x3a1: {  	v1 =	vmul.f32 v2, v1;
	v3 =	vadd.f32 v63, v3;
	_ =	sdelay $0x1  }
0x3a2: {  	v1 =	vadd.f32 v1, v3  }
0x3a3: {  	s31 =	simm.s32 $0x8A80  }
0x3a4: {  	s0 =	simm.s32 $0x190;
	[tilespmem:s31+$0x0] =	vst v1  }
0x3a5: {  	s3 =	simm.s32 $0x390;
	v1 =	vld [tilespmem:s0+$0x0]  }
0x3a6: {  	s15 =	simm.s32 $0x20;
	s14 =	simm.s32 $0x10;
	v2 =	vld [tilespmem:s3+$0x0]  }
.LBB2_10:
0x3a7: {  	p0 =	sne.s32 s15, $0x70;
	_ =	sdelay $0x1  }
0x3a8: {  	v3 =	vmov s14;
	s14 =	smov.u32 s15  }
0x3a9: {  	v3 =	vshll.u32 v3, $0x7;
	v1 =	vshra.s32 v1, $0xD  }
0x3aa: {  	v3 =	vor.u32 v0, v3;
	v2 =	vshra.s32 v2, $0xD;
	v4 =	vand.u32 $0xFFFFFF80, v1  }
0x3ab: {  	v1 =	vand.u32 $0x60, v1;
	v4 =	vadd.s32 v3, v4;
	v5 =	vand.u32 $0xFFFFFF80, v2  }
0x3ac: {  	v2 =	vand.u32 $0x60, v2;
	v1 =	vor.u32 v1, v4;
	v3 =	vadd.s32 v3, v5  }
0x3ad: {  	v2 =	vor.u32 v2, v3  }
0x3ae: {  	s29 =	sadd.s32 $0x10, s29;
	v3 =	vor.u32 $0x1, v1  }
0x3af: {  	s30 =	sadd.s32 $0x10, s30;
	v5 =	vor.u32 $0x1, v2;
	v4 =	vld [tilespmem:s29+$0x0]  }
0x3b0: {  	v7 =	vor.u32 $0x2, v1;
	v6 =	vld [tilespmem:s30+$0x0]  }
0x3b1: {  	v9 =	vor.u32 $0x2, v2;
	v8 =	vld.idx.msk [tilespmem:v1+s16+$0x0], $0xffff  }
0x3b2: {  	v11 =	vor.u32 $0x3, v1;
	v10 =	vld.idx.msk [tilespmem:v2+s18+$0x0], $0xffff  }
0x3b3: {  	v12 =	vor.u32 $0x3, v2;
	v3 =	vld.idx.msk [tilespmem:v3+s16+$0x0], $0xffff  }
0x3b4: {  	v13 =	vor.u32 $0x4, v1;
	v5 =	vld.idx.msk [tilespmem:v5+s18+$0x0], $0xffff  }
0x3b5: {  	v14 =	vor.u32 $0x4, v2;
	v7 =	vld.idx.msk [tilespmem:v7+s16+$0x0], $0xffff  }
0x3b6: {  	v4 =	vadd.f32 v6, v4;
	v6 =	vld.idx.msk [tilespmem:v9+s18+$0x0], $0xffff;
	v9 =	vor.u32 $0x5, v1  }
0x3b7: {  	v15 =	vor.u32 $0x5, v2;
	v11 =	vld.idx.msk [tilespmem:v11+s16+$0x0], $0xffff  }
0x3b8: {  	v4 =	vadd.f32 $3.500000000e+00, v4;
	v8 =	vmul.f32 v10, v8;
	v10 =	vld.idx.msk [tilespmem:v12+s18+$0x0], $0xffff;
	v12 =	vor.u32 $0x6, v1  }
0x3b9: {  	v16 =	vor.u32 $0x6, v2;
	v13 =	vld.idx.msk [tilespmem:v13+s16+$0x0], $0xffff  }
0x3ba: {  	v4 =	vadd.f32 v8, v4;
	v3 =	vmul.f32 v5, v3;
	v8 =	vor.u32 $0x7, v1;
	v5 =	vld.idx.msk [tilespmem:v14+s18+$0x0], $0xffff  }
0x3bb: {  	v14 =	vor.u32 $0x7, v2;
	v9 =	vld.idx.msk [tilespmem:v9+s16+$0x0], $0xffff  }
0x3bc: {  	v3 =	vadd.f32 v3, v4;
	v4 =	vmul.f32 v6, v7;
	v7 =	vor.u32 $0x8, v1;
	v6 =	vld.idx.msk [tilespmem:v15+s18+$0x0], $0xffff  }
0x3bd: {  	v15 =	vor.u32 $0x8, v2;
	v12 =	vld.idx.msk [tilespmem:v12+s16+$0x0], $0xffff  }
0x3be: {  	v3 =	vadd.f32 v4, v3;
	v4 =	vmul.f32 v10, v11;
	v11 =	vor.u32 $0x9, v1;
	v10 =	vld.idx.msk [tilespmem:v16+s18+$0x0], $0xffff  }
0x3bf: {  	v16 =	vor.u32 $0x9, v2;
	v8 =	vld.idx.msk [tilespmem:v8+s16+$0x0], $0xffff  }
0x3c0: {  	v3 =	vadd.f32 v4, v3;
	v4 =	vmul.f32 v5, v13;
	v13 =	vor.u32 $0xA, v1;
	v5 =	vld.idx.msk [tilespmem:v14+s18+$0x0], $0xffff  }
0x3c1: {  	v14 =	vor.u32 $0xA, v2;
	v7 =	vld.idx.msk [tilespmem:v7+s16+$0x0], $0xffff  }
0x3c2: {  	v3 =	vadd.f32 v4, v3;
	v4 =	vmul.f32 v6, v9;
	v9 =	vor.u32 $0xB, v1;
	v6 =	vld.idx.msk [tilespmem:v15+s18+$0x0], $0xffff  }
0x3c3: {  	v15 =	vor.u32 $0xB, v2;
	v11 =	vld.idx.msk [tilespmem:v11+s16+$0x0], $0xffff  }
0x3c4: {  	v3 =	vadd.f32 v4, v3;
	v4 =	vmul.f32 v10, v12;
	v12 =	vor.u32 $0xC, v1;
	v10 =	vld.idx.msk [tilespmem:v16+s18+$0x0], $0xffff  }
0x3c5: {  	v16 =	vor.u32 $0xC, v2;
	v13 =	vld.idx.msk [tilespmem:v13+s16+$0x0], $0xffff  }
0x3c6: {  	v3 =	vadd.f32 v4, v3;
	v4 =	vmul.f32 v5, v8;
	v8 =	vor.u32 $0xD, v1;
	v5 =	vld.idx.msk [tilespmem:v14+s18+$0x0], $0xffff  }
0x3c7: {  	v14 =	vor.u32 $0xD, v2;
	v9 =	vld.idx.msk [tilespmem:v9+s16+$0x0], $0xffff  }
0x3c8: {  	v3 =	vadd.f32 v4, v3;
	v4 =	vmul.f32 v6, v7;
	v7 =	vor.u32 $0xE, v1;
	v6 =	vld.idx.msk [tilespmem:v15+s18+$0x0], $0xffff  }
0x3c9: {  	v15 =	vor.u32 $0xE, v2;
	v12 =	vld.idx.msk [tilespmem:v12+s16+$0x0], $0xffff  }
0x3ca: {  	v3 =	vadd.f32 v4, v3;
	v4 =	vmul.f32 v10, v11;
	v11 =	vor.u32 $0xF, v1;
	v10 =	vld.idx.msk [tilespmem:v16+s18+$0x0], $0xffff  }
0x3cb: {  	v16 =	vor.u32 $0xF, v2;
	v8 =	vld.idx.msk [tilespmem:v8+s16+$0x0], $0xffff  }
0x3cc: {  	v3 =	vadd.f32 v4, v3;
	v4 =	vmul.f32 v5, v13;
	v13 =	vor.u32 $0x10, v1;
	v5 =	vld.idx.msk [tilespmem:v14+s18+$0x0], $0xffff  }
0x3cd: {  	v14 =	vor.u32 $0x10, v2;
	v7 =	vld.idx.msk [tilespmem:v7+s16+$0x0], $0xffff  }
0x3ce: {  	v3 =	vadd.f32 v4, v3;
	v4 =	vmul.f32 v6, v9;
	v9 =	vor.u32 $0x11, v1;
	v6 =	vld.idx.msk [tilespmem:v15+s18+$0x0], $0xffff  }
0x3cf: {  	v15 =	vor.u32 $0x11, v2;
	v11 =	vld.idx.msk [tilespmem:v11+s16+$0x0], $0xffff  }
0x3d0: {  	v3 =	vadd.f32 v4, v3;
	v4 =	vmul.f32 v10, v12;
	v12 =	vor.u32 $0x12, v1;
	v10 =	vld.idx.msk [tilespmem:v16+s18+$0x0], $0xffff  }
0x3d1: {  	v16 =	vor.u32 $0x12, v2;
	v13 =	vld.idx.msk [tilespmem:v13+s16+$0x0], $0xffff  }
0x3d2: {  	v3 =	vadd.f32 v4, v3;
	v4 =	vmul.f32 v5, v8;
	v8 =	vor.u32 $0x13, v1;
	v5 =	vld.idx.msk [tilespmem:v14+s18+$0x0], $0xffff  }
0x3d3: {  	v14 =	vor.u32 $0x13, v2;
	v9 =	vld.idx.msk [tilespmem:v9+s16+$0x0], $0xffff  }
0x3d4: {  	v3 =	vadd.f32 v4, v3;
	v4 =	vmul.f32 v6, v7;
	v7 =	vor.u32 $0x14, v1;
	v6 =	vld.idx.msk [tilespmem:v15+s18+$0x0], $0xffff  }
0x3d5: {  	v15 =	vor.u32 $0x14, v2;
	v12 =	vld.idx.msk [tilespmem:v12+s16+$0x0], $0xffff  }
0x3d6: {  	v3 =	vadd.f32 v4, v3;
	v4 =	vmul.f32 v10, v11;
	v11 =	vor.u32 $0x15, v1;
	v10 =	vld.idx.msk [tilespmem:v16+s18+$0x0], $0xffff  }
0x3d7: {  	v16 =	vor.u32 $0x15, v2;
	v8 =	vld.idx.msk [tilespmem:v8+s16+$0x0], $0xffff  }
0x3d8: {  	v3 =	vadd.f32 v4, v3;
	v4 =	vmul.f32 v5, v13;
	v13 =	vor.u32 $0x16, v1;
	v5 =	vld.idx.msk [tilespmem:v14+s18+$0x0], $0xffff  }
0x3d9: {  	v14 =	vor.u32 $0x16, v2;
	v7 =	vld.idx.msk [tilespmem:v7+s16+$0x0], $0xffff  }
0x3da: {  	v3 =	vadd.f32 v4, v3;
	v4 =	vmul.f32 v6, v9;
	v9 =	vor.u32 $0x17, v1;
	v6 =	vld.idx.msk [tilespmem:v15+s18+$0x0], $0xffff  }
0x3db: {  	v15 =	vor.u32 $0x17, v2;
	v11 =	vld.idx.msk [tilespmem:v11+s16+$0x0], $0xffff  }
0x3dc: {  	v3 =	vadd.f32 v4, v3;
	v4 =	vmul.f32 v10, v12;
	v12 =	vor.u32 $0x18, v1;
	v10 =	vld.idx.msk [tilespmem:v16+s18+$0x0], $0xffff  }
0x3dd: {  	v16 =	vor.u32 $0x18, v2;
	v13 =	vld.idx.msk [tilespmem:v13+s16+$0x0], $0xffff  }
0x3de: {  	v3 =	vadd.f32 v4, v3;
	v4 =	vmul.f32 v5, v8;
	v8 =	vor.u32 $0x19, v1;
	v5 =	vld.idx.msk [tilespmem:v14+s18+$0x0], $0xffff  }
0x3df: {  	v14 =	vor.u32 $0x19, v2;
	v9 =	vld.idx.msk [tilespmem:v9+s16+$0x0], $0xffff  }
0x3e0: {  	v3 =	vadd.f32 v4, v3;
	v4 =	vmul.f32 v6, v7;
	v7 =	vor.u32 $0x1A, v1;
	v6 =	vld.idx.msk [tilespmem:v15+s18+$0x0], $0xffff  }
0x3e1: {  	v15 =	vor.u32 $0x1A, v2;
	v12 =	vld.idx.msk [tilespmem:v12+s16+$0x0], $0xffff  }
0x3e2: {  	v3 =	vadd.f32 v4, v3;
	v4 =	vmul.f32 v10, v11;
	v11 =	vor.u32 $0x1B, v1;
	v10 =	vld.idx.msk [tilespmem:v16+s18+$0x0], $0xffff  }
0x3e3: {  	v16 =	vor.u32 $0x1B, v2;
	v8 =	vld.idx.msk [tilespmem:v8+s16+$0x0], $0xffff  }
0x3e4: {  	v3 =	vadd.f32 v4, v3;
	v4 =	vmul.f32 v5, v13;
	v13 =	vor.u32 $0x1C, v1;
	v5 =	vld.idx.msk [tilespmem:v14+s18+$0x0], $0xffff  }
0x3e5: {  	v14 =	vor.u32 $0x1C, v2;
	v7 =	vld.idx.msk [tilespmem:v7+s16+$0x0], $0xffff  }
0x3e6: {  	v3 =	vadd.f32 v4, v3;
	v4 =	vmul.f32 v6, v9;
	v9 =	vor.u32 $0x1D, v1;
	v6 =	vld.idx.msk [tilespmem:v15+s18+$0x0], $0xffff  }
0x3e7: {  	v15 =	vor.u32 $0x1D, v2;
	v11 =	vld.idx.msk [tilespmem:v11+s16+$0x0], $0xffff  }
0x3e8: {  	v3 =	vadd.f32 v4, v3;
	v4 =	vmul.f32 v10, v12;
	v12 =	vor.u32 $0x1E, v1;
	v10 =	vld.idx.msk [tilespmem:v16+s18+$0x0], $0xffff  }
0x3e9: {  	v16 =	vor.u32 $0x1E, v2;
	v13 =	vld.idx.msk [tilespmem:v13+s16+$0x0], $0xffff  }
0x3ea: {  	v1 =	vor.u32 $0x1F, v1;
	v3 =	vadd.f32 v4, v3;
	v4 =	vmul.f32 v5, v8;
	v5 =	vld.idx.msk [tilespmem:v14+s18+$0x0], $0xffff  }
0x3eb: {  	v2 =	vor.u32 $0x1F, v2;
	v8 =	vld.idx.msk [tilespmem:v9+s16+$0x0], $0xffff  }
0x3ec: {  	v3 =	vadd.f32 v4, v3;
	v4 =	vmul.f32 v6, v7;
	v6 =	vld.idx.msk [tilespmem:v15+s18+$0x0], $0xffff  }
0x3ed: {  	v7 =	vld.idx.msk [tilespmem:v12+s16+$0x0], $0xffff  }
0x3ee: {  	v3 =	vadd.f32 v4, v3;
	v4 =	vmul.f32 v10, v11;
	v9 =	vld.idx.msk [tilespmem:v16+s18+$0x0], $0xffff  }
0x3ef: {  	v1 =	vld.idx.msk [tilespmem:v1+s16+$0x0], $0xffff  }
0x3f0: {  	v3 =	vadd.f32 v4, v3;
	v4 =	vmul.f32 v5, v13;
	v2 =	vld.idx.msk [tilespmem:v2+s18+$0x0], $0xffff;
	_ =	sdelay $0x1  }
0x3f1: {  	v3 =	vadd.f32 v4, v3;
	v4 =	vmul.f32 v6, v8;
	_ =	sdelay $0x1  }
0x3f2: {  	v3 =	vadd.f32 v4, v3;
	v4 =	vmul.f32 v9, v7;
	_ =	sdelay $0x1  }
0x3f3: {  	v3 =	vadd.f32 v4, v3;
	v1 =	vmul.f32 v2, v1;
	_ =	sdelay $0x1  }
.Ltmp4:
0x3f4: {  	v1 =	vadd.f32 v1, v3;
	(pc) =	sbr.rel @p0 .LBB2_10-.Ltmp4, $4  }
0x3f5: {  	s31 =	sadd.s32 $0x10, s31  }
0x3f6: {  	s0 =	sadd.s32 $0x10, s0;
	[tilespmem:s31+$0x0] =	vst v1  }
0x3f7: {  	s3 =	sadd.s32 $0x10, s3;
	v1 =	vld [tilespmem:s0+$0x0]  }
0x3f8: {  	s15 =	sadd.s32 $0x10, s15;
	v2 =	vld [tilespmem:s3+$0x0]  }
0x3f9: {  	_ =	sdelay $0x1  }
0x3fa: {  	v3 =	vmov s14  }
0x3fb: {  	v3 =	vshll.u32 v3, $0x7;
	v1 =	vshra.s32 v1, $0xD  }
0x3fc: {  	v3 =	vor.u32 v0, v3;
	v2 =	vshra.s32 v2, $0xD;
	v4 =	vand.u32 $0xFFFFFF80, v1  }
0x3fd: {  	v1 =	vand.u32 $0x60, v1;
	v4 =	vadd.s32 v3, v4;
	v5 =	vand.u32 $0xFFFFFF80, v2  }
0x3fe: {  	v2 =	vand.u32 $0x60, v2;
	v1 =	vor.u32 v1, v4;
	v3 =	vadd.s32 v3, v5  }
0x3ff: {  	v2 =	vor.u32 v2, v3  }
0x400: {  	s0 =	sadd.s32 $0x10, s29;
	v3 =	vor.u32 $0x1, v1  }
0x401: {  	s30 =	sadd.s32 $0x10, s30;
	v41 =	vld [tilespmem:s0+$0x0];
	v42 =	vor.u32 $0x1, v2  }
0x402: {  	v6 =	vld [tilespmem:s30+$0x0];
	v7 =	vor.u32 $0x2, v1  }
0x403: {  	v9 =	vor.u32 $0x2, v2;
	v8 =	vld.idx.msk [tilespmem:v1+s16+$0x0], $0xffff  }
0x404: {  	v11 =	vor.u32 $0x3, v1;
	v10 =	vld.idx.msk [tilespmem:v2+s18+$0x0], $0xffff  }
0x405: {  	v12 =	vor.u32 $0x3, v2;
	v3 =	vld.idx.msk [tilespmem:v3+s16+$0x0], $0xffff  }
0x406: {  	v13 =	vor.u32 $0x4, v1;
	v5 =	vld.idx.msk [tilespmem:v42+s18+$0x0], $0xffff  }
0x407: {  	v4 =	vadd.f32 v6, v41;
	v14 =	vor.u32 $0x4, v2;
	v7 =	vld.idx.msk [tilespmem:v7+s16+$0x0], $0xffff  }
0x408: {  	v44 =	vor.u32 $0x5, v1;
	v43 =	vld.idx.msk [tilespmem:v9+s18+$0x0], $0xffff  }
0x409: {  	v15 =	vor.u32 $0x5, v2;
	v4 =	vadd.f32 $3.500000000e+00, v4;
	v11 =	vld.idx.msk [tilespmem:v11+s16+$0x0], $0xffff;
	v8 =	vmul.f32 v10, v8  }
0x40a: {  	v46 =	vor.u32 $0x6, v1;
	v45 =	vld.idx.msk [tilespmem:v12+s18+$0x0], $0xffff  }
0x40b: {  	v16 =	vor.u32 $0x6, v2;
	v13 =	vld.idx.msk [tilespmem:v13+s16+$0x0], $0xffff;
	v3 =	vmul.f32 v5, v3;
	v4 =	vadd.f32 v8, v4  }
0x40c: {  	v49 =	vor.u32 $0x7, v2;
	v47 =	vld.idx.msk [tilespmem:v14+s18+$0x0], $0xffff  }
0x40d: {  	v48 =	vor.u32 $0x7, v1;
	v9 =	vld.idx.msk [tilespmem:v44+s16+$0x0], $0xffff;
	v50 =	vmul.f32 v43, v7;
	v3 =	vadd.f32 v3, v4  }
0x40e: {  	v53 =	vor.u32 $0x8, v2;
	v51 =	vld.idx.msk [tilespmem:v15+s18+$0x0], $0xffff  }
0x40f: {  	v52 =	vor.u32 $0x8, v1;
	v12 =	vld.idx.msk [tilespmem:v46+s16+$0x0], $0xffff;
	v54 =	vmul.f32 v45, v11;
	v3 =	vadd.f32 v50, v3  }
0x410: {  	v57 =	vor.u32 $0x9, v2;
	v55 =	vld.idx.msk [tilespmem:v16+s18+$0x0], $0xffff  }
0x411: {  	v56 =	vor.u32 $0x9, v1;
	v59 =	vld.idx.msk [tilespmem:v49+s18+$0x0], $0xffff;
	v58 =	vmul.f32 v47, v13;
	v3 =	vadd.f32 v54, v3  }
0x412: {  	v61 =	vor.u32 $0xA, v2;
	v8 =	vld.idx.msk [tilespmem:v48+s16+$0x0], $0xffff  }
0x413: {  	v60 =	vor.u32 $0xA, v1;
	v63 =	vld.idx.msk [tilespmem:v53+s18+$0x0], $0xffff;
	v62 =	vmul.f32 v51, v9;
	v3 =	vadd.f32 v58, v3  }
0x414: {  	v21 =	vor.u32 $0xB, v2;
	v7 =	vld.idx.msk [tilespmem:v52+s16+$0x0], $0xffff  }
0x415: {  	v20 =	vor.u32 $0xB, v1;
	v23 =	vld.idx.msk [tilespmem:v57+s18+$0x0], $0xffff;
	v22 =	vmul.f32 v55, v12;
	v3 =	vadd.f32 v62, v3  }
0x416: {  	v25 =	vor.u32 $0xC, v2;
	v11 =	vld.idx.msk [tilespmem:v56+s16+$0x0], $0xffff  }
0x417: {  	v24 =	vor.u32 $0xC, v1;
	v27 =	vld.idx.msk [tilespmem:v61+s18+$0x0], $0xffff;
	v26 =	vmul.f32 v59, v8;
	v3 =	vadd.f32 v22, v3  }
0x418: {  	v29 =	vor.u32 $0xD, v2;
	v13 =	vld.idx.msk [tilespmem:v60+s16+$0x0], $0xffff  }
0x419: {  	v28 =	vor.u32 $0xD, v1;
	v31 =	vld.idx.msk [tilespmem:v21+s18+$0x0], $0xffff;
	v30 =	vmul.f32 v63, v7;
	v3 =	vadd.f32 v26, v3  }
0x41a: {  	v33 =	vor.u32 $0xE, v2;
	v9 =	vld.idx.msk [tilespmem:v20+s16+$0x0], $0xffff  }
0x41b: {  	v32 =	vor.u32 $0xE, v1;
	v35 =	vld.idx.msk [tilespmem:v25+s18+$0x0], $0xffff;
	v34 =	vmul.f32 v23, v11;
	v3 =	vadd.f32 v30, v3  }
0x41c: {  	v37 =	vor.u32 $0xF, v2;
	v12 =	vld.idx.msk [tilespmem:v24+s16+$0x0], $0xffff  }
0x41d: {  	v36 =	vor.u32 $0xF, v1;
	v39 =	vld.idx.msk [tilespmem:v29+s18+$0x0], $0xffff;
	v38 =	vmul.f32 v27, v13;
	v3 =	vadd.f32 v34, v3  }
0x41e: {  	v41 =	vor.u32 $0x10, v2;
	v8 =	vld.idx.msk [tilespmem:v28+s16+$0x0], $0xffff  }
0x41f: {  	v40 =	vor.u32 $0x10, v1;
	v43 =	vld.idx.msk [tilespmem:v33+s18+$0x0], $0xffff;
	v42 =	vmul.f32 v31, v9;
	v3 =	vadd.f32 v38, v3  }
0x420: {  	v44 =	vor.u32 $0x11, v1;
	v7 =	vld.idx.msk [tilespmem:v32+s16+$0x0], $0xffff  }
0x421: {  	v45 =	vor.u32 $0x11, v2;
	v47 =	vld.idx.msk [tilespmem:v37+s18+$0x0], $0xffff;
	v46 =	vmul.f32 v35, v12;
	v3 =	vadd.f32 v42, v3  }
0x422: {  	v48 =	vor.u32 $0x12, v1;
	v11 =	vld.idx.msk [tilespmem:v36+s16+$0x0], $0xffff  }
0x423: {  	v49 =	vor.u32 $0x12, v2;
	v51 =	vld.idx.msk [tilespmem:v41+s18+$0x0], $0xffff;
	v50 =	vmul.f32 v39, v8;
	v3 =	vadd.f32 v46, v3  }
0x424: {  	v53 =	vor.u32 $0x13, v2;
	v13 =	vld.idx.msk [tilespmem:v40+s16+$0x0], $0xffff  }
0x425: {  	v52 =	vor.u32 $0x13, v1;
	v9 =	vld.idx.msk [tilespmem:v44+s16+$0x0], $0xffff;
	v54 =	vmul.f32 v43, v7;
	v3 =	vadd.f32 v50, v3  }
0x426: {  	v56 =	vor.u32 $0x14, v1;
	v55 =	vld.idx.msk [tilespmem:v45+s18+$0x0], $0xffff  }
0x427: {  	v57 =	vor.u32 $0x14, v2;
	v12 =	vld.idx.msk [tilespmem:v48+s16+$0x0], $0xffff;
	v58 =	vmul.f32 v47, v11;
	v3 =	vadd.f32 v54, v3  }
0x428: {  	v60 =	vor.u32 $0x15, v1;
	v59 =	vld.idx.msk [tilespmem:v49+s18+$0x0], $0xffff  }
0x429: {  	v61 =	vor.u32 $0x15, v2;
	v63 =	vld.idx.msk [tilespmem:v53+s18+$0x0], $0xffff;
	v62 =	vmul.f32 v51, v13;
	v3 =	vadd.f32 v58, v3  }
0x42a: {  	v19 =	vor.u32 $0x16, v1;
	v8 =	vld.idx.msk [tilespmem:v52+s16+$0x0], $0xffff  }
0x42b: {  	v20 =	vor.u32 $0x16, v2;
	v7 =	vld.idx.msk [tilespmem:v56+s16+$0x0], $0xffff;
	v21 =	vmul.f32 v55, v9;
	v3 =	vadd.f32 v62, v3  }
0x42c: {  	v23 =	vor.u32 $0x17, v1;
	v22 =	vld.idx.msk [tilespmem:v57+s18+$0x0], $0xffff  }
0x42d: {  	v24 =	vor.u32 $0x17, v2;
	v11 =	vld.idx.msk [tilespmem:v60+s16+$0x0], $0xffff;
	v25 =	vmul.f32 v59, v12;
	v3 =	vadd.f32 v21, v3  }
0x42e: {  	v27 =	vor.u32 $0x18, v1;
	v26 =	vld.idx.msk [tilespmem:v61+s18+$0x0], $0xffff  }
0x42f: {  	v28 =	vor.u32 $0x18, v2;
	v13 =	vld.idx.msk [tilespmem:v19+s16+$0x0], $0xffff;
	v29 =	vmul.f32 v63, v8;
	v3 =	vadd.f32 v25, v3  }
0x430: {  	v31 =	vor.u32 $0x19, v1;
	v30 =	vld.idx.msk [tilespmem:v20+s18+$0x0], $0xffff  }
0x431: {  	v32 =	vor.u32 $0x19, v2;
	v9 =	vld.idx.msk [tilespmem:v23+s16+$0x0], $0xffff;
	v33 =	vmul.f32 v22, v7;
	v3 =	vadd.f32 v29, v3  }
0x432: {  	v35 =	vor.u32 $0x1A, v1;
	v34 =	vld.idx.msk [tilespmem:v24+s18+$0x0], $0xffff  }
0x433: {  	v36 =	vor.u32 $0x1A, v2;
	v12 =	vld.idx.msk [tilespmem:v27+s16+$0x0], $0xffff;
	v37 =	vmul.f32 v26, v11;
	v3 =	vadd.f32 v33, v3  }
0x434: {  	v39 =	vor.u32 $0x1B, v1;
	v38 =	vld.idx.msk [tilespmem:v28+s18+$0x0], $0xffff  }
0x435: {  	v40 =	vor.u32 $0x1B, v2;
	v8 =	vld.idx.msk [tilespmem:v31+s16+$0x0], $0xffff;
	v41 =	vmul.f32 v30, v13;
	v3 =	vadd.f32 v37, v3  }
0x436: {  	v43 =	vor.u32 $0x1C, v1;
	v42 =	vld.idx.msk [tilespmem:v32+s18+$0x0], $0xffff  }
0x437: {  	v44 =	vor.u32 $0x1C, v2;
	v7 =	vld.idx.msk [tilespmem:v35+s16+$0x0], $0xffff;
	v45 =	vmul.f32 v34, v9;
	v3 =	vadd.f32 v41, v3  }
0x438: {  	v48 =	vor.u32 $0x1D, v2;
	v46 =	vld.idx.msk [tilespmem:v36+s18+$0x0], $0xffff  }
0x439: {  	v47 =	vor.u32 $0x1D, v1;
	v11 =	vld.idx.msk [tilespmem:v39+s16+$0x0], $0xffff;
	v49 =	vmul.f32 v38, v12;
	v3 =	vadd.f32 v45, v3  }
0x43a: {  	v52 =	vor.u32 $0x1E, v2;
	v50 =	vld.idx.msk [tilespmem:v40+s18+$0x0], $0xffff  }
0x43b: {  	v51 =	vor.u32 $0x1E, v1;
	v13 =	vld.idx.msk [tilespmem:v43+s16+$0x0], $0xffff;
	v53 =	vmul.f32 v42, v8;
	v3 =	vadd.f32 v49, v3  }
0x43c: {  	v1 =	vor.u32 $0x1F, v1;
	v54 =	vld.idx.msk [tilespmem:v44+s18+$0x0], $0xffff  }
0x43d: {  	v2 =	vor.u32 $0x1F, v2;
	v57 =	vld.idx.msk [tilespmem:v48+s18+$0x0], $0xffff;
	v56 =	vmul.f32 v46, v7;
	v3 =	vadd.f32 v53, v3  }
0x43e: {  	v55 =	vld.idx.msk [tilespmem:v47+s16+$0x0], $0xffff  }
0x43f: {  	v60 =	vld.idx.msk [tilespmem:v52+s18+$0x0], $0xffff;
	v59 =	vmul.f32 v50, v11;
	v3 =	vadd.f32 v56, v3  }
0x440: {  	v58 =	vld.idx.msk [tilespmem:v51+s16+$0x0], $0xffff  }
0x441: {  	v1 =	vld.idx.msk [tilespmem:v1+s16+$0x0], $0xffff;
	v61 =	vmul.f32 v54, v13;
	v3 =	vadd.f32 v59, v3  }
0x442: {  	v2 =	vld.idx.msk [tilespmem:v2+s18+$0x0], $0xffff  }
0x443: {  	v62 =	vmul.f32 v57, v55;
	v3 =	vadd.f32 v61, v3;
	_ =	sdelay $0x1  }
0x444: {  	v63 =	vmul.f32 v60, v58;
	v3 =	vadd.f32 v62, v3;
	_ =	sdelay $0x1  }
0x445: {  	v1 =	vmul.f32 v2, v1;
	v3 =	vadd.f32 v63, v3;
	_ =	sdelay $0x1  }
0x446: {  	s28 =	sadd.s32 $0x1, s28;
	v1 =	vadd.f32 v1, v3  }
0x447: {  	s31 =	sadd.s32 $0x10, s31;
	p0 =	sne.s32 s28, s9  }
.Ltmp5:
0x448: {  	[tilespmem:s31+$0x0] =	vst v1;
	(pc) =	sbr.rel @p0 .LBB2_1-.Ltmp5, $4  }
0x449: {  	[hbm4b:s8+s4] =	stream.linear.scatter [tilespmem:s26], [sflag:$0x2], $0x200, $0x38;
	[tilespmem:$0x8B00] =	vst v63  }
0x44a: {  	_ =	swait.ge [sflag:s12], $0x200  }
0x44b: {  	[sflag:s12] =	ssyncset.done $0x0  }
0x44c: {  	[sflag:s12] =	ssyncadd.s32 $0xFFFFFE00  }
0x44d: {  	_ =	sfence.sel $0x180000  }
0x44e: {  	[bflag:$0x0] =	sbarrier.arrive $0xFFFF  }
0x44f: {  	_ =	strace $0x90000047  }
0x450: {  	s0 =	stileid.u32;
	[bflag:$0x2] =	sbarrier.arrive $0xFFFF  }
0x451: {  	p0 =	sne.s32 s0, $0x0;
	s0 =	rddreg [dreg:$0x5]  }
0x452: {  	s0 =	sadd.s32 @!p0 $0x100000, s0  }
0x453: {  	[sflag:s0] =	ssyncadd.tile.s32 @!p0 $0x1;
	_ =	shalt  }
.Lfunc_end2:
_tile_overlayer_lowered:
.L_overlay_start_2:
0x454: {  	(tag) =	ssettag $0x2  }
0x455: {  	s0 =	rddreg [dreg:$0x0];
	s2 =	stileid.u32  }
0x456: {  	s1 =	rddreg [dreg:$0x1];
	p0 =	sne.s32 s2, $0x0  }
0x457: {  	s3 =	rddreg [dreg:$0x2];
	[bflag:$0x3] =	sbarrier.arrive $0xFFFF;
	s2 =	simm.s32 @!p0 $0x1C02  }
0x458: {  	[timem:s3], [sflag:s2] =	dma.local @!p0 [hbm:s0], s1  }
0x459: {  	s0 =	simm.s32 @!p0 $0x2  }
0x45a: {  	_ =	swait.ge @!p0 [sflag:s0], s1  }
0x45b: {  	s1 =	ssub.s32 @!p0 $0x0, s1;
	[sflag:s0] =	ssyncset.done @!p0 $0x0  }
0x45c: {  	[sflag:s0] =	ssyncadd.s32 @!p0 s1  }
0x45d: {  	[bflag:$0x3] =	sbarrier.arrive $0xFFFF  }
0x45e: {  	_ =	shalt  }

</sc_bundles>
